<compile_context>
chip_gen: v7x
topology: tpu7x:2x2x1
jax: 0.10.2.dev20260603
libtpu: 0.0.44.dev20260713+nightly
codegen_flags: <defaults>
</compile_context>

<pallas_src>
import functools

import jax
import jax.numpy as jnp
from jax import lax
from jax.experimental import pallas as pl
from jax.experimental.pallas import tpu as pltpu
from jax.experimental.pallas import tpu_sc as plsc

B, S, E = 4, 8192, 64
L = 16
NC, NS = 2, 16
NW = NC * NS
CHUNK = (B * S) // NW
W_PER_ROW = NW // B
NBLK = CHUNK // L
GCH = 128
NG = CHUNK // GCH
K = 1024

_mesh = plsc.VectorSubcoreMesh(core_axis_name="c", subcore_axis_name="s")


@functools.partial(
    pl.kernel,
    out_type=jax.ShapeDtypeStruct((B * S, E), jnp.float32),
    mesh=_mesh,
    scratch_types=[
        pltpu.VMEM((CHUNK,), jnp.int32),
        pltpu.VMEM((NG, GCH), jnp.int32),
        pltpu.VMEM((CHUNK, E), jnp.float32),
        pltpu.VMEM((L,), jnp.int32),
        pltpu.VMEM((NS, L), jnp.int32),
        pltpu.VMEM_SHARED((NS, L), jnp.int32),
    ] + [pltpu.SemaphoreType.DMA] * 3,
    compiler_params=pltpu.CompilerParams(
        needs_layout_passes=False, use_tc_tiling_on_sc=False
    ),
)
def _pos_embed(mask_hbm, table_hbm, out_hbm, mchunk, pos, rows,
               tstage, totals, shared_totals, *sems):
    gsems, ssem = sems[:2], sems[2]
    sid = lax.axis_index("s")
    wid = lax.axis_index("c") * NS + sid
    chunkid = sid % W_PER_ROW
    rowhalf = sid // W_PER_ROW

    pltpu.sync_copy(mask_hbm.at[pl.ds(wid * CHUNK, CHUNK)], mchunk)

    def _acc(i, acc):
        return acc + mchunk[pl.ds(i * L, L)]

    acc = lax.fori_loop(0, NBLK, _acc, jnp.zeros((L,), jnp.int32))
    total = jnp.sum(acc)

    tstage[...] = jnp.broadcast_to(total, (L,))
    pltpu.sync_copy(tstage, shared_totals.at[sid])
    plsc.subcore_barrier()
    pltpu.sync_copy(shared_totals, totals)

    iota_v = lax.iota(jnp.int32, L)
    row_v = rowhalf * W_PER_ROW + jnp.minimum(iota_v, W_PER_ROW - 1)
    tot_v = plsc.load_gather(totals, [row_v, jnp.zeros((L,), jnp.int32)])
    base0 = jnp.sum(jnp.where(iota_v < chunkid, tot_v, 0))

    def _blocks(j, base):
        for k in range(GCH // L):
            i = j * (GCH // L) + k
            v = mchunk[pl.ds(i * L, L)]
            cs = plsc.cumsum(v) + base
            q = jnp.minimum(cs, S - 1)
            alt = S + ((lax.iota(jnp.int32, L) + i * L + wid * 8) & (K - 1))
            pos[j, pl.ds(k * L, L)] = jnp.where(v > 0, q, alt)
            base = cs[L - 1]
        return base

    def _gather(j):
        return pltpu.async_copy(
            table_hbm.at[pos.at[j]], rows.at[pl.ds(j * GCH, GCH)], gsems[j // half]
        )

    def _scatter(j):
        return pltpu.async_copy(
            rows.at[pl.ds(j * GCH, GCH)],
            out_hbm.at[pl.ds(wid * CHUNK + j * GCH, GCH)],
            ssem,
        )

    half = NG // 2
    base = base0
    g = []
    for j in range(half):
        base = _blocks(j, base)
        g.append(_gather(j))
    for j in range(half, NG):
        base = _blocks(j, base)
        g.append(_gather(j))
    sc = []
    for j in range(half):
        g[j].wait()
    for j in range(half):
        sc.append(_scatter(j))
    for j in range(half, NG):
        g[j].wait()
    for j in range(half, NG):
        sc.append(_scatter(j))
    for cp in sc:
        cp.wait()


def kernel(input, mask, table):
    del input
    table_aug = jnp.concatenate(
        [table, jnp.broadcast_to(table[0:1], (K, E))], axis=0
    )
    out = _pos_embed(mask.reshape(-1), table_aug)
    return out.reshape(B, S, E)

# --- scband reference (transcript-rebuilt; emitter-appended) ---
"""Pipeline reference for scband-learned-positional-embedding-5325759447811 (READ-ONLY COPY).

The authoritative reference and input builder live on the scoring server;
editing this copy changes nothing except your own understanding.
"""

import jax, jax.numpy as jnp
import numpy as np


def setup_inputs(seed: int = 0) -> dict:
    key = jax.random.key(seed)
    k1, k2, k3 = jax.random.split(key, 3)
    B, S, D = 4, 8192, 1024
    E = 64  # embedding_dim
    inp = jax.random.normal(k1, (B, S, D), dtype=jnp.float32)
    mask = jax.random.randint(k2, (B, S), 0, 2, dtype=jnp.int32)
    # Learned positional embedding table: num_embeddings = sequence_length (per module forward)
    table = jax.random.normal(k3, (S, E), dtype=jnp.float32) * 0.02
    return {"input": inp, "mask": mask, "table": table}


def reference(input, mask, table):
    # Faithful translation of LearnedPositionalEmbedding.forward:
    #   positions = cumsum(mask.long(), dim=1) * mask.long()
    #   return embedding(positions)
    m = mask.astype(jnp.int32)
    positions = jnp.cumsum(m, axis=1) * m
    out = jnp.take(table, positions, axis=0)
    return out

if __name__ == "__main__":
    import jax
    _d = setup_inputs()
    print(jax.jit(kernel)(*tuple(_d.values())))

</pallas_src>

<mosaic_0001>
#map = affine_map<(d0, d1) -> (0)>
#map1 = affine_map<(d0, d1) -> (0, 0)>
module attributes {stable_mosaic.version = 14 : i64} {
  func.func @_pos_embed(%arg0: i32, %arg1: i32, %arg2: memref<32768xi32, #tpu.memory_space<hbm>>, %arg3: memref<9216x64xf32, #tpu.memory_space<hbm>>, %arg4: memref<32768x64xf32, #tpu.memory_space<hbm>>, %arg5: memref<1024xi32, #tpu.memory_space<vmem>>, %arg6: memref<8x128xi32, #tpu.memory_space<vmem>>, %arg7: memref<1024x64xf32, #tpu.memory_space<vmem>>, %arg8: memref<16xi32, #tpu.memory_space<vmem>>, %arg9: memref<16x16xi32, #tpu.memory_space<vmem>>, %arg10: memref<16x16xi32, #tpu.memory_space<vmem_shared>>, %arg11: memref<!tpu.dma_semaphore, #tpu.memory_space<semaphore_mem>>, %arg12: memref<!tpu.dma_semaphore, #tpu.memory_space<semaphore_mem>>, %arg13: memref<!tpu.dma_semaphore, #tpu.memory_space<semaphore_mem>>) attributes {dimension_semantics = [#tpu.dimension_semantics<core_parallel>, #tpu.dimension_semantics<subcore_parallel>], iteration_bounds = array<i64: 2, 16>, scalar_prefetch = 0 : i64, scratch_operands = 9 : i64, tpu.core_type = #tpu.core_type<sc_vector_subcore>, window_params = [{transform_indices = #map}, {transform_indices = #map1}, {transform_indices = #map1}]} {
    %mul3A = arith.constant 16 : i32
    %mul3A_0 = arith.muli %arg0, %mul3A : i32
    %add3A = arith.addi %mul3A_0, %arg1 : i32
    %jit3A = arith.constant 8 : i32
    %eq3A = arith.constant 0 : i32
    %eq3A_1 = arith.cmpi eq, %jit3A, %eq3A : i32
    %jit3A_2 = arith.constant 1 : i32
    %select_n3A = arith.select %eq3A_1, %jit3A_2, %jit3A : i32
    %rem3A = arith.remsi %arg1, %select_n3A : i32
    %ne3A = arith.constant 0 : i32
    %ne3A_3 = arith.cmpi ne, %rem3A, %ne3A : i32
    %lt3A = arith.constant 0 : i32
    %lt3A_4 = arith.cmpi slt, %rem3A, %lt3A : i32
    %lt3A_5 = arith.constant 0 : i32
    %lt3A_6 = arith.cmpi slt, %select_n3A, %lt3A_5 : i32
    %ne3A_7 = arith.xori %lt3A_4, %lt3A_6 : i1
    %and3A = arith.andi %ne3A_7, %ne3A_3 : i1
    %add3A_8 = arith.addi %rem3A, %select_n3A : i32
    %select_n3A_9 = arith.select %and3A, %add3A_8, %rem3A : i32
    %jit3A_10 = arith.constant 8 : i32
    %div3A = arith.divsi %arg1, %jit3A_10 : i32
    %sign3A = arith.constant 0 : i32
    %sign3A_11 = arith.cmpi sgt, %arg1, %sign3A : i32
    %sign3A_12 = arith.extui %sign3A_11 : i1 to i32
    %sign3A_13 = arith.constant 0 : i32
    %sign3A_14 = arith.cmpi slt, %arg1, %sign3A_13 : i32
    %sign3A_15 = arith.extui %sign3A_14 : i1 to i32
    %sign3A_16 = arith.subi %sign3A_12, %sign3A_15 : i32
    %sign3A_17 = arith.constant 0 : i32
    %sign3A_18 = arith.cmpi sgt, %jit3A_10, %sign3A_17 : i32
    %sign3A_19 = arith.extui %sign3A_18 : i1 to i32
    %sign3A_20 = arith.constant 0 : i32
    %sign3A_21 = arith.cmpi slt, %jit3A_10, %sign3A_20 : i32
    %sign3A_22 = arith.extui %sign3A_21 : i1 to i32
    %sign3A_23 = arith.subi %sign3A_19, %sign3A_22 : i32
    %ne3A_24 = arith.cmpi ne, %sign3A_16, %sign3A_23 : i32
    %rem3A_25 = arith.remsi %arg1, %jit3A_10 : i32
    %ne3A_26 = arith.constant 0 : i32
    %ne3A_27 = arith.cmpi ne, %rem3A_25, %ne3A_26 : i32
    %and3A_28 = arith.andi %ne3A_24, %ne3A_27 : i1
    %sub3A = arith.constant 1 : i32
    %sub3A_29 = arith.subi %div3A, %sub3A : i32
    %select_n3A_30 = arith.select %and3A_28, %sub3A_29, %div3A : i32
    %mul3A_31 = arith.constant 1024 : i32
    %mul3A_32 = arith.muli %add3A, %mul3A_31 : i32
    "tpu.region"() ({
      %run_scoped3A = tpu.sem_alloc : memref<!tpu.dma_semaphore, #tpu.memory_space<semaphore_mem>>
      %dma_start3A_2582 = tpu.memref_slice %arg2[%mul3A_32] : memref<32768xi32, #tpu.memory_space<hbm>> -> memref<1024xi32, #tpu.memory_space<hbm>>
      %dma_start3A_2583 = tpu.memref_slice %arg2[%mul3A_32] : memref<32768xi32, #tpu.memory_space<hbm>> -> memref<1024xi32, #tpu.memory_space<hbm>>
      tpu.enqueue_dma source(%dma_start3A_2583 : memref<1024xi32, #tpu.memory_space<hbm>>) target(%arg5 : memref<1024xi32, #tpu.memory_space<vmem>>) target_semaphore(%run_scoped3A : memref<!tpu.dma_semaphore, #tpu.memory_space<semaphore_mem>>)
      %dma_wait3A_2584 = tpu.memref_slice %arg2[%mul3A_32] : memref<32768xi32, #tpu.memory_space<hbm>> -> memref<1024xi32, #tpu.memory_space<hbm>>
      %dma_wait3A_2585 = tpu.memref_slice %arg2[%mul3A_32] : memref<32768xi32, #tpu.memory_space<hbm>> -> memref<1024xi32, #tpu.memory_space<hbm>>
      tpu.wait_dma2 semaphore(%run_scoped3A : memref<!tpu.dma_semaphore, #tpu.memory_space<semaphore_mem>>) src(%dma_wait3A_2585 : memref<1024xi32, #tpu.memory_space<hbm>>) dst(%arg5 : memref<1024xi32, #tpu.memory_space<vmem>>)
      tpu.yield
    }) : () -> ()
    %broadcast_in_dim3A = arith.constant 0 : i32
    %broadcast_in_dim3A_33 = vector.broadcast %broadcast_in_dim3A : i32 to vector<16xi32>
    %scan3A = arith.constant 0 : i32
    %scan3A_34 = arith.constant 64 : i32
    %scan3A_35 = arith.addi %scan3A, %scan3A_34 : i32
    %scan3A_36 = arith.constant 1 : i32
    %scan3A_37 = scf.for %scan3A_2582 = %scan3A to %scan3A_35 step %scan3A_36 iter_args(%scan3A_2583 = %broadcast_in_dim3A_33) -> (vector<16xi32>)  : i32 {
      %mul3A_2584 = arith.constant 16 : i32
      %mul3A_2585 = arith.muli %scan3A_2582, %mul3A_2584 : i32
      %get3A_2586 = arith.index_cast %mul3A_2585 : i32 to index
      %get3A_2587 = tpu.vector_load %arg5[%get3A_2586] {strides = array<i32>} : memref<1024xi32, #tpu.memory_space<vmem>>, vector<16xi32>,
      %add3A_2588 = arith.addi %scan3A_2583, %get3A_2587 : vector<16xi32>
      scf.yield %add3A_2588 : vector<16xi32>
    }
    %scan3A_38 = arith.constant 64 : i32
    %reduce_sum3A = arith.constant true
    %reduce_sum3A_39 = vector.broadcast %reduce_sum3A : i1 to vector<16xi1>
    %reduce_sum3A_40 = tpu.scan <sum>, %scan3A_37 masked %reduce_sum3A_39 : vector<16xi32>, vector<16xi1> -> vector<16xi32>
    %reduce_sum3A_41 = vector.extract %reduce_sum3A_40[15] : i32 from vector<16xi32>
    %broadcast_in_dim3A_42 = vector.broadcast %reduce_sum3A_41 : i32 to vector<16xi32>
    %swap3A = arith.constant 0 : index
    %swap3A_43 = tpu.vector_load %arg8[%swap3A] {strides = array<i32>} : memref<16xi32, #tpu.memory_space<vmem>>, vector<16xi32>,
    tpu.vector_store %arg8[%swap3A], %broadcast_in_dim3A_42 {strides = array<i32>} : memref<16xi32, #tpu.memory_space<vmem>>, vector<16xi32>,
    "tpu.region"() ({
      %run_scoped3A = tpu.sem_alloc : memref<!tpu.dma_semaphore, #tpu.memory_space<semaphore_mem>>
      %dma_start3A_2582 = arith.constant 0 : i32
      %dma_start3A_2583 = tpu.memref_slice %arg10[%arg1, %dma_start3A_2582] : memref<16x16xi32, #tpu.memory_space<vmem_shared>> -> memref<1x16xi32, #tpu.memory_space<vmem_shared>>
      %dma_start3A_2584 = tpu.memref_squeeze %dma_start3A_2583 : memref<1x16xi32, #tpu.memory_space<vmem_shared>> -> memref<16xi32, #tpu.memory_space<vmem_shared>>
      %dma_start3A_2585 = arith.constant 0 : i32
      %dma_start3A_2586 = tpu.memref_slice %arg10[%arg1, %dma_start3A_2585] : memref<16x16xi32, #tpu.memory_space<vmem_shared>> -> memref<1x16xi32, #tpu.memory_space<vmem_shared>>
      %dma_start3A_2587 = tpu.memref_squeeze %dma_start3A_2586 : memref<1x16xi32, #tpu.memory_space<vmem_shared>> -> memref<16xi32, #tpu.memory_space<vmem_shared>>
      tpu.enqueue_dma source(%arg8 : memref<16xi32, #tpu.memory_space<vmem>>) target(%dma_start3A_2587 : memref<16xi32, #tpu.memory_space<vmem_shared>>) target_semaphore(%run_scoped3A : memref<!tpu.dma_semaphore, #tpu.memory_space<semaphore_mem>>)
      %dma_wait3A_2588 = arith.constant 0 : i32
      %dma_wait3A_2589 = tpu.memref_slice %arg10[%arg1, %dma_wait3A_2588] : memref<16x16xi32, #tpu.memory_space<vmem_shared>> -> memref<1x16xi32, #tpu.memory_space<vmem_shared>>
      %dma_wait3A_2590 = tpu.memref_squeeze %dma_wait3A_2589 : memref<1x16xi32, #tpu.memory_space<vmem_shared>> -> memref<16xi32, #tpu.memory_space<vmem_shared>>
      %dma_wait3A_2591 = arith.constant 0 : i32
      %dma_wait3A_2592 = tpu.memref_slice %arg10[%arg1, %dma_wait3A_2591] : memref<16x16xi32, #tpu.memory_space<vmem_shared>> -> memref<1x16xi32, #tpu.memory_space<vmem_shared>>
      %dma_wait3A_2593 = tpu.memref_squeeze %dma_wait3A_2592 : memref<1x16xi32, #tpu.memory_space<vmem_shared>> -> memref<16xi32, #tpu.memory_space<vmem_shared>>
      tpu.wait_dma2 semaphore(%run_scoped3A : memref<!tpu.dma_semaphore, #tpu.memory_space<semaphore_mem>>) src(%arg8 : memref<16xi32, #tpu.memory_space<vmem>>) dst(%dma_wait3A_2593 : memref<16xi32, #tpu.memory_space<vmem_shared>>)
      tpu.yield
    }) : () -> ()
    %barrier3A = arith.constant 0 : index
    tpu.barrier barrier_id(%barrier3A)
    "tpu.region"() ({
      %run_scoped3A = tpu.sem_alloc : memref<!tpu.dma_semaphore, #tpu.memory_space<semaphore_mem>>
      tpu.enqueue_dma source(%arg10 : memref<16x16xi32, #tpu.memory_space<vmem_shared>>) target(%arg9 : memref<16x16xi32, #tpu.memory_space<vmem>>) target_semaphore(%run_scoped3A : memref<!tpu.dma_semaphore, #tpu.memory_space<semaphore_mem>>)
      tpu.wait_dma2 semaphore(%run_scoped3A : memref<!tpu.dma_semaphore, #tpu.memory_space<semaphore_mem>>) src(%arg10 : memref<16x16xi32, #tpu.memory_space<vmem_shared>>) dst(%arg9 : memref<16x16xi32, #tpu.memory_space<vmem>>)
      tpu.yield
    }) : () -> ()
    %iota3A = tpu.iota {dimensions = array<i32: 0>} : vector<16xi32>
    %mul3A_44 = arith.constant 8 : i32
    %mul3A_45 = arith.muli %select_n3A_30, %mul3A_44 : i32
    %min3A = arith.constant 7 : i32
    %min3A_46 = vector.broadcast %min3A : i32 to vector<16xi32>
    %min3A_47 = arith.minsi %iota3A, %min3A_46 : vector<16xi32>
    %add3A_48 = vector.broadcast %mul3A_45 : i32 to vector<16xi32>
    %add3A_49 = arith.addi %add3A_48, %min3A_47 : vector<16xi32>
    %broadcast_in_dim3A_50 = arith.constant 0 : i32
    %broadcast_in_dim3A_51 = vector.broadcast %broadcast_in_dim3A_50 : i32 to vector<16xi32>
    %gather3A = tpu.vector_load_idx %arg9[%add3A_49, %broadcast_in_dim3A_51] : memref<16x16xi32, #tpu.memory_space<vmem>>[vector<16xi32>, vector<16xi32>], vector<16xi32>,
    %lt3A_52 = vector.broadcast %select_n3A_9 : i32 to vector<16xi32>
    %lt3A_53 = arith.cmpi slt, %iota3A, %lt3A_52 : vector<16xi32>
    %jit3A_54 = arith.constant 0 : i32
    %broadcast_in_dim3A_55 = vector.broadcast %jit3A_54 : i32 to vector<16xi32>
    %select_n3A_56 = arith.select %lt3A_53, %gather3A, %broadcast_in_dim3A_55 : vector<16xi1>, vector<16xi32>
    %reduce_sum3A_57 = arith.constant true
    %reduce_sum3A_58 = vector.broadcast %reduce_sum3A_57 : i1 to vector<16xi1>
    %reduce_sum3A_59 = tpu.scan <sum>, %select_n3A_56 masked %reduce_sum3A_58 : vector<16xi32>, vector<16xi1> -> vector<16xi32>
    %reduce_sum3A_60 = vector.extract %reduce_sum3A_59[15] : i32 from vector<16xi32>
    %get3A = arith.constant 0 : index
    %get3A_61 = tpu.vector_load %arg5[%get3A] {strides = array<i32>} : memref<1024xi32, #tpu.memory_space<vmem>>, vector<16xi32>,
    %broadcast_in_dim3A_62 = arith.constant true
    %broadcast_in_dim3A_63 = vector.broadcast %broadcast_in_dim3A_62 : i1 to vector<16xi1>
    %masked_cumsum3A = tpu.scan <sum>, %get3A_61 masked %broadcast_in_dim3A_63 : vector<16xi32>, vector<16xi1> -> vector<16xi32>
    %add3A_64 = vector.broadcast %reduce_sum3A_60 : i32 to vector<16xi32>
    %add3A_65 = arith.addi %masked_cumsum3A, %add3A_64 : vector<16xi32>
    %min3A_66 = arith.constant 8191 : i32
    %min3A_67 = vector.broadcast %min3A_66 : i32 to vector<16xi32>
    %min3A_68 = arith.minsi %add3A_65, %min3A_67 : vector<16xi32>
    %iota3A_69 = tpu.iota {dimensions = array<i32: 0>} : vector<16xi32>
    %add3A_70 = arith.constant 0 : i32
    %add3A_71 = vector.broadcast %add3A_70 : i32 to vector<16xi32>
    %add3A_72 = arith.addi %iota3A_69, %add3A_71 : vector<16xi32>
    %mul3A_73 = arith.constant 8 : i32
    %mul3A_74 = arith.muli %add3A, %mul3A_73 : i32
    %add3A_75 = vector.broadcast %mul3A_74 : i32 to vector<16xi32>
    %add3A_76 = arith.addi %add3A_72, %add3A_75 : vector<16xi32>
    %and3A_77 = arith.constant 1023 : i32
    %and3A_78 = vector.broadcast %and3A_77 : i32 to vector<16xi32>
    %and3A_79 = arith.andi %add3A_76, %and3A_78 : vector<16xi32>
    %add3A_80 = arith.constant 8192 : i32
    %add3A_81 = vector.broadcast %add3A_80 : i32 to vector<16xi32>
    %add3A_82 = arith.addi %add3A_81, %and3A_79 : vector<16xi32>
    %gt3A = arith.constant 0 : i32
    %gt3A_83 = vector.broadcast %gt3A : i32 to vector<16xi32>
    %gt3A_84 = arith.cmpi sgt, %get3A_61, %gt3A_83 : vector<16xi32>
    %select_n3A_85 = arith.select %gt3A_84, %min3A_68, %add3A_82 : vector<16xi1>, vector<16xi32>
    %swap3A_86 = arith.constant 0 : i32
    %swap3A_87 = arith.index_cast %swap3A_86 : i32 to index
    %swap3A_88 = arith.constant 0 : index
    %swap3A_89 = tpu.vector_load %arg6[%swap3A_87, %swap3A_88] {strides = array<i32>} : memref<8x128xi32, #tpu.memory_space<vmem>>, vector<16xi32>,
    tpu.vector_store %arg6[%swap3A_87, %swap3A_88], %select_n3A_85 {strides = array<i32>} : memref<8x128xi32, #tpu.memory_space<vmem>>, vector<16xi32>,
    %slice3A = vector.extract_strided_slice %add3A_65 {offsets = [15], sizes = [1], strides = [1]} : vector<16xi32> to vector<1xi32>
    %squeeze3A = vector.extract %slice3A[0] : i32 from vector<1xi32>
    %get3A_90 = arith.constant 16 : index
    %get3A_91 = tpu.vector_load %arg5[%get3A_90] {strides = array<i32>} : memref<1024xi32, #tpu.memory_space<vmem>>, vector<16xi32>,
    %broadcast_in_dim3A_92 = arith.constant true
    %broadcast_in_dim3A_93 = vector.broadcast %broadcast_in_dim3A_92 : i1 to vector<16xi1>
    %masked_cumsum3A_94 = tpu.scan <sum>, %get3A_91 masked %broadcast_in_dim3A_93 : vector<16xi32>, vector<16xi1> -> vector<16xi32>
    %add3A_95 = vector.broadcast %squeeze3A : i32 to vector<16xi32>
    %add3A_96 = arith.addi %masked_cumsum3A_94, %add3A_95 : vector<16xi32>
    %min3A_97 = arith.constant 8191 : i32
    %min3A_98 = vector.broadcast %min3A_97 : i32 to vector<16xi32>
    %min3A_99 = arith.minsi %add3A_96, %min3A_98 : vector<16xi32>
    %iota3A_100 = tpu.iota {dimensions = array<i32: 0>} : vector<16xi32>
    %add3A_101 = arith.constant 16 : i32
    %add3A_102 = vector.broadcast %add3A_101 : i32 to vector<16xi32>
    %add3A_103 = arith.addi %iota3A_100, %add3A_102 : vector<16xi32>
    %mul3A_104 = arith.constant 8 : i32
    %mul3A_105 = arith.muli %add3A, %mul3A_104 : i32
    %add3A_106 = vector.broadcast %mul3A_105 : i32 to vector<16xi32>
    %add3A_107 = arith.addi %add3A_103, %add3A_106 : vector<16xi32>
    %and3A_108 = arith.constant 1023 : i32
    %and3A_109 = vector.broadcast %and3A_108 : i32 to vector<16xi32>
    %and3A_110 = arith.andi %add3A_107, %and3A_109 : vector<16xi32>
    %add3A_111 = arith.constant 8192 : i32
    %add3A_112 = vector.broadcast %add3A_111 : i32 to vector<16xi32>
    %add3A_113 = arith.addi %add3A_112, %and3A_110 : vector<16xi32>
    %gt3A_114 = arith.constant 0 : i32
    %gt3A_115 = vector.broadcast %gt3A_114 : i32 to vector<16xi32>
    %gt3A_116 = arith.cmpi sgt, %get3A_91, %gt3A_115 : vector<16xi32>
    %select_n3A_117 = arith.select %gt3A_116, %min3A_99, %add3A_113 : vector<16xi1>, vector<16xi32>
    %swap3A_118 = arith.constant 0 : i32
    %swap3A_119 = arith.index_cast %swap3A_118 : i32 to index
    %swap3A_120 = arith.constant 16 : index
    %swap3A_121 = tpu.vector_load %arg6[%swap3A_119, %swap3A_120] {strides = array<i32>} : memref<8x128xi32, #tpu.memory_space<vmem>>, vector<16xi32>,
    tpu.vector_store %arg6[%swap3A_119, %swap3A_120], %select_n3A_117 {strides = array<i32>} : memref<8x128xi32, #tpu.memory_space<vmem>>, vector<16xi32>,
    %slice3A_122 = vector.extract_strided_slice %add3A_96 {offsets = [15], sizes = [1], strides = [1]} : vector<16xi32> to vector<1xi32>
    %squeeze3A_123 = vector.extract %slice3A_122[0] : i32 from vector<1xi32>
    %get3A_124 = arith.constant 32 : index
    %get3A_125 = tpu.vector_load %arg5[%get3A_124] {strides = array<i32>} : memref<1024xi32, #tpu.memory_space<vmem>>, vector<16xi32>,
    %broadcast_in_dim3A_126 = arith.constant true
    %broadcast_in_dim3A_127 = vector.broadcast %broadcast_in_dim3A_126 : i1 to vector<16xi1>
    %masked_cumsum3A_128 = tpu.scan <sum>, %get3A_125 masked %broadcast_in_dim3A_127 : vector<16xi32>, vector<16xi1> -> vector<16xi32>
    %add3A_129 = vector.broadcast %squeeze3A_123 : i32 to vector<16xi32>
    %add3A_130 = arith.addi %masked_cumsum3A_128, %add3A_129 : vector<16xi32>
    %min3A_131 = arith.constant 8191 : i32
    %min3A_132 = vector.broadcast %min3A_131 : i32 to vector<16xi32>
    %min3A_133 = arith.minsi %add3A_130, %min3A_132 : vector<16xi32>
    %iota3A_134 = tpu.iota {dimensions = array<i32: 0>} : vector<16xi32>
    %add3A_135 = arith.constant 32 : i32
    %add3A_136 = vector.broadcast %add3A_135 : i32 to vector<16xi32>
    %add3A_137 = arith.addi %iota3A_134, %add3A_136 : vector<16xi32>
    %mul3A_138 = arith.constant 8 : i32
    %mul3A_139 = arith.muli %add3A, %mul3A_138 : i32
    %add3A_140 = vector.broadcast %mul3A_139 : i32 to vector<16xi32>
    %add3A_141 = arith.addi %add3A_137, %add3A_140 : vector<16xi32>
    %and3A_142 = arith.constant 1023 : i32
    %and3A_143 = vector.broadcast %and3A_142 : i32 to vector<16xi32>
    %and3A_144 = arith.andi %add3A_141, %and3A_143 : vector<16xi32>
    %add3A_145 = arith.constant 8192 : i32
    %add3A_146 = vector.broadcast %add3A_145 : i32 to vector<16xi32>
    %add3A_147 = arith.addi %add3A_146, %and3A_144 : vector<16xi32>
    %gt3A_148 = arith.constant 0 : i32
    %gt3A_149 = vector.broadcast %gt3A_148 : i32 to vector<16xi32>
    %gt3A_150 = arith.cmpi sgt, %get3A_125, %gt3A_149 : vector<16xi32>
    %select_n3A_151 = arith.select %gt3A_150, %min3A_133, %add3A_147 : vector<16xi1>, vector<16xi32>
    %swap3A_152 = arith.constant 0 : i32
    %swap3A_153 = arith.index_cast %swap3A_152 : i32 to index
    %swap3A_154 = arith.constant 32 : index
    %swap3A_155 = tpu.vector_load %arg6[%swap3A_153, %swap3A_154] {strides = array<i32>} : memref<8x128xi32, #tpu.memory_space<vmem>>, vector<16xi32>,
    tpu.vector_store %arg6[%swap3A_153, %swap3A_154], %select_n3A_151 {strides = array<i32>} : memref<8x128xi32, #tpu.memory_space<vmem>>, vector<16xi32>,
    %slice3A_156 = vector.extract_strided_slice %add3A_130 {offsets = [15], sizes = [1], strides = [1]} : vector<16xi32> to vector<1xi32>
    %squeeze3A_157 = vector.extract %slice3A_156[0] : i32 from vector<1xi32>
    %get3A_158 = arith.constant 48 : index
    %get3A_159 = tpu.vector_load %arg5[%get3A_158] {strides = array<i32>} : memref<1024xi32, #tpu.memory_space<vmem>>, vector<16xi32>,
    %broadcast_in_dim3A_160 = arith.constant true
    %broadcast_in_dim3A_161 = vector.broadcast %broadcast_in_dim3A_160 : i1 to vector<16xi1>
    %masked_cumsum3A_162 = tpu.scan <sum>, %get3A_159 masked %broadcast_in_dim3A_161 : vector<16xi32>, vector<16xi1> -> vector<16xi32>
    %add3A_163 = vector.broadcast %squeeze3A_157 : i32 to vector<16xi32>
    %add3A_164 = arith.addi %masked_cumsum3A_162, %add3A_163 : vector<16xi32>
    %min3A_165 = arith.constant 8191 : i32
    %min3A_166 = vector.broadcast %min3A_165 : i32 to vector<16xi32>
    %min3A_167 = arith.minsi %add3A_164, %min3A_166 : vector<16xi32>
    %iota3A_168 = tpu.iota {dimensions = array<i32: 0>} : vector<16xi32>
    %add3A_169 = arith.constant 48 : i32
    %add3A_170 = vector.broadcast %add3A_169 : i32 to vector<16xi32>
    %add3A_171 = arith.addi %iota3A_168, %add3A_170 : vector<16xi32>
    %mul3A_172 = arith.constant 8 : i32
    %mul3A_173 = arith.muli %add3A, %mul3A_172 : i32
    %add3A_174 = vector.broadcast %mul3A_173 : i32 to vector<16xi32>
    %add3A_175 = arith.addi %add3A_171, %add3A_174 : vector<16xi32>
    %and3A_176 = arith.constant 1023 : i32
    %and3A_177 = vector.broadcast %and3A_176 : i32 to vector<16xi32>
    %and3A_178 = arith.andi %add3A_175, %and3A_177 : vector<16xi32>
    %add3A_179 = arith.constant 8192 : i32
    %add3A_180 = vector.broadcast %add3A_179 : i32 to vector<16xi32>
    %add3A_181 = arith.addi %add3A_180, %and3A_178 : vector<16xi32>
    %gt3A_182 = arith.constant 0 : i32
    %gt3A_183 = vector.broadcast %gt3A_182 : i32 to vector<16xi32>
    %gt3A_184 = arith.cmpi sgt, %get3A_159, %gt3A_183 : vector<16xi32>
    %select_n3A_185 = arith.select %gt3A_184, %min3A_167, %add3A_181 : vector<16xi1>, vector<16xi32>
    %swap3A_186 = arith.constant 0 : i32
    %swap3A_187 = arith.index_cast %swap3A_186 : i32 to index
    %swap3A_188 = arith.constant 48 : index
    %swap3A_189 = tpu.vector_load %arg6[%swap3A_187, %swap3A_188] {strides = array<i32>} : memref<8x128xi32, #tpu.memory_space<vmem>>, vector<16xi32>,
    tpu.vector_store %arg6[%swap3A_187, %swap3A_188], %select_n3A_185 {strides = array<i32>} : memref<8x128xi32, #tpu.memory_space<vmem>>, vector<16xi32>,
    %slice3A_190 = vector.extract_strided_slice %add3A_164 {offsets = [15], sizes = [1], strides = [1]} : vector<16xi32> to vector<1xi32>
    %squeeze3A_191 = vector.extract %slice3A_190[0] : i32 from vector<1xi32>
    %get3A_192 = arith.constant 64 : index
    %get3A_193 = tpu.vector_load %arg5[%get3A_192] {strides = array<i32>} : memref<1024xi32, #tpu.memory_space<vmem>>, vector<16xi32>,
    %broadcast_in_dim3A_194 = arith.constant true
    %broadcast_in_dim3A_195 = vector.broadcast %broadcast_in_dim3A_194 : i1 to vector<16xi1>
    %masked_cumsum3A_196 = tpu.scan <sum>, %get3A_193 masked %broadcast_in_dim3A_195 : vector<16xi32>, vector<16xi1> -> vector<16xi32>
    %add3A_197 = vector.broadcast %squeeze3A_191 : i32 to vector<16xi32>
    %add3A_198 = arith.addi %masked_cumsum3A_196, %add3A_197 : vector<16xi32>
    %min3A_199 = arith.constant 8191 : i32
    %min3A_200 = vector.broadcast %min3A_199 : i32 to vector<16xi32>
    %min3A_201 = arith.minsi %add3A_198, %min3A_200 : vector<16xi32>
    %iota3A_202 = tpu.iota {dimensions = array<i32: 0>} : vector<16xi32>
    %add3A_203 = arith.constant 64 : i32
    %add3A_204 = vector.broadcast %add3A_203 : i32 to vector<16xi32>
    %add3A_205 = arith.addi %iota3A_202, %add3A_204 : vector<16xi32>
    %mul3A_206 = arith.constant 8 : i32
    %mul3A_207 = arith.muli %add3A, %mul3A_206 : i32
    %add3A_208 = vector.broadcast %mul3A_207 : i32 to vector<16xi32>
    %add3A_209 = arith.addi %add3A_205, %add3A_208 : vector<16xi32>
    %and3A_210 = arith.constant 1023 : i32
    %and3A_211 = vector.broadcast %and3A_210 : i32 to vector<16xi32>
    %and3A_212 = arith.andi %add3A_209, %and3A_211 : vector<16xi32>
    %add3A_213 = arith.constant 8192 : i32
    %add3A_214 = vector.broadcast %add3A_213 : i32 to vector<16xi32>
    %add3A_215 = arith.addi %add3A_214, %and3A_212 : vector<16xi32>
    %gt3A_216 = arith.constant 0 : i32
    %gt3A_217 = vector.broadcast %gt3A_216 : i32 to vector<16xi32>
    %gt3A_218 = arith.cmpi sgt, %get3A_193, %gt3A_217 : vector<16xi32>
    %select_n3A_219 = arith.select %gt3A_218, %min3A_201, %add3A_215 : vector<16xi1>, vector<16xi32>
    %swap3A_220 = arith.constant 0 : i32
    %swap3A_221 = arith.index_cast %swap3A_220 : i32 to index
    %swap3A_222 = arith.constant 64 : index
    %swap3A_223 = tpu.vector_load %arg6[%swap3A_221, %swap3A_222] {strides = array<i32>} : memref<8x128xi32, #tpu.memory_space<vmem>>, vector<16xi32>,
    tpu.vector_store %arg6[%swap3A_221, %swap3A_222], %select_n3A_219 {strides = array<i32>} : memref<8x128xi32, #tpu.memory_space<vmem>>, vector<16xi32>,
    %slice3A_224 = vector.extract_strided_slice %add3A_198 {offsets = [15], sizes = [1], strides = [1]} : vector<16xi32> to vector<1xi32>
    %squeeze3A_225 = vector.extract %slice3A_224[0] : i32 from vector<1xi32>
    %get3A_226 = arith.constant 80 : index
    %get3A_227 = tpu.vector_load %arg5[%get3A_226] {strides = array<i32>} : memref<1024xi32, #tpu.memory_space<vmem>>, vector<16xi32>,
    %broadcast_in_dim3A_228 = arith.constant true
    %broadcast_in_dim3A_229 = vector.broadcast %broadcast_in_dim3A_228 : i1 to vector<16xi1>
    %masked_cumsum3A_230 = tpu.scan <sum>, %get3A_227 masked %broadcast_in_dim3A_229 : vector<16xi32>, vector<16xi1> -> vector<16xi32>
    %add3A_231 = vector.broadcast %squeeze3A_225 : i32 to vector<16xi32>
    %add3A_232 = arith.addi %masked_cumsum3A_230, %add3A_231 : vector<16xi32>
    %min3A_233 = arith.constant 8191 : i32
    %min3A_234 = vector.broadcast %min3A_233 : i32 to vector<16xi32>
    %min3A_235 = arith.minsi %add3A_232, %min3A_234 : vector<16xi32>
    %iota3A_236 = tpu.iota {dimensions = array<i32: 0>} : vector<16xi32>
    %add3A_237 = arith.constant 80 : i32
    %add3A_238 = vector.broadcast %add3A_237 : i32 to vector<16xi32>
    %add3A_239 = arith.addi %iota3A_236, %add3A_238 : vector<16xi32>
    %mul3A_240 = arith.constant 8 : i32
    %mul3A_241 = arith.muli %add3A, %mul3A_240 : i32
    %add3A_242 = vector.broadcast %mul3A_241 : i32 to vector<16xi32>
    %add3A_243 = arith.addi %add3A_239, %add3A_242 : vector<16xi32>
    %and3A_244 = arith.constant 1023 : i32
    %and3A_245 = vector.broadcast %and3A_244 : i32 to vector<16xi32>
    %and3A_246 = arith.andi %add3A_243, %and3A_245 : vector<16xi32>
    %add3A_247 = arith.constant 8192 : i32
    %add3A_248 = vector.broadcast %add3A_247 : i32 to vector<16xi32>
    %add3A_249 = arith.addi %add3A_248, %and3A_246 : vector<16xi32>
    %gt3A_250 = arith.constant 0 : i32
    %gt3A_251 = vector.broadcast %gt3A_250 : i32 to vector<16xi32>
    %gt3A_252 = arith.cmpi sgt, %get3A_227, %gt3A_251 : vector<16xi32>
    %select_n3A_253 = arith.select %gt3A_252, %min3A_235, %add3A_249 : vector<16xi1>, vector<16xi32>
    %swap3A_254 = arith.constant 0 : i32
    %swap3A_255 = arith.index_cast %swap3A_254 : i32 to index
    %swap3A_256 = arith.constant 80 : index
    %swap3A_257 = tpu.vector_load %arg6[%swap3A_255, %swap3A_256] {strides = array<i32>} : memref<8x128xi32, #tpu.memory_space<vmem>>, vector<16xi32>,
    tpu.vector_store %arg6[%swap3A_255, %swap3A_256], %select_n3A_253 {strides = array<i32>} : memref<8x128xi32, #tpu.memory_space<vmem>>, vector<16xi32>,
    %slice3A_258 = vector.extract_strided_slice %add3A_232 {offsets = [15], sizes = [1], strides = [1]} : vector<16xi32> to vector<1xi32>
    %squeeze3A_259 = vector.extract %slice3A_258[0] : i32 from vector<1xi32>
    %get3A_260 = arith.constant 96 : index
    %get3A_261 = tpu.vector_load %arg5[%get3A_260] {strides = array<i32>} : memref<1024xi32, #tpu.memory_space<vmem>>, vector<16xi32>,
    %broadcast_in_dim3A_262 = arith.constant true
    %broadcast_in_dim3A_263 = vector.broadcast %broadcast_in_dim3A_262 : i1 to vector<16xi1>
    %masked_cumsum3A_264 = tpu.scan <sum>, %get3A_261 masked %broadcast_in_dim3A_263 : vector<16xi32>, vector<16xi1> -> vector<16xi32>
    %add3A_265 = vector.broadcast %squeeze3A_259 : i32 to vector<16xi32>
    %add3A_266 = arith.addi %masked_cumsum3A_264, %add3A_265 : vector<16xi32>
    %min3A_267 = arith.constant 8191 : i32
    %min3A_268 = vector.broadcast %min3A_267 : i32 to vector<16xi32>
    %min3A_269 = arith.minsi %add3A_266, %min3A_268 : vector<16xi32>
    %iota3A_270 = tpu.iota {dimensions = array<i32: 0>} : vector<16xi32>
    %add3A_271 = arith.constant 96 : i32
    %add3A_272 = vector.broadcast %add3A_271 : i32 to vector<16xi32>
    %add3A_273 = arith.addi %iota3A_270, %add3A_272 : vector<16xi32>
    %mul3A_274 = arith.constant 8 : i32
    %mul3A_275 = arith.muli %add3A, %mul3A_274 : i32
    %add3A_276 = vector.broadcast %mul3A_275 : i32 to vector<16xi32>
    %add3A_277 = arith.addi %add3A_273, %add3A_276 : vector<16xi32>
    %and3A_278 = arith.constant 1023 : i32
    %and3A_279 = vector.broadcast %and3A_278 : i32 to vector<16xi32>
    %and3A_280 = arith.andi %add3A_277, %and3A_279 : vector<16xi32>
    %add3A_281 = arith.constant 8192 : i32
    %add3A_282 = vector.broadcast %add3A_281 : i32 to vector<16xi32>
    %add3A_283 = arith.addi %add3A_282, %and3A_280 : vector<16xi32>
    %gt3A_284 = arith.constant 0 : i32
    %gt3A_285 = vector.broadcast %gt3A_284 : i32 to vector<16xi32>
    %gt3A_286 = arith.cmpi sgt, %get3A_261, %gt3A_285 : vector<16xi32>
    %select_n3A_287 = arith.select %gt3A_286, %min3A_269, %add3A_283 : vector<16xi1>, vector<16xi32>
    %swap3A_288 = arith.constant 0 : i32
    %swap3A_289 = arith.index_cast %swap3A_288 : i32 to index
    %swap3A_290 = arith.constant 96 : index
    %swap3A_291 = tpu.vector_load %arg6[%swap3A_289, %swap3A_290] {strides = array<i32>} : memref<8x128xi32, #tpu.memory_space<vmem>>, vector<16xi32>,
    tpu.vector_store %arg6[%swap3A_289, %swap3A_290], %select_n3A_287 {strides = array<i32>} : memref<8x128xi32, #tpu.memory_space<vmem>>, vector<16xi32>,
    %slice3A_292 = vector.extract_strided_slice %add3A_266 {offsets = [15], sizes = [1], strides = [1]} : vector<16xi32> to vector<1xi32>
    %squeeze3A_293 = vector.extract %slice3A_292[0] : i32 from vector<1xi32>
    %get3A_294 = arith.constant 112 : index
    %get3A_295 = tpu.vector_load %arg5[%get3A_294] {strides = array<i32>} : memref<1024xi32, #tpu.memory_space<vmem>>, vector<16xi32>,
    %broadcast_in_dim3A_296 = arith.constant true
    %broadcast_in_dim3A_297 = vector.broadcast %broadcast_in_dim3A_296 : i1 to vector<16xi1>
    %masked_cumsum3A_298 = tpu.scan <sum>, %get3A_295 masked %broadcast_in_dim3A_297 : vector<16xi32>, vector<16xi1> -> vector<16xi32>
    %add3A_299 = vector.broadcast %squeeze3A_293 : i32 to vector<16xi32>
    %add3A_300 = arith.addi %masked_cumsum3A_298, %add3A_299 : vector<16xi32>
    %min3A_301 = arith.constant 8191 : i32
    %min3A_302 = vector.broadcast %min3A_301 : i32 to vector<16xi32>
    %min3A_303 = arith.minsi %add3A_300, %min3A_302 : vector<16xi32>
    %iota3A_304 = tpu.iota {dimensions = array<i32: 0>} : vector<16xi32>
    %add3A_305 = arith.constant 112 : i32
    %add3A_306 = vector.broadcast %add3A_305 : i32 to vector<16xi32>
    %add3A_307 = arith.addi %iota3A_304, %add3A_306 : vector<16xi32>
    %mul3A_308 = arith.constant 8 : i32
    %mul3A_309 = arith.muli %add3A, %mul3A_308 : i32
    %add3A_310 = vector.broadcast %mul3A_309 : i32 to vector<16xi32>
    %add3A_311 = arith.addi %add3A_307, %add3A_310 : vector<16xi32>
    %and3A_312 = arith.constant 1023 : i32
    %and3A_313 = vector.broadcast %and3A_312 : i32 to vector<16xi32>
    %and3A_314 = arith.andi %add3A_311, %and3A_313 : vector<16xi32>
    %add3A_315 = arith.constant 8192 : i32
    %add3A_316 = vector.broadcast %add3A_315 : i32 to vector<16xi32>
    %add3A_317 = arith.addi %add3A_316, %and3A_314 : vector<16xi32>
    %gt3A_318 = arith.constant 0 : i32
    %gt3A_319 = vector.broadcast %gt3A_318 : i32 to vector<16xi32>
    %gt3A_320 = arith.cmpi sgt, %get3A_295, %gt3A_319 : vector<16xi32>
    %select_n3A_321 = arith.select %gt3A_320, %min3A_303, %add3A_317 : vector<16xi1>, vector<16xi32>
    %swap3A_322 = arith.constant 0 : i32
    %swap3A_323 = arith.index_cast %swap3A_322 : i32 to index
    %swap3A_324 = arith.constant 112 : index
    %swap3A_325 = tpu.vector_load %arg6[%swap3A_323, %swap3A_324] {strides = array<i32>} : memref<8x128xi32, #tpu.memory_space<vmem>>, vector<16xi32>,
    tpu.vector_store %arg6[%swap3A_323, %swap3A_324], %select_n3A_321 {strides = array<i32>} : memref<8x128xi32, #tpu.memory_space<vmem>>, vector<16xi32>,
    %slice3A_326 = vector.extract_strided_slice %add3A_300 {offsets = [15], sizes = [1], strides = [1]} : vector<16xi32> to vector<1xi32>
    %squeeze3A_327 = vector.extract %slice3A_326[0] : i32 from vector<1xi32>
    %dma_start3A = arith.constant 0 : i32
    %dma_start3A_328 = arith.constant 0 : i32
    %dma_start3A_329 = arith.constant 0 : i32
    %dma_start3A_330 = tpu.memref_slice %arg7[%dma_start3A_328, %dma_start3A_329] : memref<1024x64xf32, #tpu.memory_space<vmem>> -> memref<128x64xf32, #tpu.memory_space<vmem>>
    %dma_start3A_331 = arith.constant 0 : i32
    %dma_start3A_332 = tpu.memref_slice %arg6[%dma_start3A, %dma_start3A_331] : memref<8x128xi32, #tpu.memory_space<vmem>> -> memref<1x128xi32, #tpu.memory_space<vmem>>
    %dma_start3A_333 = tpu.memref_squeeze %dma_start3A_332 : memref<1x128xi32, #tpu.memory_space<vmem>> -> memref<128xi32, #tpu.memory_space<vmem>>
    %dma_start3A_334 = arith.constant 0 : i32
    %dma_start3A_335 = arith.constant 0 : i32
    %dma_start3A_336 = tpu.memref_slice %arg3[%dma_start3A_334, %dma_start3A_335] : memref<9216x64xf32, #tpu.memory_space<hbm>> -> memref<9216x64xf32, #tpu.memory_space<hbm>>
    tpu.enqueue_indirect_dma source(%dma_start3A_336 : memref<9216x64xf32, #tpu.memory_space<hbm>>) target(%dma_start3A_330 : memref<128x64xf32, #tpu.memory_space<vmem>>) offsets(%dma_start3A_333 : memref<128xi32, #tpu.memory_space<vmem>>) semaphore(%arg11 : memref<!tpu.dma_semaphore, #tpu.memory_space<semaphore_mem>>)
    %get3A_337 = arith.constant 128 : index
    %get3A_338 = tpu.vector_load %arg5[%get3A_337] {strides = array<i32>} : memref<1024xi32, #tpu.memory_space<vmem>>, vector<16xi32>,
    %broadcast_in_dim3A_339 = arith.constant true
    %broadcast_in_dim3A_340 = vector.broadcast %broadcast_in_dim3A_339 : i1 to vector<16xi1>
    %masked_cumsum3A_341 = tpu.scan <sum>, %get3A_338 masked %broadcast_in_dim3A_340 : vector<16xi32>, vector<16xi1> -> vector<16xi32>
    %add3A_342 = vector.broadcast %squeeze3A_327 : i32 to vector<16xi32>
    %add3A_343 = arith.addi %masked_cumsum3A_341, %add3A_342 : vector<16xi32>
    %min3A_344 = arith.constant 8191 : i32
    %min3A_345 = vector.broadcast %min3A_344 : i32 to vector<16xi32>
    %min3A_346 = arith.minsi %add3A_343, %min3A_345 : vector<16xi32>
    %iota3A_347 = tpu.iota {dimensions = array<i32: 0>} : vector<16xi32>
    %add3A_348 = arith.constant 128 : i32
    %add3A_349 = vector.broadcast %add3A_348 : i32 to vector<16xi32>
    %add3A_350 = arith.addi %iota3A_347, %add3A_349 : vector<16xi32>
    %mul3A_351 = arith.constant 8 : i32
    %mul3A_352 = arith.muli %add3A, %mul3A_351 : i32
    %add3A_353 = vector.broadcast %mul3A_352 : i32 to vector<16xi32>
    %add3A_354 = arith.addi %add3A_350, %add3A_353 : vector<16xi32>
    %and3A_355 = arith.constant 1023 : i32
    %and3A_356 = vector.broadcast %and3A_355 : i32 to vector<16xi32>
    %and3A_357 = arith.andi %add3A_354, %and3A_356 : vector<16xi32>
    %add3A_358 = arith.constant 8192 : i32
    %add3A_359 = vector.broadcast %add3A_358 : i32 to vector<16xi32>
    %add3A_360 = arith.addi %add3A_359, %and3A_357 : vector<16xi32>
    %gt3A_361 = arith.constant 0 : i32
    %gt3A_362 = vector.broadcast %gt3A_361 : i32 to vector<16xi32>
    %gt3A_363 = arith.cmpi sgt, %get3A_338, %gt3A_362 : vector<16xi32>
    %select_n3A_364 = arith.select %gt3A_363, %min3A_346, %add3A_360 : vector<16xi1>, vector<16xi32>
    %swap3A_365 = arith.constant 1 : i32
    %swap3A_366 = arith.index_cast %swap3A_365 : i32 to index
    %swap3A_367 = arith.constant 0 : index
    %swap3A_368 = tpu.vector_load %arg6[%swap3A_366, %swap3A_367] {strides = array<i32>} : memref<8x128xi32, #tpu.memory_space<vmem>>, vector<16xi32>,
    tpu.vector_store %arg6[%swap3A_366, %swap3A_367], %select_n3A_364 {strides = array<i32>} : memref<8x128xi32, #tpu.memory_space<vmem>>, vector<16xi32>,
    %slice3A_369 = vector.extract_strided_slice %add3A_343 {offsets = [15], sizes = [1], strides = [1]} : vector<16xi32> to vector<1xi32>
    %squeeze3A_370 = vector.extract %slice3A_369[0] : i32 from vector<1xi32>
    %get3A_371 = arith.constant 144 : index
    %get3A_372 = tpu.vector_load %arg5[%get3A_371] {strides = array<i32>} : memref<1024xi32, #tpu.memory_space<vmem>>, vector<16xi32>,
    %broadcast_in_dim3A_373 = arith.constant true
    %broadcast_in_dim3A_374 = vector.broadcast %broadcast_in_dim3A_373 : i1 to vector<16xi1>
    %masked_cumsum3A_375 = tpu.scan <sum>, %get3A_372 masked %broadcast_in_dim3A_374 : vector<16xi32>, vector<16xi1> -> vector<16xi32>
    %add3A_376 = vector.broadcast %squeeze3A_370 : i32 to vector<16xi32>
    %add3A_377 = arith.addi %masked_cumsum3A_375, %add3A_376 : vector<16xi32>
    %min3A_378 = arith.constant 8191 : i32
    %min3A_379 = vector.broadcast %min3A_378 : i32 to vector<16xi32>
    %min3A_380 = arith.minsi %add3A_377, %min3A_379 : vector<16xi32>
    %iota3A_381 = tpu.iota {dimensions = array<i32: 0>} : vector<16xi32>
    %add3A_382 = arith.constant 144 : i32
    %add3A_383 = vector.broadcast %add3A_382 : i32 to vector<16xi32>
    %add3A_384 = arith.addi %iota3A_381, %add3A_383 : vector<16xi32>
    %mul3A_385 = arith.constant 8 : i32
    %mul3A_386 = arith.muli %add3A, %mul3A_385 : i32
    %add3A_387 = vector.broadcast %mul3A_386 : i32 to vector<16xi32>
    %add3A_388 = arith.addi %add3A_384, %add3A_387 : vector<16xi32>
    %and3A_389 = arith.constant 1023 : i32
    %and3A_390 = vector.broadcast %and3A_389 : i32 to vector<16xi32>
    %and3A_391 = arith.andi %add3A_388, %and3A_390 : vector<16xi32>
    %add3A_392 = arith.constant 8192 : i32
    %add3A_393 = vector.broadcast %add3A_392 : i32 to vector<16xi32>
    %add3A_394 = arith.addi %add3A_393, %and3A_391 : vector<16xi32>
    %gt3A_395 = arith.constant 0 : i32
    %gt3A_396 = vector.broadcast %gt3A_395 : i32 to vector<16xi32>
    %gt3A_397 = arith.cmpi sgt, %get3A_372, %gt3A_396 : vector<16xi32>
    %select_n3A_398 = arith.select %gt3A_397, %min3A_380, %add3A_394 : vector<16xi1>, vector<16xi32>
    %swap3A_399 = arith.constant 1 : i32
    %swap3A_400 = arith.index_cast %swap3A_399 : i32 to index
    %swap3A_401 = arith.constant 16 : index
    %swap3A_402 = tpu.vector_load %arg6[%swap3A_400, %swap3A_401] {strides = array<i32>} : memref<8x128xi32, #tpu.memory_space<vmem>>, vector<16xi32>,
    tpu.vector_store %arg6[%swap3A_400, %swap3A_401], %select_n3A_398 {strides = array<i32>} : memref<8x128xi32, #tpu.memory_space<vmem>>, vector<16xi32>,
    %slice3A_403 = vector.extract_strided_slice %add3A_377 {offsets = [15], sizes = [1], strides = [1]} : vector<16xi32> to vector<1xi32>
    %squeeze3A_404 = vector.extract %slice3A_403[0] : i32 from vector<1xi32>
    %get3A_405 = arith.constant 160 : index
    %get3A_406 = tpu.vector_load %arg5[%get3A_405] {strides = array<i32>} : memref<1024xi32, #tpu.memory_space<vmem>>, vector<16xi32>,
    %broadcast_in_dim3A_407 = arith.constant true
    %broadcast_in_dim3A_408 = vector.broadcast %broadcast_in_dim3A_407 : i1 to vector<16xi1>
    %masked_cumsum3A_409 = tpu.scan <sum>, %get3A_406 masked %broadcast_in_dim3A_408 : vector<16xi32>, vector<16xi1> -> vector<16xi32>
    %add3A_410 = vector.broadcast %squeeze3A_404 : i32 to vector<16xi32>
    %add3A_411 = arith.addi %masked_cumsum3A_409, %add3A_410 : vector<16xi32>
    %min3A_412 = arith.constant 8191 : i32
    %min3A_413 = vector.broadcast %min3A_412 : i32 to vector<16xi32>
    %min3A_414 = arith.minsi %add3A_411, %min3A_413 : vector<16xi32>
    %iota3A_415 = tpu.iota {dimensions = array<i32: 0>} : vector<16xi32>
    %add3A_416 = arith.constant 160 : i32
    %add3A_417 = vector.broadcast %add3A_416 : i32 to vector<16xi32>
    %add3A_418 = arith.addi %iota3A_415, %add3A_417 : vector<16xi32>
    %mul3A_419 = arith.constant 8 : i32
    %mul3A_420 = arith.muli %add3A, %mul3A_419 : i32
    %add3A_421 = vector.broadcast %mul3A_420 : i32 to vector<16xi32>
    %add3A_422 = arith.addi %add3A_418, %add3A_421 : vector<16xi32>
    %and3A_423 = arith.constant 1023 : i32
    %and3A_424 = vector.broadcast %and3A_423 : i32 to vector<16xi32>
    %and3A_425 = arith.andi %add3A_422, %and3A_424 : vector<16xi32>
    %add3A_426 = arith.constant 8192 : i32
    %add3A_427 = vector.broadcast %add3A_426 : i32 to vector<16xi32>
    %add3A_428 = arith.addi %add3A_427, %and3A_425 : vector<16xi32>
    %gt3A_429 = arith.constant 0 : i32
    %gt3A_430 = vector.broadcast %gt3A_429 : i32 to vector<16xi32>
    %gt3A_431 = arith.cmpi sgt, %get3A_406, %gt3A_430 : vector<16xi32>
    %select_n3A_432 = arith.select %gt3A_431, %min3A_414, %add3A_428 : vector<16xi1>, vector<16xi32>
    %swap3A_433 = arith.constant 1 : i32
    %swap3A_434 = arith.index_cast %swap3A_433 : i32 to index
    %swap3A_435 = arith.constant 32 : index
    %swap3A_436 = tpu.vector_load %arg6[%swap3A_434, %swap3A_435] {strides = array<i32>} : memref<8x128xi32, #tpu.memory_space<vmem>>, vector<16xi32>,
    tpu.vector_store %arg6[%swap3A_434, %swap3A_435], %select_n3A_432 {strides = array<i32>} : memref<8x128xi32, #tpu.memory_space<vmem>>, vector<16xi32>,
    %slice3A_437 = vector.extract_strided_slice %add3A_411 {offsets = [15], sizes = [1], strides = [1]} : vector<16xi32> to vector<1xi32>
    %squeeze3A_438 = vector.extract %slice3A_437[0] : i32 from vector<1xi32>
    %get3A_439 = arith.constant 176 : index
    %get3A_440 = tpu.vector_load %arg5[%get3A_439] {strides = array<i32>} : memref<1024xi32, #tpu.memory_space<vmem>>, vector<16xi32>,
    %broadcast_in_dim3A_441 = arith.constant true
    %broadcast_in_dim3A_442 = vector.broadcast %broadcast_in_dim3A_441 : i1 to vector<16xi1>
    %masked_cumsum3A_443 = tpu.scan <sum>, %get3A_440 masked %broadcast_in_dim3A_442 : vector<16xi32>, vector<16xi1> -> vector<16xi32>
    %add3A_444 = vector.broadcast %squeeze3A_438 : i32 to vector<16xi32>
    %add3A_445 = arith.addi %masked_cumsum3A_443, %add3A_444 : vector<16xi32>
    %min3A_446 = arith.constant 8191 : i32
    %min3A_447 = vector.broadcast %min3A_446 : i32 to vector<16xi32>
    %min3A_448 = arith.minsi %add3A_445, %min3A_447 : vector<16xi32>
    %iota3A_449 = tpu.iota {dimensions = array<i32: 0>} : vector<16xi32>
    %add3A_450 = arith.constant 176 : i32
    %add3A_451 = vector.broadcast %add3A_450 : i32 to vector<16xi32>
    %add3A_452 = arith.addi %iota3A_449, %add3A_451 : vector<16xi32>
    %mul3A_453 = arith.constant 8 : i32
    %mul3A_454 = arith.muli %add3A, %mul3A_453 : i32
    %add3A_455 = vector.broadcast %mul3A_454 : i32 to vector<16xi32>
    %add3A_456 = arith.addi %add3A_452, %add3A_455 : vector<16xi32>
    %and3A_457 = arith.constant 1023 : i32
    %and3A_458 = vector.broadcast %and3A_457 : i32 to vector<16xi32>
    %and3A_459 = arith.andi %add3A_456, %and3A_458 : vector<16xi32>
    %add3A_460 = arith.constant 8192 : i32
    %add3A_461 = vector.broadcast %add3A_460 : i32 to vector<16xi32>
    %add3A_462 = arith.addi %add3A_461, %and3A_459 : vector<16xi32>
    %gt3A_463 = arith.constant 0 : i32
    %gt3A_464 = vector.broadcast %gt3A_463 : i32 to vector<16xi32>
    %gt3A_465 = arith.cmpi sgt, %get3A_440, %gt3A_464 : vector<16xi32>
    %select_n3A_466 = arith.select %gt3A_465, %min3A_448, %add3A_462 : vector<16xi1>, vector<16xi32>
    %swap3A_467 = arith.constant 1 : i32
    %swap3A_468 = arith.index_cast %swap3A_467 : i32 to index
    %swap3A_469 = arith.constant 48 : index
    %swap3A_470 = tpu.vector_load %arg6[%swap3A_468, %swap3A_469] {strides = array<i32>} : memref<8x128xi32, #tpu.memory_space<vmem>>, vector<16xi32>,
    tpu.vector_store %arg6[%swap3A_468, %swap3A_469], %select_n3A_466 {strides = array<i32>} : memref<8x128xi32, #tpu.memory_space<vmem>>, vector<16xi32>,
    %slice3A_471 = vector.extract_strided_slice %add3A_445 {offsets = [15], sizes = [1], strides = [1]} : vector<16xi32> to vector<1xi32>
    %squeeze3A_472 = vector.extract %slice3A_471[0] : i32 from vector<1xi32>
    %get3A_473 = arith.constant 192 : index
    %get3A_474 = tpu.vector_load %arg5[%get3A_473] {strides = array<i32>} : memref<1024xi32, #tpu.memory_space<vmem>>, vector<16xi32>,
    %broadcast_in_dim3A_475 = arith.constant true
    %broadcast_in_dim3A_476 = vector.broadcast %broadcast_in_dim3A_475 : i1 to vector<16xi1>
    %masked_cumsum3A_477 = tpu.scan <sum>, %get3A_474 masked %broadcast_in_dim3A_476 : vector<16xi32>, vector<16xi1> -> vector<16xi32>
    %add3A_478 = vector.broadcast %squeeze3A_472 : i32 to vector<16xi32>
    %add3A_479 = arith.addi %masked_cumsum3A_477, %add3A_478 : vector<16xi32>
    %min3A_480 = arith.constant 8191 : i32
    %min3A_481 = vector.broadcast %min3A_480 : i32 to vector<16xi32>
    %min3A_482 = arith.minsi %add3A_479, %min3A_481 : vector<16xi32>
    %iota3A_483 = tpu.iota {dimensions = array<i32: 0>} : vector<16xi32>
    %add3A_484 = arith.constant 192 : i32
    %add3A_485 = vector.broadcast %add3A_484 : i32 to vector<16xi32>
    %add3A_486 = arith.addi %iota3A_483, %add3A_485 : vector<16xi32>
    %mul3A_487 = arith.constant 8 : i32
    %mul3A_488 = arith.muli %add3A, %mul3A_487 : i32
    %add3A_489 = vector.broadcast %mul3A_488 : i32 to vector<16xi32>
    %add3A_490 = arith.addi %add3A_486, %add3A_489 : vector<16xi32>
    %and3A_491 = arith.constant 1023 : i32
    %and3A_492 = vector.broadcast %and3A_491 : i32 to vector<16xi32>
    %and3A_493 = arith.andi %add3A_490, %and3A_492 : vector<16xi32>
    %add3A_494 = arith.constant 8192 : i32
    %add3A_495 = vector.broadcast %add3A_494 : i32 to vector<16xi32>
    %add3A_496 = arith.addi %add3A_495, %and3A_493 : vector<16xi32>
    %gt3A_497 = arith.constant 0 : i32
    %gt3A_498 = vector.broadcast %gt3A_497 : i32 to vector<16xi32>
    %gt3A_499 = arith.cmpi sgt, %get3A_474, %gt3A_498 : vector<16xi32>
    %select_n3A_500 = arith.select %gt3A_499, %min3A_482, %add3A_496 : vector<16xi1>, vector<16xi32>
    %swap3A_501 = arith.constant 1 : i32
    %swap3A_502 = arith.index_cast %swap3A_501 : i32 to index
    %swap3A_503 = arith.constant 64 : index
    %swap3A_504 = tpu.vector_load %arg6[%swap3A_502, %swap3A_503] {strides = array<i32>} : memref<8x128xi32, #tpu.memory_space<vmem>>, vector<16xi32>,
    tpu.vector_store %arg6[%swap3A_502, %swap3A_503], %select_n3A_500 {strides = array<i32>} : memref<8x128xi32, #tpu.memory_space<vmem>>, vector<16xi32>,
    %slice3A_505 = vector.extract_strided_slice %add3A_479 {offsets = [15], sizes = [1], strides = [1]} : vector<16xi32> to vector<1xi32>
    %squeeze3A_506 = vector.extract %slice3A_505[0] : i32 from vector<1xi32>
    %get3A_507 = arith.constant 208 : index
    %get3A_508 = tpu.vector_load %arg5[%get3A_507] {strides = array<i32>} : memref<1024xi32, #tpu.memory_space<vmem>>, vector<16xi32>,
    %broadcast_in_dim3A_509 = arith.constant true
    %broadcast_in_dim3A_510 = vector.broadcast %broadcast_in_dim3A_509 : i1 to vector<16xi1>
    %masked_cumsum3A_511 = tpu.scan <sum>, %get3A_508 masked %broadcast_in_dim3A_510 : vector<16xi32>, vector<16xi1> -> vector<16xi32>
    %add3A_512 = vector.broadcast %squeeze3A_506 : i32 to vector<16xi32>
    %add3A_513 = arith.addi %masked_cumsum3A_511, %add3A_512 : vector<16xi32>
    %min3A_514 = arith.constant 8191 : i32
    %min3A_515 = vector.broadcast %min3A_514 : i32 to vector<16xi32>
    %min3A_516 = arith.minsi %add3A_513, %min3A_515 : vector<16xi32>
    %iota3A_517 = tpu.iota {dimensions = array<i32: 0>} : vector<16xi32>
    %add3A_518 = arith.constant 208 : i32
    %add3A_519 = vector.broadcast %add3A_518 : i32 to vector<16xi32>
    %add3A_520 = arith.addi %iota3A_517, %add3A_519 : vector<16xi32>
    %mul3A_521 = arith.constant 8 : i32
    %mul3A_522 = arith.muli %add3A, %mul3A_521 : i32
    %add3A_523 = vector.broadcast %mul3A_522 : i32 to vector<16xi32>
    %add3A_524 = arith.addi %add3A_520, %add3A_523 : vector<16xi32>
    %and3A_525 = arith.constant 1023 : i32
    %and3A_526 = vector.broadcast %and3A_525 : i32 to vector<16xi32>
    %and3A_527 = arith.andi %add3A_524, %and3A_526 : vector<16xi32>
    %add3A_528 = arith.constant 8192 : i32
    %add3A_529 = vector.broadcast %add3A_528 : i32 to vector<16xi32>
    %add3A_530 = arith.addi %add3A_529, %and3A_527 : vector<16xi32>
    %gt3A_531 = arith.constant 0 : i32
    %gt3A_532 = vector.broadcast %gt3A_531 : i32 to vector<16xi32>
    %gt3A_533 = arith.cmpi sgt, %get3A_508, %gt3A_532 : vector<16xi32>
    %select_n3A_534 = arith.select %gt3A_533, %min3A_516, %add3A_530 : vector<16xi1>, vector<16xi32>
    %swap3A_535 = arith.constant 1 : i32
    %swap3A_536 = arith.index_cast %swap3A_535 : i32 to index
    %swap3A_537 = arith.constant 80 : index
    %swap3A_538 = tpu.vector_load %arg6[%swap3A_536, %swap3A_537] {strides = array<i32>} : memref<8x128xi32, #tpu.memory_space<vmem>>, vector<16xi32>,
    tpu.vector_store %arg6[%swap3A_536, %swap3A_537], %select_n3A_534 {strides = array<i32>} : memref<8x128xi32, #tpu.memory_space<vmem>>, vector<16xi32>,
    %slice3A_539 = vector.extract_strided_slice %add3A_513 {offsets = [15], sizes = [1], strides = [1]} : vector<16xi32> to vector<1xi32>
    %squeeze3A_540 = vector.extract %slice3A_539[0] : i32 from vector<1xi32>
    %get3A_541 = arith.constant 224 : index
    %get3A_542 = tpu.vector_load %arg5[%get3A_541] {strides = array<i32>} : memref<1024xi32, #tpu.memory_space<vmem>>, vector<16xi32>,
    %broadcast_in_dim3A_543 = arith.constant true
    %broadcast_in_dim3A_544 = vector.broadcast %broadcast_in_dim3A_543 : i1 to vector<16xi1>
    %masked_cumsum3A_545 = tpu.scan <sum>, %get3A_542 masked %broadcast_in_dim3A_544 : vector<16xi32>, vector<16xi1> -> vector<16xi32>
    %add3A_546 = vector.broadcast %squeeze3A_540 : i32 to vector<16xi32>
    %add3A_547 = arith.addi %masked_cumsum3A_545, %add3A_546 : vector<16xi32>
    %min3A_548 = arith.constant 8191 : i32
    %min3A_549 = vector.broadcast %min3A_548 : i32 to vector<16xi32>
    %min3A_550 = arith.minsi %add3A_547, %min3A_549 : vector<16xi32>
    %iota3A_551 = tpu.iota {dimensions = array<i32: 0>} : vector<16xi32>
    %add3A_552 = arith.constant 224 : i32
    %add3A_553 = vector.broadcast %add3A_552 : i32 to vector<16xi32>
    %add3A_554 = arith.addi %iota3A_551, %add3A_553 : vector<16xi32>
    %mul3A_555 = arith.constant 8 : i32
    %mul3A_556 = arith.muli %add3A, %mul3A_555 : i32
    %add3A_557 = vector.broadcast %mul3A_556 : i32 to vector<16xi32>
    %add3A_558 = arith.addi %add3A_554, %add3A_557 : vector<16xi32>
    %and3A_559 = arith.constant 1023 : i32
    %and3A_560 = vector.broadcast %and3A_559 : i32 to vector<16xi32>
    %and3A_561 = arith.andi %add3A_558, %and3A_560 : vector<16xi32>
    %add3A_562 = arith.constant 8192 : i32
    %add3A_563 = vector.broadcast %add3A_562 : i32 to vector<16xi32>
    %add3A_564 = arith.addi %add3A_563, %and3A_561 : vector<16xi32>
    %gt3A_565 = arith.constant 0 : i32
    %gt3A_566 = vector.broadcast %gt3A_565 : i32 to vector<16xi32>
    %gt3A_567 = arith.cmpi sgt, %get3A_542, %gt3A_566 : vector<16xi32>
    %select_n3A_568 = arith.select %gt3A_567, %min3A_550, %add3A_564 : vector<16xi1>, vector<16xi32>
    %swap3A_569 = arith.constant 1 : i32
    %swap3A_570 = arith.index_cast %swap3A_569 : i32 to index
    %swap3A_571 = arith.constant 96 : index
    %swap3A_572 = tpu.vector_load %arg6[%swap3A_570, %swap3A_571] {strides = array<i32>} : memref<8x128xi32, #tpu.memory_space<vmem>>, vector<16xi32>,
    tpu.vector_store %arg6[%swap3A_570, %swap3A_571], %select_n3A_568 {strides = array<i32>} : memref<8x128xi32, #tpu.memory_space<vmem>>, vector<16xi32>,
    %slice3A_573 = vector.extract_strided_slice %add3A_547 {offsets = [15], sizes = [1], strides = [1]} : vector<16xi32> to vector<1xi32>
    %squeeze3A_574 = vector.extract %slice3A_573[0] : i32 from vector<1xi32>
    %get3A_575 = arith.constant 240 : index
    %get3A_576 = tpu.vector_load %arg5[%get3A_575] {strides = array<i32>} : memref<1024xi32, #tpu.memory_space<vmem>>, vector<16xi32>,
    %broadcast_in_dim3A_577 = arith.constant true
    %broadcast_in_dim3A_578 = vector.broadcast %broadcast_in_dim3A_577 : i1 to vector<16xi1>
    %masked_cumsum3A_579 = tpu.scan <sum>, %get3A_576 masked %broadcast_in_dim3A_578 : vector<16xi32>, vector<16xi1> -> vector<16xi32>
    %add3A_580 = vector.broadcast %squeeze3A_574 : i32 to vector<16xi32>
    %add3A_581 = arith.addi %masked_cumsum3A_579, %add3A_580 : vector<16xi32>
    %min3A_582 = arith.constant 8191 : i32
    %min3A_583 = vector.broadcast %min3A_582 : i32 to vector<16xi32>
    %min3A_584 = arith.minsi %add3A_581, %min3A_583 : vector<16xi32>
    %iota3A_585 = tpu.iota {dimensions = array<i32: 0>} : vector<16xi32>
    %add3A_586 = arith.constant 240 : i32
    %add3A_587 = vector.broadcast %add3A_586 : i32 to vector<16xi32>
    %add3A_588 = arith.addi %iota3A_585, %add3A_587 : vector<16xi32>
    %mul3A_589 = arith.constant 8 : i32
    %mul3A_590 = arith.muli %add3A, %mul3A_589 : i32
    %add3A_591 = vector.broadcast %mul3A_590 : i32 to vector<16xi32>
    %add3A_592 = arith.addi %add3A_588, %add3A_591 : vector<16xi32>
    %and3A_593 = arith.constant 1023 : i32
    %and3A_594 = vector.broadcast %and3A_593 : i32 to vector<16xi32>
    %and3A_595 = arith.andi %add3A_592, %and3A_594 : vector<16xi32>
    %add3A_596 = arith.constant 8192 : i32
    %add3A_597 = vector.broadcast %add3A_596 : i32 to vector<16xi32>
    %add3A_598 = arith.addi %add3A_597, %and3A_595 : vector<16xi32>
    %gt3A_599 = arith.constant 0 : i32
    %gt3A_600 = vector.broadcast %gt3A_599 : i32 to vector<16xi32>
    %gt3A_601 = arith.cmpi sgt, %get3A_576, %gt3A_600 : vector<16xi32>
    %select_n3A_602 = arith.select %gt3A_601, %min3A_584, %add3A_598 : vector<16xi1>, vector<16xi32>
    %swap3A_603 = arith.constant 1 : i32
    %swap3A_604 = arith.index_cast %swap3A_603 : i32 to index
    %swap3A_605 = arith.constant 112 : index
    %swap3A_606 = tpu.vector_load %arg6[%swap3A_604, %swap3A_605] {strides = array<i32>} : memref<8x128xi32, #tpu.memory_space<vmem>>, vector<16xi32>,
    tpu.vector_store %arg6[%swap3A_604, %swap3A_605], %select_n3A_602 {strides = array<i32>} : memref<8x128xi32, #tpu.memory_space<vmem>>, vector<16xi32>,
    %slice3A_607 = vector.extract_strided_slice %add3A_581 {offsets = [15], sizes = [1], strides = [1]} : vector<16xi32> to vector<1xi32>
    %squeeze3A_608 = vector.extract %slice3A_607[0] : i32 from vector<1xi32>
    %dma_start3A_609 = arith.constant 1 : i32
    %dma_start3A_610 = arith.constant 128 : i32
    %dma_start3A_611 = arith.constant 0 : i32
    %dma_start3A_612 = tpu.memref_slice %arg7[%dma_start3A_610, %dma_start3A_611] : memref<1024x64xf32, #tpu.memory_space<vmem>> -> memref<128x64xf32, #tpu.memory_space<vmem>>
    %dma_start3A_613 = arith.constant 0 : i32
    %dma_start3A_614 = tpu.memref_slice %arg6[%dma_start3A_609, %dma_start3A_613] : memref<8x128xi32, #tpu.memory_space<vmem>> -> memref<1x128xi32, #tpu.memory_space<vmem>>
    %dma_start3A_615 = tpu.memref_squeeze %dma_start3A_614 : memref<1x128xi32, #tpu.memory_space<vmem>> -> memref<128xi32, #tpu.memory_space<vmem>>
    %dma_start3A_616 = arith.constant 0 : i32
    %dma_start3A_617 = arith.constant 0 : i32
    %dma_start3A_618 = tpu.memref_slice %arg3[%dma_start3A_616, %dma_start3A_617] : memref<9216x64xf32, #tpu.memory_space<hbm>> -> memref<9216x64xf32, #tpu.memory_space<hbm>>
    tpu.enqueue_indirect_dma source(%dma_start3A_618 : memref<9216x64xf32, #tpu.memory_space<hbm>>) target(%dma_start3A_612 : memref<128x64xf32, #tpu.memory_space<vmem>>) offsets(%dma_start3A_615 : memref<128xi32, #tpu.memory_space<vmem>>) semaphore(%arg11 : memref<!tpu.dma_semaphore, #tpu.memory_space<semaphore_mem>>)
    %get3A_619 = arith.constant 256 : index
    %get3A_620 = tpu.vector_load %arg5[%get3A_619] {strides = array<i32>} : memref<1024xi32, #tpu.memory_space<vmem>>, vector<16xi32>,
    %broadcast_in_dim3A_621 = arith.constant true
    %broadcast_in_dim3A_622 = vector.broadcast %broadcast_in_dim3A_621 : i1 to vector<16xi1>
    %masked_cumsum3A_623 = tpu.scan <sum>, %get3A_620 masked %broadcast_in_dim3A_622 : vector<16xi32>, vector<16xi1> -> vector<16xi32>
    %add3A_624 = vector.broadcast %squeeze3A_608 : i32 to vector<16xi32>
    %add3A_625 = arith.addi %masked_cumsum3A_623, %add3A_624 : vector<16xi32>
    %min3A_626 = arith.constant 8191 : i32
    %min3A_627 = vector.broadcast %min3A_626 : i32 to vector<16xi32>
    %min3A_628 = arith.minsi %add3A_625, %min3A_627 : vector<16xi32>
    %iota3A_629 = tpu.iota {dimensions = array<i32: 0>} : vector<16xi32>
    %add3A_630 = arith.constant 256 : i32
    %add3A_631 = vector.broadcast %add3A_630 : i32 to vector<16xi32>
    %add3A_632 = arith.addi %iota3A_629, %add3A_631 : vector<16xi32>
    %mul3A_633 = arith.constant 8 : i32
    %mul3A_634 = arith.muli %add3A, %mul3A_633 : i32
    %add3A_635 = vector.broadcast %mul3A_634 : i32 to vector<16xi32>
    %add3A_636 = arith.addi %add3A_632, %add3A_635 : vector<16xi32>
    %and3A_637 = arith.constant 1023 : i32
    %and3A_638 = vector.broadcast %and3A_637 : i32 to vector<16xi32>
    %and3A_639 = arith.andi %add3A_636, %and3A_638 : vector<16xi32>
    %add3A_640 = arith.constant 8192 : i32
    %add3A_641 = vector.broadcast %add3A_640 : i32 to vector<16xi32>
    %add3A_642 = arith.addi %add3A_641, %and3A_639 : vector<16xi32>
    %gt3A_643 = arith.constant 0 : i32
    %gt3A_644 = vector.broadcast %gt3A_643 : i32 to vector<16xi32>
    %gt3A_645 = arith.cmpi sgt, %get3A_620, %gt3A_644 : vector<16xi32>
    %select_n3A_646 = arith.select %gt3A_645, %min3A_628, %add3A_642 : vector<16xi1>, vector<16xi32>
    %swap3A_647 = arith.constant 2 : i32
    %swap3A_648 = arith.index_cast %swap3A_647 : i32 to index
    %swap3A_649 = arith.constant 0 : index
    %swap3A_650 = tpu.vector_load %arg6[%swap3A_648, %swap3A_649] {strides = array<i32>} : memref<8x128xi32, #tpu.memory_space<vmem>>, vector<16xi32>,
    tpu.vector_store %arg6[%swap3A_648, %swap3A_649], %select_n3A_646 {strides = array<i32>} : memref<8x128xi32, #tpu.memory_space<vmem>>, vector<16xi32>,
    %slice3A_651 = vector.extract_strided_slice %add3A_625 {offsets = [15], sizes = [1], strides = [1]} : vector<16xi32> to vector<1xi32>
    %squeeze3A_652 = vector.extract %slice3A_651[0] : i32 from vector<1xi32>
    %get3A_653 = arith.constant 272 : index
    %get3A_654 = tpu.vector_load %arg5[%get3A_653] {strides = array<i32>} : memref<1024xi32, #tpu.memory_space<vmem>>, vector<16xi32>,
    %broadcast_in_dim3A_655 = arith.constant true
    %broadcast_in_dim3A_656 = vector.broadcast %broadcast_in_dim3A_655 : i1 to vector<16xi1>
    %masked_cumsum3A_657 = tpu.scan <sum>, %get3A_654 masked %broadcast_in_dim3A_656 : vector<16xi32>, vector<16xi1> -> vector<16xi32>
    %add3A_658 = vector.broadcast %squeeze3A_652 : i32 to vector<16xi32>
    %add3A_659 = arith.addi %masked_cumsum3A_657, %add3A_658 : vector<16xi32>
    %min3A_660 = arith.constant 8191 : i32
    %min3A_661 = vector.broadcast %min3A_660 : i32 to vector<16xi32>
    %min3A_662 = arith.minsi %add3A_659, %min3A_661 : vector<16xi32>
    %iota3A_663 = tpu.iota {dimensions = array<i32: 0>} : vector<16xi32>
    %add3A_664 = arith.constant 272 : i32
    %add3A_665 = vector.broadcast %add3A_664 : i32 to vector<16xi32>
    %add3A_666 = arith.addi %iota3A_663, %add3A_665 : vector<16xi32>
    %mul3A_667 = arith.constant 8 : i32
    %mul3A_668 = arith.muli %add3A, %mul3A_667 : i32
    %add3A_669 = vector.broadcast %mul3A_668 : i32 to vector<16xi32>
    %add3A_670 = arith.addi %add3A_666, %add3A_669 : vector<16xi32>
    %and3A_671 = arith.constant 1023 : i32
    %and3A_672 = vector.broadcast %and3A_671 : i32 to vector<16xi32>
    %and3A_673 = arith.andi %add3A_670, %and3A_672 : vector<16xi32>
    %add3A_674 = arith.constant 8192 : i32
    %add3A_675 = vector.broadcast %add3A_674 : i32 to vector<16xi32>
    %add3A_676 = arith.addi %add3A_675, %and3A_673 : vector<16xi32>
    %gt3A_677 = arith.constant 0 : i32
    %gt3A_678 = vector.broadcast %gt3A_677 : i32 to vector<16xi32>
    %gt3A_679 = arith.cmpi sgt, %get3A_654, %gt3A_678 : vector<16xi32>
    %select_n3A_680 = arith.select %gt3A_679, %min3A_662, %add3A_676 : vector<16xi1>, vector<16xi32>
    %swap3A_681 = arith.constant 2 : i32
    %swap3A_682 = arith.index_cast %swap3A_681 : i32 to index
    %swap3A_683 = arith.constant 16 : index
    %swap3A_684 = tpu.vector_load %arg6[%swap3A_682, %swap3A_683] {strides = array<i32>} : memref<8x128xi32, #tpu.memory_space<vmem>>, vector<16xi32>,
    tpu.vector_store %arg6[%swap3A_682, %swap3A_683], %select_n3A_680 {strides = array<i32>} : memref<8x128xi32, #tpu.memory_space<vmem>>, vector<16xi32>,
    %slice3A_685 = vector.extract_strided_slice %add3A_659 {offsets = [15], sizes = [1], strides = [1]} : vector<16xi32> to vector<1xi32>
    %squeeze3A_686 = vector.extract %slice3A_685[0] : i32 from vector<1xi32>
    %get3A_687 = arith.constant 288 : index
    %get3A_688 = tpu.vector_load %arg5[%get3A_687] {strides = array<i32>} : memref<1024xi32, #tpu.memory_space<vmem>>, vector<16xi32>,
    %broadcast_in_dim3A_689 = arith.constant true
    %broadcast_in_dim3A_690 = vector.broadcast %broadcast_in_dim3A_689 : i1 to vector<16xi1>
    %masked_cumsum3A_691 = tpu.scan <sum>, %get3A_688 masked %broadcast_in_dim3A_690 : vector<16xi32>, vector<16xi1> -> vector<16xi32>
    %add3A_692 = vector.broadcast %squeeze3A_686 : i32 to vector<16xi32>
    %add3A_693 = arith.addi %masked_cumsum3A_691, %add3A_692 : vector<16xi32>
    %min3A_694 = arith.constant 8191 : i32
    %min3A_695 = vector.broadcast %min3A_694 : i32 to vector<16xi32>
    %min3A_696 = arith.minsi %add3A_693, %min3A_695 : vector<16xi32>
    %iota3A_697 = tpu.iota {dimensions = array<i32: 0>} : vector<16xi32>
    %add3A_698 = arith.constant 288 : i32
    %add3A_699 = vector.broadcast %add3A_698 : i32 to vector<16xi32>
    %add3A_700 = arith.addi %iota3A_697, %add3A_699 : vector<16xi32>
    %mul3A_701 = arith.constant 8 : i32
    %mul3A_702 = arith.muli %add3A, %mul3A_701 : i32
    %add3A_703 = vector.broadcast %mul3A_702 : i32 to vector<16xi32>
    %add3A_704 = arith.addi %add3A_700, %add3A_703 : vector<16xi32>
    %and3A_705 = arith.constant 1023 : i32
    %and3A_706 = vector.broadcast %and3A_705 : i32 to vector<16xi32>
    %and3A_707 = arith.andi %add3A_704, %and3A_706 : vector<16xi32>
    %add3A_708 = arith.constant 8192 : i32
    %add3A_709 = vector.broadcast %add3A_708 : i32 to vector<16xi32>
    %add3A_710 = arith.addi %add3A_709, %and3A_707 : vector<16xi32>
    %gt3A_711 = arith.constant 0 : i32
    %gt3A_712 = vector.broadcast %gt3A_711 : i32 to vector<16xi32>
    %gt3A_713 = arith.cmpi sgt, %get3A_688, %gt3A_712 : vector<16xi32>
    %select_n3A_714 = arith.select %gt3A_713, %min3A_696, %add3A_710 : vector<16xi1>, vector<16xi32>
    %swap3A_715 = arith.constant 2 : i32
    %swap3A_716 = arith.index_cast %swap3A_715 : i32 to index
    %swap3A_717 = arith.constant 32 : index
    %swap3A_718 = tpu.vector_load %arg6[%swap3A_716, %swap3A_717] {strides = array<i32>} : memref<8x128xi32, #tpu.memory_space<vmem>>, vector<16xi32>,
    tpu.vector_store %arg6[%swap3A_716, %swap3A_717], %select_n3A_714 {strides = array<i32>} : memref<8x128xi32, #tpu.memory_space<vmem>>, vector<16xi32>,
    %slice3A_719 = vector.extract_strided_slice %add3A_693 {offsets = [15], sizes = [1], strides = [1]} : vector<16xi32> to vector<1xi32>
    %squeeze3A_720 = vector.extract %slice3A_719[0] : i32 from vector<1xi32>
    %get3A_721 = arith.constant 304 : index
    %get3A_722 = tpu.vector_load %arg5[%get3A_721] {strides = array<i32>} : memref<1024xi32, #tpu.memory_space<vmem>>, vector<16xi32>,
    %broadcast_in_dim3A_723 = arith.constant true
    %broadcast_in_dim3A_724 = vector.broadcast %broadcast_in_dim3A_723 : i1 to vector<16xi1>
    %masked_cumsum3A_725 = tpu.scan <sum>, %get3A_722 masked %broadcast_in_dim3A_724 : vector<16xi32>, vector<16xi1> -> vector<16xi32>
    %add3A_726 = vector.broadcast %squeeze3A_720 : i32 to vector<16xi32>
    %add3A_727 = arith.addi %masked_cumsum3A_725, %add3A_726 : vector<16xi32>
    %min3A_728 = arith.constant 8191 : i32
    %min3A_729 = vector.broadcast %min3A_728 : i32 to vector<16xi32>
    %min3A_730 = arith.minsi %add3A_727, %min3A_729 : vector<16xi32>
    %iota3A_731 = tpu.iota {dimensions = array<i32: 0>} : vector<16xi32>
    %add3A_732 = arith.constant 304 : i32
    %add3A_733 = vector.broadcast %add3A_732 : i32 to vector<16xi32>
    %add3A_734 = arith.addi %iota3A_731, %add3A_733 : vector<16xi32>
    %mul3A_735 = arith.constant 8 : i32
    %mul3A_736 = arith.muli %add3A, %mul3A_735 : i32
    %add3A_737 = vector.broadcast %mul3A_736 : i32 to vector<16xi32>
    %add3A_738 = arith.addi %add3A_734, %add3A_737 : vector<16xi32>
    %and3A_739 = arith.constant 1023 : i32
    %and3A_740 = vector.broadcast %and3A_739 : i32 to vector<16xi32>
    %and3A_741 = arith.andi %add3A_738, %and3A_740 : vector<16xi32>
    %add3A_742 = arith.constant 8192 : i32
    %add3A_743 = vector.broadcast %add3A_742 : i32 to vector<16xi32>
    %add3A_744 = arith.addi %add3A_743, %and3A_741 : vector<16xi32>
    %gt3A_745 = arith.constant 0 : i32
    %gt3A_746 = vector.broadcast %gt3A_745 : i32 to vector<16xi32>
    %gt3A_747 = arith.cmpi sgt, %get3A_722, %gt3A_746 : vector<16xi32>
    %select_n3A_748 = arith.select %gt3A_747, %min3A_730, %add3A_744 : vector<16xi1>, vector<16xi32>
    %swap3A_749 = arith.constant 2 : i32
    %swap3A_750 = arith.index_cast %swap3A_749 : i32 to index
    %swap3A_751 = arith.constant 48 : index
    %swap3A_752 = tpu.vector_load %arg6[%swap3A_750, %swap3A_751] {strides = array<i32>} : memref<8x128xi32, #tpu.memory_space<vmem>>, vector<16xi32>,
    tpu.vector_store %arg6[%swap3A_750, %swap3A_751], %select_n3A_748 {strides = array<i32>} : memref<8x128xi32, #tpu.memory_space<vmem>>, vector<16xi32>,
    %slice3A_753 = vector.extract_strided_slice %add3A_727 {offsets = [15], sizes = [1], strides = [1]} : vector<16xi32> to vector<1xi32>
    %squeeze3A_754 = vector.extract %slice3A_753[0] : i32 from vector<1xi32>
    %get3A_755 = arith.constant 320 : index
    %get3A_756 = tpu.vector_load %arg5[%get3A_755] {strides = array<i32>} : memref<1024xi32, #tpu.memory_space<vmem>>, vector<16xi32>,
    %broadcast_in_dim3A_757 = arith.constant true
    %broadcast_in_dim3A_758 = vector.broadcast %broadcast_in_dim3A_757 : i1 to vector<16xi1>
    %masked_cumsum3A_759 = tpu.scan <sum>, %get3A_756 masked %broadcast_in_dim3A_758 : vector<16xi32>, vector<16xi1> -> vector<16xi32>
    %add3A_760 = vector.broadcast %squeeze3A_754 : i32 to vector<16xi32>
    %add3A_761 = arith.addi %masked_cumsum3A_759, %add3A_760 : vector<16xi32>
    %min3A_762 = arith.constant 8191 : i32
    %min3A_763 = vector.broadcast %min3A_762 : i32 to vector<16xi32>
    %min3A_764 = arith.minsi %add3A_761, %min3A_763 : vector<16xi32>
    %iota3A_765 = tpu.iota {dimensions = array<i32: 0>} : vector<16xi32>
    %add3A_766 = arith.constant 320 : i32
    %add3A_767 = vector.broadcast %add3A_766 : i32 to vector<16xi32>
    %add3A_768 = arith.addi %iota3A_765, %add3A_767 : vector<16xi32>
    %mul3A_769 = arith.constant 8 : i32
    %mul3A_770 = arith.muli %add3A, %mul3A_769 : i32
    %add3A_771 = vector.broadcast %mul3A_770 : i32 to vector<16xi32>
    %add3A_772 = arith.addi %add3A_768, %add3A_771 : vector<16xi32>
    %and3A_773 = arith.constant 1023 : i32
    %and3A_774 = vector.broadcast %and3A_773 : i32 to vector<16xi32>
    %and3A_775 = arith.andi %add3A_772, %and3A_774 : vector<16xi32>
    %add3A_776 = arith.constant 8192 : i32
    %add3A_777 = vector.broadcast %add3A_776 : i32 to vector<16xi32>
    %add3A_778 = arith.addi %add3A_777, %and3A_775 : vector<16xi32>
    %gt3A_779 = arith.constant 0 : i32
    %gt3A_780 = vector.broadcast %gt3A_779 : i32 to vector<16xi32>
    %gt3A_781 = arith.cmpi sgt, %get3A_756, %gt3A_780 : vector<16xi32>
    %select_n3A_782 = arith.select %gt3A_781, %min3A_764, %add3A_778 : vector<16xi1>, vector<16xi32>
    %swap3A_783 = arith.constant 2 : i32
    %swap3A_784 = arith.index_cast %swap3A_783 : i32 to index
    %swap3A_785 = arith.constant 64 : index
    %swap3A_786 = tpu.vector_load %arg6[%swap3A_784, %swap3A_785] {strides = array<i32>} : memref<8x128xi32, #tpu.memory_space<vmem>>, vector<16xi32>,
    tpu.vector_store %arg6[%swap3A_784, %swap3A_785], %select_n3A_782 {strides = array<i32>} : memref<8x128xi32, #tpu.memory_space<vmem>>, vector<16xi32>,
    %slice3A_787 = vector.extract_strided_slice %add3A_761 {offsets = [15], sizes = [1], strides = [1]} : vector<16xi32> to vector<1xi32>
    %squeeze3A_788 = vector.extract %slice3A_787[0] : i32 from vector<1xi32>
    %get3A_789 = arith.constant 336 : index
    %get3A_790 = tpu.vector_load %arg5[%get3A_789] {strides = array<i32>} : memref<1024xi32, #tpu.memory_space<vmem>>, vector<16xi32>,
    %broadcast_in_dim3A_791 = arith.constant true
    %broadcast_in_dim3A_792 = vector.broadcast %broadcast_in_dim3A_791 : i1 to vector<16xi1>
    %masked_cumsum3A_793 = tpu.scan <sum>, %get3A_790 masked %broadcast_in_dim3A_792 : vector<16xi32>, vector<16xi1> -> vector<16xi32>
    %add3A_794 = vector.broadcast %squeeze3A_788 : i32 to vector<16xi32>
    %add3A_795 = arith.addi %masked_cumsum3A_793, %add3A_794 : vector<16xi32>
    %min3A_796 = arith.constant 8191 : i32
    %min3A_797 = vector.broadcast %min3A_796 : i32 to vector<16xi32>
    %min3A_798 = arith.minsi %add3A_795, %min3A_797 : vector<16xi32>
    %iota3A_799 = tpu.iota {dimensions = array<i32: 0>} : vector<16xi32>
    %add3A_800 = arith.constant 336 : i32
    %add3A_801 = vector.broadcast %add3A_800 : i32 to vector<16xi32>
    %add3A_802 = arith.addi %iota3A_799, %add3A_801 : vector<16xi32>
    %mul3A_803 = arith.constant 8 : i32
    %mul3A_804 = arith.muli %add3A, %mul3A_803 : i32
    %add3A_805 = vector.broadcast %mul3A_804 : i32 to vector<16xi32>
    %add3A_806 = arith.addi %add3A_802, %add3A_805 : vector<16xi32>
    %and3A_807 = arith.constant 1023 : i32
    %and3A_808 = vector.broadcast %and3A_807 : i32 to vector<16xi32>
    %and3A_809 = arith.andi %add3A_806, %and3A_808 : vector<16xi32>
    %add3A_810 = arith.constant 8192 : i32
    %add3A_811 = vector.broadcast %add3A_810 : i32 to vector<16xi32>
    %add3A_812 = arith.addi %add3A_811, %and3A_809 : vector<16xi32>
    %gt3A_813 = arith.constant 0 : i32
    %gt3A_814 = vector.broadcast %gt3A_813 : i32 to vector<16xi32>
    %gt3A_815 = arith.cmpi sgt, %get3A_790, %gt3A_814 : vector<16xi32>
    %select_n3A_816 = arith.select %gt3A_815, %min3A_798, %add3A_812 : vector<16xi1>, vector<16xi32>
    %swap3A_817 = arith.constant 2 : i32
    %swap3A_818 = arith.index_cast %swap3A_817 : i32 to index
    %swap3A_819 = arith.constant 80 : index
    %swap3A_820 = tpu.vector_load %arg6[%swap3A_818, %swap3A_819] {strides = array<i32>} : memref<8x128xi32, #tpu.memory_space<vmem>>, vector<16xi32>,
    tpu.vector_store %arg6[%swap3A_818, %swap3A_819], %select_n3A_816 {strides = array<i32>} : memref<8x128xi32, #tpu.memory_space<vmem>>, vector<16xi32>,
    %slice3A_821 = vector.extract_strided_slice %add3A_795 {offsets = [15], sizes = [1], strides = [1]} : vector<16xi32> to vector<1xi32>
    %squeeze3A_822 = vector.extract %slice3A_821[0] : i32 from vector<1xi32>
    %get3A_823 = arith.constant 352 : index
    %get3A_824 = tpu.vector_load %arg5[%get3A_823] {strides = array<i32>} : memref<1024xi32, #tpu.memory_space<vmem>>, vector<16xi32>,
    %broadcast_in_dim3A_825 = arith.constant true
    %broadcast_in_dim3A_826 = vector.broadcast %broadcast_in_dim3A_825 : i1 to vector<16xi1>
    %masked_cumsum3A_827 = tpu.scan <sum>, %get3A_824 masked %broadcast_in_dim3A_826 : vector<16xi32>, vector<16xi1> -> vector<16xi32>
    %add3A_828 = vector.broadcast %squeeze3A_822 : i32 to vector<16xi32>
    %add3A_829 = arith.addi %masked_cumsum3A_827, %add3A_828 : vector<16xi32>
    %min3A_830 = arith.constant 8191 : i32
    %min3A_831 = vector.broadcast %min3A_830 : i32 to vector<16xi32>
    %min3A_832 = arith.minsi %add3A_829, %min3A_831 : vector<16xi32>
    %iota3A_833 = tpu.iota {dimensions = array<i32: 0>} : vector<16xi32>
    %add3A_834 = arith.constant 352 : i32
    %add3A_835 = vector.broadcast %add3A_834 : i32 to vector<16xi32>
    %add3A_836 = arith.addi %iota3A_833, %add3A_835 : vector<16xi32>
    %mul3A_837 = arith.constant 8 : i32
    %mul3A_838 = arith.muli %add3A, %mul3A_837 : i32
    %add3A_839 = vector.broadcast %mul3A_838 : i32 to vector<16xi32>
    %add3A_840 = arith.addi %add3A_836, %add3A_839 : vector<16xi32>
    %and3A_841 = arith.constant 1023 : i32
    %and3A_842 = vector.broadcast %and3A_841 : i32 to vector<16xi32>
    %and3A_843 = arith.andi %add3A_840, %and3A_842 : vector<16xi32>
    %add3A_844 = arith.constant 8192 : i32
    %add3A_845 = vector.broadcast %add3A_844 : i32 to vector<16xi32>
    %add3A_846 = arith.addi %add3A_845, %and3A_843 : vector<16xi32>
    %gt3A_847 = arith.constant 0 : i32
    %gt3A_848 = vector.broadcast %gt3A_847 : i32 to vector<16xi32>
    %gt3A_849 = arith.cmpi sgt, %get3A_824, %gt3A_848 : vector<16xi32>
    %select_n3A_850 = arith.select %gt3A_849, %min3A_832, %add3A_846 : vector<16xi1>, vector<16xi32>
    %swap3A_851 = arith.constant 2 : i32
    %swap3A_852 = arith.index_cast %swap3A_851 : i32 to index
    %swap3A_853 = arith.constant 96 : index
    %swap3A_854 = tpu.vector_load %arg6[%swap3A_852, %swap3A_853] {strides = array<i32>} : memref<8x128xi32, #tpu.memory_space<vmem>>, vector<16xi32>,
    tpu.vector_store %arg6[%swap3A_852, %swap3A_853], %select_n3A_850 {strides = array<i32>} : memref<8x128xi32, #tpu.memory_space<vmem>>, vector<16xi32>,
    %slice3A_855 = vector.extract_strided_slice %add3A_829 {offsets = [15], sizes = [1], strides = [1]} : vector<16xi32> to vector<1xi32>
    %squeeze3A_856 = vector.extract %slice3A_855[0] : i32 from vector<1xi32>
    %get3A_857 = arith.constant 368 : index
    %get3A_858 = tpu.vector_load %arg5[%get3A_857] {strides = array<i32>} : memref<1024xi32, #tpu.memory_space<vmem>>, vector<16xi32>,
    %broadcast_in_dim3A_859 = arith.constant true
    %broadcast_in_dim3A_860 = vector.broadcast %broadcast_in_dim3A_859 : i1 to vector<16xi1>
    %masked_cumsum3A_861 = tpu.scan <sum>, %get3A_858 masked %broadcast_in_dim3A_860 : vector<16xi32>, vector<16xi1> -> vector<16xi32>
    %add3A_862 = vector.broadcast %squeeze3A_856 : i32 to vector<16xi32>
    %add3A_863 = arith.addi %masked_cumsum3A_861, %add3A_862 : vector<16xi32>
    %min3A_864 = arith.constant 8191 : i32
    %min3A_865 = vector.broadcast %min3A_864 : i32 to vector<16xi32>
    %min3A_866 = arith.minsi %add3A_863, %min3A_865 : vector<16xi32>
    %iota3A_867 = tpu.iota {dimensions = array<i32: 0>} : vector<16xi32>
    %add3A_868 = arith.constant 368 : i32
    %add3A_869 = vector.broadcast %add3A_868 : i32 to vector<16xi32>
    %add3A_870 = arith.addi %iota3A_867, %add3A_869 : vector<16xi32>
    %mul3A_871 = arith.constant 8 : i32
    %mul3A_872 = arith.muli %add3A, %mul3A_871 : i32
    %add3A_873 = vector.broadcast %mul3A_872 : i32 to vector<16xi32>
    %add3A_874 = arith.addi %add3A_870, %add3A_873 : vector<16xi32>
    %and3A_875 = arith.constant 1023 : i32
    %and3A_876 = vector.broadcast %and3A_875 : i32 to vector<16xi32>
    %and3A_877 = arith.andi %add3A_874, %and3A_876 : vector<16xi32>
    %add3A_878 = arith.constant 8192 : i32
    %add3A_879 = vector.broadcast %add3A_878 : i32 to vector<16xi32>
    %add3A_880 = arith.addi %add3A_879, %and3A_877 : vector<16xi32>
    %gt3A_881 = arith.constant 0 : i32
    %gt3A_882 = vector.broadcast %gt3A_881 : i32 to vector<16xi32>
    %gt3A_883 = arith.cmpi sgt, %get3A_858, %gt3A_882 : vector<16xi32>
    %select_n3A_884 = arith.select %gt3A_883, %min3A_866, %add3A_880 : vector<16xi1>, vector<16xi32>
    %swap3A_885 = arith.constant 2 : i32
    %swap3A_886 = arith.index_cast %swap3A_885 : i32 to index
    %swap3A_887 = arith.constant 112 : index
    %swap3A_888 = tpu.vector_load %arg6[%swap3A_886, %swap3A_887] {strides = array<i32>} : memref<8x128xi32, #tpu.memory_space<vmem>>, vector<16xi32>,
    tpu.vector_store %arg6[%swap3A_886, %swap3A_887], %select_n3A_884 {strides = array<i32>} : memref<8x128xi32, #tpu.memory_space<vmem>>, vector<16xi32>,
    %slice3A_889 = vector.extract_strided_slice %add3A_863 {offsets = [15], sizes = [1], strides = [1]} : vector<16xi32> to vector<1xi32>
    %squeeze3A_890 = vector.extract %slice3A_889[0] : i32 from vector<1xi32>
    %dma_start3A_891 = arith.constant 2 : i32
    %dma_start3A_892 = arith.constant 256 : i32
    %dma_start3A_893 = arith.constant 0 : i32
    %dma_start3A_894 = tpu.memref_slice %arg7[%dma_start3A_892, %dma_start3A_893] : memref<1024x64xf32, #tpu.memory_space<vmem>> -> memref<128x64xf32, #tpu.memory_space<vmem>>
    %dma_start3A_895 = arith.constant 0 : i32
    %dma_start3A_896 = tpu.memref_slice %arg6[%dma_start3A_891, %dma_start3A_895] : memref<8x128xi32, #tpu.memory_space<vmem>> -> memref<1x128xi32, #tpu.memory_space<vmem>>
    %dma_start3A_897 = tpu.memref_squeeze %dma_start3A_896 : memref<1x128xi32, #tpu.memory_space<vmem>> -> memref<128xi32, #tpu.memory_space<vmem>>
    %dma_start3A_898 = arith.constant 0 : i32
    %dma_start3A_899 = arith.constant 0 : i32
    %dma_start3A_900 = tpu.memref_slice %arg3[%dma_start3A_898, %dma_start3A_899] : memref<9216x64xf32, #tpu.memory_space<hbm>> -> memref<9216x64xf32, #tpu.memory_space<hbm>>
    tpu.enqueue_indirect_dma source(%dma_start3A_900 : memref<9216x64xf32, #tpu.memory_space<hbm>>) target(%dma_start3A_894 : memref<128x64xf32, #tpu.memory_space<vmem>>) offsets(%dma_start3A_897 : memref<128xi32, #tpu.memory_space<vmem>>) semaphore(%arg11 : memref<!tpu.dma_semaphore, #tpu.memory_space<semaphore_mem>>)
    %get3A_901 = arith.constant 384 : index
    %get3A_902 = tpu.vector_load %arg5[%get3A_901] {strides = array<i32>} : memref<1024xi32, #tpu.memory_space<vmem>>, vector<16xi32>,
    %broadcast_in_dim3A_903 = arith.constant true
    %broadcast_in_dim3A_904 = vector.broadcast %broadcast_in_dim3A_903 : i1 to vector<16xi1>
    %masked_cumsum3A_905 = tpu.scan <sum>, %get3A_902 masked %broadcast_in_dim3A_904 : vector<16xi32>, vector<16xi1> -> vector<16xi32>
    %add3A_906 = vector.broadcast %squeeze3A_890 : i32 to vector<16xi32>
    %add3A_907 = arith.addi %masked_cumsum3A_905, %add3A_906 : vector<16xi32>
    %min3A_908 = arith.constant 8191 : i32
    %min3A_909 = vector.broadcast %min3A_908 : i32 to vector<16xi32>
    %min3A_910 = arith.minsi %add3A_907, %min3A_909 : vector<16xi32>
    %iota3A_911 = tpu.iota {dimensions = array<i32: 0>} : vector<16xi32>
    %add3A_912 = arith.constant 384 : i32
    %add3A_913 = vector.broadcast %add3A_912 : i32 to vector<16xi32>
    %add3A_914 = arith.addi %iota3A_911, %add3A_913 : vector<16xi32>
    %mul3A_915 = arith.constant 8 : i32
    %mul3A_916 = arith.muli %add3A, %mul3A_915 : i32
    %add3A_917 = vector.broadcast %mul3A_916 : i32 to vector<16xi32>
    %add3A_918 = arith.addi %add3A_914, %add3A_917 : vector<16xi32>
    %and3A_919 = arith.constant 1023 : i32
    %and3A_920 = vector.broadcast %and3A_919 : i32 to vector<16xi32>
    %and3A_921 = arith.andi %add3A_918, %and3A_920 : vector<16xi32>
    %add3A_922 = arith.constant 8192 : i32
    %add3A_923 = vector.broadcast %add3A_922 : i32 to vector<16xi32>
    %add3A_924 = arith.addi %add3A_923, %and3A_921 : vector<16xi32>
    %gt3A_925 = arith.constant 0 : i32
    %gt3A_926 = vector.broadcast %gt3A_925 : i32 to vector<16xi32>
    %gt3A_927 = arith.cmpi sgt, %get3A_902, %gt3A_926 : vector<16xi32>
    %select_n3A_928 = arith.select %gt3A_927, %min3A_910, %add3A_924 : vector<16xi1>, vector<16xi32>
    %swap3A_929 = arith.constant 3 : i32
    %swap3A_930 = arith.index_cast %swap3A_929 : i32 to index
    %swap3A_931 = arith.constant 0 : index
    %swap3A_932 = tpu.vector_load %arg6[%swap3A_930, %swap3A_931] {strides = array<i32>} : memref<8x128xi32, #tpu.memory_space<vmem>>, vector<16xi32>,
    tpu.vector_store %arg6[%swap3A_930, %swap3A_931], %select_n3A_928 {strides = array<i32>} : memref<8x128xi32, #tpu.memory_space<vmem>>, vector<16xi32>,
    %slice3A_933 = vector.extract_strided_slice %add3A_907 {offsets = [15], sizes = [1], strides = [1]} : vector<16xi32> to vector<1xi32>
    %squeeze3A_934 = vector.extract %slice3A_933[0] : i32 from vector<1xi32>
    %get3A_935 = arith.constant 400 : index
    %get3A_936 = tpu.vector_load %arg5[%get3A_935] {strides = array<i32>} : memref<1024xi32, #tpu.memory_space<vmem>>, vector<16xi32>,
    %broadcast_in_dim3A_937 = arith.constant true
    %broadcast_in_dim3A_938 = vector.broadcast %broadcast_in_dim3A_937 : i1 to vector<16xi1>
    %masked_cumsum3A_939 = tpu.scan <sum>, %get3A_936 masked %broadcast_in_dim3A_938 : vector<16xi32>, vector<16xi1> -> vector<16xi32>
    %add3A_940 = vector.broadcast %squeeze3A_934 : i32 to vector<16xi32>
    %add3A_941 = arith.addi %masked_cumsum3A_939, %add3A_940 : vector<16xi32>
    %min3A_942 = arith.constant 8191 : i32
    %min3A_943 = vector.broadcast %min3A_942 : i32 to vector<16xi32>
    %min3A_944 = arith.minsi %add3A_941, %min3A_943 : vector<16xi32>
    %iota3A_945 = tpu.iota {dimensions = array<i32: 0>} : vector<16xi32>
    %add3A_946 = arith.constant 400 : i32
    %add3A_947 = vector.broadcast %add3A_946 : i32 to vector<16xi32>
    %add3A_948 = arith.addi %iota3A_945, %add3A_947 : vector<16xi32>
    %mul3A_949 = arith.constant 8 : i32
    %mul3A_950 = arith.muli %add3A, %mul3A_949 : i32
    %add3A_951 = vector.broadcast %mul3A_950 : i32 to vector<16xi32>
    %add3A_952 = arith.addi %add3A_948, %add3A_951 : vector<16xi32>
    %and3A_953 = arith.constant 1023 : i32
    %and3A_954 = vector.broadcast %and3A_953 : i32 to vector<16xi32>
    %and3A_955 = arith.andi %add3A_952, %and3A_954 : vector<16xi32>
    %add3A_956 = arith.constant 8192 : i32
    %add3A_957 = vector.broadcast %add3A_956 : i32 to vector<16xi32>
    %add3A_958 = arith.addi %add3A_957, %and3A_955 : vector<16xi32>
    %gt3A_959 = arith.constant 0 : i32
    %gt3A_960 = vector.broadcast %gt3A_959 : i32 to vector<16xi32>
    %gt3A_961 = arith.cmpi sgt, %get3A_936, %gt3A_960 : vector<16xi32>
    %select_n3A_962 = arith.select %gt3A_961, %min3A_944, %add3A_958 : vector<16xi1>, vector<16xi32>
    %swap3A_963 = arith.constant 3 : i32
    %swap3A_964 = arith.index_cast %swap3A_963 : i32 to index
    %swap3A_965 = arith.constant 16 : index
    %swap3A_966 = tpu.vector_load %arg6[%swap3A_964, %swap3A_965] {strides = array<i32>} : memref<8x128xi32, #tpu.memory_space<vmem>>, vector<16xi32>,
    tpu.vector_store %arg6[%swap3A_964, %swap3A_965], %select_n3A_962 {strides = array<i32>} : memref<8x128xi32, #tpu.memory_space<vmem>>, vector<16xi32>,
    %slice3A_967 = vector.extract_strided_slice %add3A_941 {offsets = [15], sizes = [1], strides = [1]} : vector<16xi32> to vector<1xi32>
    %squeeze3A_968 = vector.extract %slice3A_967[0] : i32 from vector<1xi32>
    %get3A_969 = arith.constant 416 : index
    %get3A_970 = tpu.vector_load %arg5[%get3A_969] {strides = array<i32>} : memref<1024xi32, #tpu.memory_space<vmem>>, vector<16xi32>,
    %broadcast_in_dim3A_971 = arith.constant true
    %broadcast_in_dim3A_972 = vector.broadcast %broadcast_in_dim3A_971 : i1 to vector<16xi1>
    %masked_cumsum3A_973 = tpu.scan <sum>, %get3A_970 masked %broadcast_in_dim3A_972 : vector<16xi32>, vector<16xi1> -> vector<16xi32>
    %add3A_974 = vector.broadcast %squeeze3A_968 : i32 to vector<16xi32>
    %add3A_975 = arith.addi %masked_cumsum3A_973, %add3A_974 : vector<16xi32>
    %min3A_976 = arith.constant 8191 : i32
    %min3A_977 = vector.broadcast %min3A_976 : i32 to vector<16xi32>
    %min3A_978 = arith.minsi %add3A_975, %min3A_977 : vector<16xi32>
    %iota3A_979 = tpu.iota {dimensions = array<i32: 0>} : vector<16xi32>
    %add3A_980 = arith.constant 416 : i32
    %add3A_981 = vector.broadcast %add3A_980 : i32 to vector<16xi32>
    %add3A_982 = arith.addi %iota3A_979, %add3A_981 : vector<16xi32>
    %mul3A_983 = arith.constant 8 : i32
    %mul3A_984 = arith.muli %add3A, %mul3A_983 : i32
    %add3A_985 = vector.broadcast %mul3A_984 : i32 to vector<16xi32>
    %add3A_986 = arith.addi %add3A_982, %add3A_985 : vector<16xi32>
    %and3A_987 = arith.constant 1023 : i32
    %and3A_988 = vector.broadcast %and3A_987 : i32 to vector<16xi32>
    %and3A_989 = arith.andi %add3A_986, %and3A_988 : vector<16xi32>
    %add3A_990 = arith.constant 8192 : i32
    %add3A_991 = vector.broadcast %add3A_990 : i32 to vector<16xi32>
    %add3A_992 = arith.addi %add3A_991, %and3A_989 : vector<16xi32>
    %gt3A_993 = arith.constant 0 : i32
    %gt3A_994 = vector.broadcast %gt3A_993 : i32 to vector<16xi32>
    %gt3A_995 = arith.cmpi sgt, %get3A_970, %gt3A_994 : vector<16xi32>
    %select_n3A_996 = arith.select %gt3A_995, %min3A_978, %add3A_992 : vector<16xi1>, vector<16xi32>
    %swap3A_997 = arith.constant 3 : i32
    %swap3A_998 = arith.index_cast %swap3A_997 : i32 to index
    %swap3A_999 = arith.constant 32 : index
    %swap3A_1000 = tpu.vector_load %arg6[%swap3A_998, %swap3A_999] {strides = array<i32>} : memref<8x128xi32, #tpu.memory_space<vmem>>, vector<16xi32>,
    tpu.vector_store %arg6[%swap3A_998, %swap3A_999], %select_n3A_996 {strides = array<i32>} : memref<8x128xi32, #tpu.memory_space<vmem>>, vector<16xi32>,
    %slice3A_1001 = vector.extract_strided_slice %add3A_975 {offsets = [15], sizes = [1], strides = [1]} : vector<16xi32> to vector<1xi32>
    %squeeze3A_1002 = vector.extract %slice3A_1001[0] : i32 from vector<1xi32>
    %get3A_1003 = arith.constant 432 : index
    %get3A_1004 = tpu.vector_load %arg5[%get3A_1003] {strides = array<i32>} : memref<1024xi32, #tpu.memory_space<vmem>>, vector<16xi32>,
    %broadcast_in_dim3A_1005 = arith.constant true
    %broadcast_in_dim3A_1006 = vector.broadcast %broadcast_in_dim3A_1005 : i1 to vector<16xi1>
    %masked_cumsum3A_1007 = tpu.scan <sum>, %get3A_1004 masked %broadcast_in_dim3A_1006 : vector<16xi32>, vector<16xi1> -> vector<16xi32>
    %add3A_1008 = vector.broadcast %squeeze3A_1002 : i32 to vector<16xi32>
    %add3A_1009 = arith.addi %masked_cumsum3A_1007, %add3A_1008 : vector<16xi32>
    %min3A_1010 = arith.constant 8191 : i32
    %min3A_1011 = vector.broadcast %min3A_1010 : i32 to vector<16xi32>
    %min3A_1012 = arith.minsi %add3A_1009, %min3A_1011 : vector<16xi32>
    %iota3A_1013 = tpu.iota {dimensions = array<i32: 0>} : vector<16xi32>
    %add3A_1014 = arith.constant 432 : i32
    %add3A_1015 = vector.broadcast %add3A_1014 : i32 to vector<16xi32>
    %add3A_1016 = arith.addi %iota3A_1013, %add3A_1015 : vector<16xi32>
    %mul3A_1017 = arith.constant 8 : i32
    %mul3A_1018 = arith.muli %add3A, %mul3A_1017 : i32
    %add3A_1019 = vector.broadcast %mul3A_1018 : i32 to vector<16xi32>
    %add3A_1020 = arith.addi %add3A_1016, %add3A_1019 : vector<16xi32>
    %and3A_1021 = arith.constant 1023 : i32
    %and3A_1022 = vector.broadcast %and3A_1021 : i32 to vector<16xi32>
    %and3A_1023 = arith.andi %add3A_1020, %and3A_1022 : vector<16xi32>
    %add3A_1024 = arith.constant 8192 : i32
    %add3A_1025 = vector.broadcast %add3A_1024 : i32 to vector<16xi32>
    %add3A_1026 = arith.addi %add3A_1025, %and3A_1023 : vector<16xi32>
    %gt3A_1027 = arith.constant 0 : i32
    %gt3A_1028 = vector.broadcast %gt3A_1027 : i32 to vector<16xi32>
    %gt3A_1029 = arith.cmpi sgt, %get3A_1004, %gt3A_1028 : vector<16xi32>
    %select_n3A_1030 = arith.select %gt3A_1029, %min3A_1012, %add3A_1026 : vector<16xi1>, vector<16xi32>
    %swap3A_1031 = arith.constant 3 : i32
    %swap3A_1032 = arith.index_cast %swap3A_1031 : i32 to index
    %swap3A_1033 = arith.constant 48 : index
    %swap3A_1034 = tpu.vector_load %arg6[%swap3A_1032, %swap3A_1033] {strides = array<i32>} : memref<8x128xi32, #tpu.memory_space<vmem>>, vector<16xi32>,
    tpu.vector_store %arg6[%swap3A_1032, %swap3A_1033], %select_n3A_1030 {strides = array<i32>} : memref<8x128xi32, #tpu.memory_space<vmem>>, vector<16xi32>,
    %slice3A_1035 = vector.extract_strided_slice %add3A_1009 {offsets = [15], sizes = [1], strides = [1]} : vector<16xi32> to vector<1xi32>
    %squeeze3A_1036 = vector.extract %slice3A_1035[0] : i32 from vector<1xi32>
    %get3A_1037 = arith.constant 448 : index
    %get3A_1038 = tpu.vector_load %arg5[%get3A_1037] {strides = array<i32>} : memref<1024xi32, #tpu.memory_space<vmem>>, vector<16xi32>,
    %broadcast_in_dim3A_1039 = arith.constant true
    %broadcast_in_dim3A_1040 = vector.broadcast %broadcast_in_dim3A_1039 : i1 to vector<16xi1>
    %masked_cumsum3A_1041 = tpu.scan <sum>, %get3A_1038 masked %broadcast_in_dim3A_1040 : vector<16xi32>, vector<16xi1> -> vector<16xi32>
    %add3A_1042 = vector.broadcast %squeeze3A_1036 : i32 to vector<16xi32>
    %add3A_1043 = arith.addi %masked_cumsum3A_1041, %add3A_1042 : vector<16xi32>
    %min3A_1044 = arith.constant 8191 : i32
    %min3A_1045 = vector.broadcast %min3A_1044 : i32 to vector<16xi32>
    %min3A_1046 = arith.minsi %add3A_1043, %min3A_1045 : vector<16xi32>
    %iota3A_1047 = tpu.iota {dimensions = array<i32: 0>} : vector<16xi32>
    %add3A_1048 = arith.constant 448 : i32
    %add3A_1049 = vector.broadcast %add3A_1048 : i32 to vector<16xi32>
    %add3A_1050 = arith.addi %iota3A_1047, %add3A_1049 : vector<16xi32>
    %mul3A_1051 = arith.constant 8 : i32
    %mul3A_1052 = arith.muli %add3A, %mul3A_1051 : i32
    %add3A_1053 = vector.broadcast %mul3A_1052 : i32 to vector<16xi32>
    %add3A_1054 = arith.addi %add3A_1050, %add3A_1053 : vector<16xi32>
    %and3A_1055 = arith.constant 1023 : i32
    %and3A_1056 = vector.broadcast %and3A_1055 : i32 to vector<16xi32>
    %and3A_1057 = arith.andi %add3A_1054, %and3A_1056 : vector<16xi32>
    %add3A_1058 = arith.constant 8192 : i32
    %add3A_1059 = vector.broadcast %add3A_1058 : i32 to vector<16xi32>
    %add3A_1060 = arith.addi %add3A_1059, %and3A_1057 : vector<16xi32>
    %gt3A_1061 = arith.constant 0 : i32
    %gt3A_1062 = vector.broadcast %gt3A_1061 : i32 to vector<16xi32>
    %gt3A_1063 = arith.cmpi sgt, %get3A_1038, %gt3A_1062 : vector<16xi32>
    %select_n3A_1064 = arith.select %gt3A_1063, %min3A_1046, %add3A_1060 : vector<16xi1>, vector<16xi32>
    %swap3A_1065 = arith.constant 3 : i32
    %swap3A_1066 = arith.index_cast %swap3A_1065 : i32 to index
    %swap3A_1067 = arith.constant 64 : index
    %swap3A_1068 = tpu.vector_load %arg6[%swap3A_1066, %swap3A_1067] {strides = array<i32>} : memref<8x128xi32, #tpu.memory_space<vmem>>, vector<16xi32>,
    tpu.vector_store %arg6[%swap3A_1066, %swap3A_1067], %select_n3A_1064 {strides = array<i32>} : memref<8x128xi32, #tpu.memory_space<vmem>>, vector<16xi32>,
    %slice3A_1069 = vector.extract_strided_slice %add3A_1043 {offsets = [15], sizes = [1], strides = [1]} : vector<16xi32> to vector<1xi32>
    %squeeze3A_1070 = vector.extract %slice3A_1069[0] : i32 from vector<1xi32>
    %get3A_1071 = arith.constant 464 : index
    %get3A_1072 = tpu.vector_load %arg5[%get3A_1071] {strides = array<i32>} : memref<1024xi32, #tpu.memory_space<vmem>>, vector<16xi32>,
    %broadcast_in_dim3A_1073 = arith.constant true
    %broadcast_in_dim3A_1074 = vector.broadcast %broadcast_in_dim3A_1073 : i1 to vector<16xi1>
    %masked_cumsum3A_1075 = tpu.scan <sum>, %get3A_1072 masked %broadcast_in_dim3A_1074 : vector<16xi32>, vector<16xi1> -> vector<16xi32>
    %add3A_1076 = vector.broadcast %squeeze3A_1070 : i32 to vector<16xi32>
    %add3A_1077 = arith.addi %masked_cumsum3A_1075, %add3A_1076 : vector<16xi32>
    %min3A_1078 = arith.constant 8191 : i32
    %min3A_1079 = vector.broadcast %min3A_1078 : i32 to vector<16xi32>
    %min3A_1080 = arith.minsi %add3A_1077, %min3A_1079 : vector<16xi32>
    %iota3A_1081 = tpu.iota {dimensions = array<i32: 0>} : vector<16xi32>
    %add3A_1082 = arith.constant 464 : i32
    %add3A_1083 = vector.broadcast %add3A_1082 : i32 to vector<16xi32>
    %add3A_1084 = arith.addi %iota3A_1081, %add3A_1083 : vector<16xi32>
    %mul3A_1085 = arith.constant 8 : i32
    %mul3A_1086 = arith.muli %add3A, %mul3A_1085 : i32
    %add3A_1087 = vector.broadcast %mul3A_1086 : i32 to vector<16xi32>
    %add3A_1088 = arith.addi %add3A_1084, %add3A_1087 : vector<16xi32>
    %and3A_1089 = arith.constant 1023 : i32
    %and3A_1090 = vector.broadcast %and3A_1089 : i32 to vector<16xi32>
    %and3A_1091 = arith.andi %add3A_1088, %and3A_1090 : vector<16xi32>
    %add3A_1092 = arith.constant 8192 : i32
    %add3A_1093 = vector.broadcast %add3A_1092 : i32 to vector<16xi32>
    %add3A_1094 = arith.addi %add3A_1093, %and3A_1091 : vector<16xi32>
    %gt3A_1095 = arith.constant 0 : i32
    %gt3A_1096 = vector.broadcast %gt3A_1095 : i32 to vector<16xi32>
    %gt3A_1097 = arith.cmpi sgt, %get3A_1072, %gt3A_1096 : vector<16xi32>
    %select_n3A_1098 = arith.select %gt3A_1097, %min3A_1080, %add3A_1094 : vector<16xi1>, vector<16xi32>
    %swap3A_1099 = arith.constant 3 : i32
    %swap3A_1100 = arith.index_cast %swap3A_1099 : i32 to index
    %swap3A_1101 = arith.constant 80 : index
    %swap3A_1102 = tpu.vector_load %arg6[%swap3A_1100, %swap3A_1101] {strides = array<i32>} : memref<8x128xi32, #tpu.memory_space<vmem>>, vector<16xi32>,
    tpu.vector_store %arg6[%swap3A_1100, %swap3A_1101], %select_n3A_1098 {strides = array<i32>} : memref<8x128xi32, #tpu.memory_space<vmem>>, vector<16xi32>,
    %slice3A_1103 = vector.extract_strided_slice %add3A_1077 {offsets = [15], sizes = [1], strides = [1]} : vector<16xi32> to vector<1xi32>
    %squeeze3A_1104 = vector.extract %slice3A_1103[0] : i32 from vector<1xi32>
    %get3A_1105 = arith.constant 480 : index
    %get3A_1106 = tpu.vector_load %arg5[%get3A_1105] {strides = array<i32>} : memref<1024xi32, #tpu.memory_space<vmem>>, vector<16xi32>,
    %broadcast_in_dim3A_1107 = arith.constant true
    %broadcast_in_dim3A_1108 = vector.broadcast %broadcast_in_dim3A_1107 : i1 to vector<16xi1>
    %masked_cumsum3A_1109 = tpu.scan <sum>, %get3A_1106 masked %broadcast_in_dim3A_1108 : vector<16xi32>, vector<16xi1> -> vector<16xi32>
    %add3A_1110 = vector.broadcast %squeeze3A_1104 : i32 to vector<16xi32>
    %add3A_1111 = arith.addi %masked_cumsum3A_1109, %add3A_1110 : vector<16xi32>
    %min3A_1112 = arith.constant 8191 : i32
    %min3A_1113 = vector.broadcast %min3A_1112 : i32 to vector<16xi32>
    %min3A_1114 = arith.minsi %add3A_1111, %min3A_1113 : vector<16xi32>
    %iota3A_1115 = tpu.iota {dimensions = array<i32: 0>} : vector<16xi32>
    %add3A_1116 = arith.constant 480 : i32
    %add3A_1117 = vector.broadcast %add3A_1116 : i32 to vector<16xi32>
    %add3A_1118 = arith.addi %iota3A_1115, %add3A_1117 : vector<16xi32>
    %mul3A_1119 = arith.constant 8 : i32
    %mul3A_1120 = arith.muli %add3A, %mul3A_1119 : i32
    %add3A_1121 = vector.broadcast %mul3A_1120 : i32 to vector<16xi32>
    %add3A_1122 = arith.addi %add3A_1118, %add3A_1121 : vector<16xi32>
    %and3A_1123 = arith.constant 1023 : i32
    %and3A_1124 = vector.broadcast %and3A_1123 : i32 to vector<16xi32>
    %and3A_1125 = arith.andi %add3A_1122, %and3A_1124 : vector<16xi32>
    %add3A_1126 = arith.constant 8192 : i32
    %add3A_1127 = vector.broadcast %add3A_1126 : i32 to vector<16xi32>
    %add3A_1128 = arith.addi %add3A_1127, %and3A_1125 : vector<16xi32>
    %gt3A_1129 = arith.constant 0 : i32
    %gt3A_1130 = vector.broadcast %gt3A_1129 : i32 to vector<16xi32>
    %gt3A_1131 = arith.cmpi sgt, %get3A_1106, %gt3A_1130 : vector<16xi32>
    %select_n3A_1132 = arith.select %gt3A_1131, %min3A_1114, %add3A_1128 : vector<16xi1>, vector<16xi32>
    %swap3A_1133 = arith.constant 3 : i32
    %swap3A_1134 = arith.index_cast %swap3A_1133 : i32 to index
    %swap3A_1135 = arith.constant 96 : index
    %swap3A_1136 = tpu.vector_load %arg6[%swap3A_1134, %swap3A_1135] {strides = array<i32>} : memref<8x128xi32, #tpu.memory_space<vmem>>, vector<16xi32>,
    tpu.vector_store %arg6[%swap3A_1134, %swap3A_1135], %select_n3A_1132 {strides = array<i32>} : memref<8x128xi32, #tpu.memory_space<vmem>>, vector<16xi32>,
    %slice3A_1137 = vector.extract_strided_slice %add3A_1111 {offsets = [15], sizes = [1], strides = [1]} : vector<16xi32> to vector<1xi32>
    %squeeze3A_1138 = vector.extract %slice3A_1137[0] : i32 from vector<1xi32>
    %get3A_1139 = arith.constant 496 : index
    %get3A_1140 = tpu.vector_load %arg5[%get3A_1139] {strides = array<i32>} : memref<1024xi32, #tpu.memory_space<vmem>>, vector<16xi32>,
    %broadcast_in_dim3A_1141 = arith.constant true
    %broadcast_in_dim3A_1142 = vector.broadcast %broadcast_in_dim3A_1141 : i1 to vector<16xi1>
    %masked_cumsum3A_1143 = tpu.scan <sum>, %get3A_1140 masked %broadcast_in_dim3A_1142 : vector<16xi32>, vector<16xi1> -> vector<16xi32>
    %add3A_1144 = vector.broadcast %squeeze3A_1138 : i32 to vector<16xi32>
    %add3A_1145 = arith.addi %masked_cumsum3A_1143, %add3A_1144 : vector<16xi32>
    %min3A_1146 = arith.constant 8191 : i32
    %min3A_1147 = vector.broadcast %min3A_1146 : i32 to vector<16xi32>
    %min3A_1148 = arith.minsi %add3A_1145, %min3A_1147 : vector<16xi32>
    %iota3A_1149 = tpu.iota {dimensions = array<i32: 0>} : vector<16xi32>
    %add3A_1150 = arith.constant 496 : i32
    %add3A_1151 = vector.broadcast %add3A_1150 : i32 to vector<16xi32>
    %add3A_1152 = arith.addi %iota3A_1149, %add3A_1151 : vector<16xi32>
    %mul3A_1153 = arith.constant 8 : i32
    %mul3A_1154 = arith.muli %add3A, %mul3A_1153 : i32
    %add3A_1155 = vector.broadcast %mul3A_1154 : i32 to vector<16xi32>
    %add3A_1156 = arith.addi %add3A_1152, %add3A_1155 : vector<16xi32>
    %and3A_1157 = arith.constant 1023 : i32
    %and3A_1158 = vector.broadcast %and3A_1157 : i32 to vector<16xi32>
    %and3A_1159 = arith.andi %add3A_1156, %and3A_1158 : vector<16xi32>
    %add3A_1160 = arith.constant 8192 : i32
    %add3A_1161 = vector.broadcast %add3A_1160 : i32 to vector<16xi32>
    %add3A_1162 = arith.addi %add3A_1161, %and3A_1159 : vector<16xi32>
    %gt3A_1163 = arith.constant 0 : i32
    %gt3A_1164 = vector.broadcast %gt3A_1163 : i32 to vector<16xi32>
    %gt3A_1165 = arith.cmpi sgt, %get3A_1140, %gt3A_1164 : vector<16xi32>
    %select_n3A_1166 = arith.select %gt3A_1165, %min3A_1148, %add3A_1162 : vector<16xi1>, vector<16xi32>
    %swap3A_1167 = arith.constant 3 : i32
    %swap3A_1168 = arith.index_cast %swap3A_1167 : i32 to index
    %swap3A_1169 = arith.constant 112 : index
    %swap3A_1170 = tpu.vector_load %arg6[%swap3A_1168, %swap3A_1169] {strides = array<i32>} : memref<8x128xi32, #tpu.memory_space<vmem>>, vector<16xi32>,
    tpu.vector_store %arg6[%swap3A_1168, %swap3A_1169], %select_n3A_1166 {strides = array<i32>} : memref<8x128xi32, #tpu.memory_space<vmem>>, vector<16xi32>,
    %slice3A_1171 = vector.extract_strided_slice %add3A_1145 {offsets = [15], sizes = [1], strides = [1]} : vector<16xi32> to vector<1xi32>
    %squeeze3A_1172 = vector.extract %slice3A_1171[0] : i32 from vector<1xi32>
    %dma_start3A_1173 = arith.constant 3 : i32
    %dma_start3A_1174 = arith.constant 384 : i32
    %dma_start3A_1175 = arith.constant 0 : i32
    %dma_start3A_1176 = tpu.memref_slice %arg7[%dma_start3A_1174, %dma_start3A_1175] : memref<1024x64xf32, #tpu.memory_space<vmem>> -> memref<128x64xf32, #tpu.memory_space<vmem>>
    %dma_start3A_1177 = arith.constant 0 : i32
    %dma_start3A_1178 = tpu.memref_slice %arg6[%dma_start3A_1173, %dma_start3A_1177] : memref<8x128xi32, #tpu.memory_space<vmem>> -> memref<1x128xi32, #tpu.memory_space<vmem>>
    %dma_start3A_1179 = tpu.memref_squeeze %dma_start3A_1178 : memref<1x128xi32, #tpu.memory_space<vmem>> -> memref<128xi32, #tpu.memory_space<vmem>>
    %dma_start3A_1180 = arith.constant 0 : i32
    %dma_start3A_1181 = arith.constant 0 : i32
    %dma_start3A_1182 = tpu.memref_slice %arg3[%dma_start3A_1180, %dma_start3A_1181] : memref<9216x64xf32, #tpu.memory_space<hbm>> -> memref<9216x64xf32, #tpu.memory_space<hbm>>
    tpu.enqueue_indirect_dma source(%dma_start3A_1182 : memref<9216x64xf32, #tpu.memory_space<hbm>>) target(%dma_start3A_1176 : memref<128x64xf32, #tpu.memory_space<vmem>>) offsets(%dma_start3A_1179 : memref<128xi32, #tpu.memory_space<vmem>>) semaphore(%arg11 : memref<!tpu.dma_semaphore, #tpu.memory_space<semaphore_mem>>)
    %get3A_1183 = arith.constant 512 : index
    %get3A_1184 = tpu.vector_load %arg5[%get3A_1183] {strides = array<i32>} : memref<1024xi32, #tpu.memory_space<vmem>>, vector<16xi32>,
    %broadcast_in_dim3A_1185 = arith.constant true
    %broadcast_in_dim3A_1186 = vector.broadcast %broadcast_in_dim3A_1185 : i1 to vector<16xi1>
    %masked_cumsum3A_1187 = tpu.scan <sum>, %get3A_1184 masked %broadcast_in_dim3A_1186 : vector<16xi32>, vector<16xi1> -> vector<16xi32>
    %add3A_1188 = vector.broadcast %squeeze3A_1172 : i32 to vector<16xi32>
    %add3A_1189 = arith.addi %masked_cumsum3A_1187, %add3A_1188 : vector<16xi32>
    %min3A_1190 = arith.constant 8191 : i32
    %min3A_1191 = vector.broadcast %min3A_1190 : i32 to vector<16xi32>
    %min3A_1192 = arith.minsi %add3A_1189, %min3A_1191 : vector<16xi32>
    %iota3A_1193 = tpu.iota {dimensions = array<i32: 0>} : vector<16xi32>
    %add3A_1194 = arith.constant 512 : i32
    %add3A_1195 = vector.broadcast %add3A_1194 : i32 to vector<16xi32>
    %add3A_1196 = arith.addi %iota3A_1193, %add3A_1195 : vector<16xi32>
    %mul3A_1197 = arith.constant 8 : i32
    %mul3A_1198 = arith.muli %add3A, %mul3A_1197 : i32
    %add3A_1199 = vector.broadcast %mul3A_1198 : i32 to vector<16xi32>
    %add3A_1200 = arith.addi %add3A_1196, %add3A_1199 : vector<16xi32>
    %and3A_1201 = arith.constant 1023 : i32
    %and3A_1202 = vector.broadcast %and3A_1201 : i32 to vector<16xi32>
    %and3A_1203 = arith.andi %add3A_1200, %and3A_1202 : vector<16xi32>
    %add3A_1204 = arith.constant 8192 : i32
    %add3A_1205 = vector.broadcast %add3A_1204 : i32 to vector<16xi32>
    %add3A_1206 = arith.addi %add3A_1205, %and3A_1203 : vector<16xi32>
    %gt3A_1207 = arith.constant 0 : i32
    %gt3A_1208 = vector.broadcast %gt3A_1207 : i32 to vector<16xi32>
    %gt3A_1209 = arith.cmpi sgt, %get3A_1184, %gt3A_1208 : vector<16xi32>
    %select_n3A_1210 = arith.select %gt3A_1209, %min3A_1192, %add3A_1206 : vector<16xi1>, vector<16xi32>
    %swap3A_1211 = arith.constant 4 : i32
    %swap3A_1212 = arith.index_cast %swap3A_1211 : i32 to index
    %swap3A_1213 = arith.constant 0 : index
    %swap3A_1214 = tpu.vector_load %arg6[%swap3A_1212, %swap3A_1213] {strides = array<i32>} : memref<8x128xi32, #tpu.memory_space<vmem>>, vector<16xi32>,
    tpu.vector_store %arg6[%swap3A_1212, %swap3A_1213], %select_n3A_1210 {strides = array<i32>} : memref<8x128xi32, #tpu.memory_space<vmem>>, vector<16xi32>,
    %slice3A_1215 = vector.extract_strided_slice %add3A_1189 {offsets = [15], sizes = [1], strides = [1]} : vector<16xi32> to vector<1xi32>
    %squeeze3A_1216 = vector.extract %slice3A_1215[0] : i32 from vector<1xi32>
    %get3A_1217 = arith.constant 528 : index
    %get3A_1218 = tpu.vector_load %arg5[%get3A_1217] {strides = array<i32>} : memref<1024xi32, #tpu.memory_space<vmem>>, vector<16xi32>,
    %broadcast_in_dim3A_1219 = arith.constant true
    %broadcast_in_dim3A_1220 = vector.broadcast %broadcast_in_dim3A_1219 : i1 to vector<16xi1>
    %masked_cumsum3A_1221 = tpu.scan <sum>, %get3A_1218 masked %broadcast_in_dim3A_1220 : vector<16xi32>, vector<16xi1> -> vector<16xi32>
    %add3A_1222 = vector.broadcast %squeeze3A_1216 : i32 to vector<16xi32>
    %add3A_1223 = arith.addi %masked_cumsum3A_1221, %add3A_1222 : vector<16xi32>
    %min3A_1224 = arith.constant 8191 : i32
    %min3A_1225 = vector.broadcast %min3A_1224 : i32 to vector<16xi32>
    %min3A_1226 = arith.minsi %add3A_1223, %min3A_1225 : vector<16xi32>
    %iota3A_1227 = tpu.iota {dimensions = array<i32: 0>} : vector<16xi32>
    %add3A_1228 = arith.constant 528 : i32
    %add3A_1229 = vector.broadcast %add3A_1228 : i32 to vector<16xi32>
    %add3A_1230 = arith.addi %iota3A_1227, %add3A_1229 : vector<16xi32>
    %mul3A_1231 = arith.constant 8 : i32
    %mul3A_1232 = arith.muli %add3A, %mul3A_1231 : i32
    %add3A_1233 = vector.broadcast %mul3A_1232 : i32 to vector<16xi32>
    %add3A_1234 = arith.addi %add3A_1230, %add3A_1233 : vector<16xi32>
    %and3A_1235 = arith.constant 1023 : i32
    %and3A_1236 = vector.broadcast %and3A_1235 : i32 to vector<16xi32>
    %and3A_1237 = arith.andi %add3A_1234, %and3A_1236 : vector<16xi32>
    %add3A_1238 = arith.constant 8192 : i32
    %add3A_1239 = vector.broadcast %add3A_1238 : i32 to vector<16xi32>
    %add3A_1240 = arith.addi %add3A_1239, %and3A_1237 : vector<16xi32>
    %gt3A_1241 = arith.constant 0 : i32
    %gt3A_1242 = vector.broadcast %gt3A_1241 : i32 to vector<16xi32>
    %gt3A_1243 = arith.cmpi sgt, %get3A_1218, %gt3A_1242 : vector<16xi32>
    %select_n3A_1244 = arith.select %gt3A_1243, %min3A_1226, %add3A_1240 : vector<16xi1>, vector<16xi32>
    %swap3A_1245 = arith.constant 4 : i32
    %swap3A_1246 = arith.index_cast %swap3A_1245 : i32 to index
    %swap3A_1247 = arith.constant 16 : index
    %swap3A_1248 = tpu.vector_load %arg6[%swap3A_1246, %swap3A_1247] {strides = array<i32>} : memref<8x128xi32, #tpu.memory_space<vmem>>, vector<16xi32>,
    tpu.vector_store %arg6[%swap3A_1246, %swap3A_1247], %select_n3A_1244 {strides = array<i32>} : memref<8x128xi32, #tpu.memory_space<vmem>>, vector<16xi32>,
    %slice3A_1249 = vector.extract_strided_slice %add3A_1223 {offsets = [15], sizes = [1], strides = [1]} : vector<16xi32> to vector<1xi32>
    %squeeze3A_1250 = vector.extract %slice3A_1249[0] : i32 from vector<1xi32>
    %get3A_1251 = arith.constant 544 : index
    %get3A_1252 = tpu.vector_load %arg5[%get3A_1251] {strides = array<i32>} : memref<1024xi32, #tpu.memory_space<vmem>>, vector<16xi32>,
    %broadcast_in_dim3A_1253 = arith.constant true
    %broadcast_in_dim3A_1254 = vector.broadcast %broadcast_in_dim3A_1253 : i1 to vector<16xi1>
    %masked_cumsum3A_1255 = tpu.scan <sum>, %get3A_1252 masked %broadcast_in_dim3A_1254 : vector<16xi32>, vector<16xi1> -> vector<16xi32>
    %add3A_1256 = vector.broadcast %squeeze3A_1250 : i32 to vector<16xi32>
    %add3A_1257 = arith.addi %masked_cumsum3A_1255, %add3A_1256 : vector<16xi32>
    %min3A_1258 = arith.constant 8191 : i32
    %min3A_1259 = vector.broadcast %min3A_1258 : i32 to vector<16xi32>
    %min3A_1260 = arith.minsi %add3A_1257, %min3A_1259 : vector<16xi32>
    %iota3A_1261 = tpu.iota {dimensions = array<i32: 0>} : vector<16xi32>
    %add3A_1262 = arith.constant 544 : i32
    %add3A_1263 = vector.broadcast %add3A_1262 : i32 to vector<16xi32>
    %add3A_1264 = arith.addi %iota3A_1261, %add3A_1263 : vector<16xi32>
    %mul3A_1265 = arith.constant 8 : i32
    %mul3A_1266 = arith.muli %add3A, %mul3A_1265 : i32
    %add3A_1267 = vector.broadcast %mul3A_1266 : i32 to vector<16xi32>
    %add3A_1268 = arith.addi %add3A_1264, %add3A_1267 : vector<16xi32>
    %and3A_1269 = arith.constant 1023 : i32
    %and3A_1270 = vector.broadcast %and3A_1269 : i32 to vector<16xi32>
    %and3A_1271 = arith.andi %add3A_1268, %and3A_1270 : vector<16xi32>
    %add3A_1272 = arith.constant 8192 : i32
    %add3A_1273 = vector.broadcast %add3A_1272 : i32 to vector<16xi32>
    %add3A_1274 = arith.addi %add3A_1273, %and3A_1271 : vector<16xi32>
    %gt3A_1275 = arith.constant 0 : i32
    %gt3A_1276 = vector.broadcast %gt3A_1275 : i32 to vector<16xi32>
    %gt3A_1277 = arith.cmpi sgt, %get3A_1252, %gt3A_1276 : vector<16xi32>
    %select_n3A_1278 = arith.select %gt3A_1277, %min3A_1260, %add3A_1274 : vector<16xi1>, vector<16xi32>
    %swap3A_1279 = arith.constant 4 : i32
    %swap3A_1280 = arith.index_cast %swap3A_1279 : i32 to index
    %swap3A_1281 = arith.constant 32 : index
    %swap3A_1282 = tpu.vector_load %arg6[%swap3A_1280, %swap3A_1281] {strides = array<i32>} : memref<8x128xi32, #tpu.memory_space<vmem>>, vector<16xi32>,
    tpu.vector_store %arg6[%swap3A_1280, %swap3A_1281], %select_n3A_1278 {strides = array<i32>} : memref<8x128xi32, #tpu.memory_space<vmem>>, vector<16xi32>,
    %slice3A_1283 = vector.extract_strided_slice %add3A_1257 {offsets = [15], sizes = [1], strides = [1]} : vector<16xi32> to vector<1xi32>
    %squeeze3A_1284 = vector.extract %slice3A_1283[0] : i32 from vector<1xi32>
    %get3A_1285 = arith.constant 560 : index
    %get3A_1286 = tpu.vector_load %arg5[%get3A_1285] {strides = array<i32>} : memref<1024xi32, #tpu.memory_space<vmem>>, vector<16xi32>,
    %broadcast_in_dim3A_1287 = arith.constant true
    %broadcast_in_dim3A_1288 = vector.broadcast %broadcast_in_dim3A_1287 : i1 to vector<16xi1>
    %masked_cumsum3A_1289 = tpu.scan <sum>, %get3A_1286 masked %broadcast_in_dim3A_1288 : vector<16xi32>, vector<16xi1> -> vector<16xi32>
    %add3A_1290 = vector.broadcast %squeeze3A_1284 : i32 to vector<16xi32>
    %add3A_1291 = arith.addi %masked_cumsum3A_1289, %add3A_1290 : vector<16xi32>
    %min3A_1292 = arith.constant 8191 : i32
    %min3A_1293 = vector.broadcast %min3A_1292 : i32 to vector<16xi32>
    %min3A_1294 = arith.minsi %add3A_1291, %min3A_1293 : vector<16xi32>
    %iota3A_1295 = tpu.iota {dimensions = array<i32: 0>} : vector<16xi32>
    %add3A_1296 = arith.constant 560 : i32
    %add3A_1297 = vector.broadcast %add3A_1296 : i32 to vector<16xi32>
    %add3A_1298 = arith.addi %iota3A_1295, %add3A_1297 : vector<16xi32>
    %mul3A_1299 = arith.constant 8 : i32
    %mul3A_1300 = arith.muli %add3A, %mul3A_1299 : i32
    %add3A_1301 = vector.broadcast %mul3A_1300 : i32 to vector<16xi32>
    %add3A_1302 = arith.addi %add3A_1298, %add3A_1301 : vector<16xi32>
    %and3A_1303 = arith.constant 1023 : i32
    %and3A_1304 = vector.broadcast %and3A_1303 : i32 to vector<16xi32>
    %and3A_1305 = arith.andi %add3A_1302, %and3A_1304 : vector<16xi32>
    %add3A_1306 = arith.constant 8192 : i32
    %add3A_1307 = vector.broadcast %add3A_1306 : i32 to vector<16xi32>
    %add3A_1308 = arith.addi %add3A_1307, %and3A_1305 : vector<16xi32>
    %gt3A_1309 = arith.constant 0 : i32
    %gt3A_1310 = vector.broadcast %gt3A_1309 : i32 to vector<16xi32>
    %gt3A_1311 = arith.cmpi sgt, %get3A_1286, %gt3A_1310 : vector<16xi32>
    %select_n3A_1312 = arith.select %gt3A_1311, %min3A_1294, %add3A_1308 : vector<16xi1>, vector<16xi32>
    %swap3A_1313 = arith.constant 4 : i32
    %swap3A_1314 = arith.index_cast %swap3A_1313 : i32 to index
    %swap3A_1315 = arith.constant 48 : index
    %swap3A_1316 = tpu.vector_load %arg6[%swap3A_1314, %swap3A_1315] {strides = array<i32>} : memref<8x128xi32, #tpu.memory_space<vmem>>, vector<16xi32>,
    tpu.vector_store %arg6[%swap3A_1314, %swap3A_1315], %select_n3A_1312 {strides = array<i32>} : memref<8x128xi32, #tpu.memory_space<vmem>>, vector<16xi32>,
    %slice3A_1317 = vector.extract_strided_slice %add3A_1291 {offsets = [15], sizes = [1], strides = [1]} : vector<16xi32> to vector<1xi32>
    %squeeze3A_1318 = vector.extract %slice3A_1317[0] : i32 from vector<1xi32>
    %get3A_1319 = arith.constant 576 : index
    %get3A_1320 = tpu.vector_load %arg5[%get3A_1319] {strides = array<i32>} : memref<1024xi32, #tpu.memory_space<vmem>>, vector<16xi32>,
    %broadcast_in_dim3A_1321 = arith.constant true
    %broadcast_in_dim3A_1322 = vector.broadcast %broadcast_in_dim3A_1321 : i1 to vector<16xi1>
    %masked_cumsum3A_1323 = tpu.scan <sum>, %get3A_1320 masked %broadcast_in_dim3A_1322 : vector<16xi32>, vector<16xi1> -> vector<16xi32>
    %add3A_1324 = vector.broadcast %squeeze3A_1318 : i32 to vector<16xi32>
    %add3A_1325 = arith.addi %masked_cumsum3A_1323, %add3A_1324 : vector<16xi32>
    %min3A_1326 = arith.constant 8191 : i32
    %min3A_1327 = vector.broadcast %min3A_1326 : i32 to vector<16xi32>
    %min3A_1328 = arith.minsi %add3A_1325, %min3A_1327 : vector<16xi32>
    %iota3A_1329 = tpu.iota {dimensions = array<i32: 0>} : vector<16xi32>
    %add3A_1330 = arith.constant 576 : i32
    %add3A_1331 = vector.broadcast %add3A_1330 : i32 to vector<16xi32>
    %add3A_1332 = arith.addi %iota3A_1329, %add3A_1331 : vector<16xi32>
    %mul3A_1333 = arith.constant 8 : i32
    %mul3A_1334 = arith.muli %add3A, %mul3A_1333 : i32
    %add3A_1335 = vector.broadcast %mul3A_1334 : i32 to vector<16xi32>
    %add3A_1336 = arith.addi %add3A_1332, %add3A_1335 : vector<16xi32>
    %and3A_1337 = arith.constant 1023 : i32
    %and3A_1338 = vector.broadcast %and3A_1337 : i32 to vector<16xi32>
    %and3A_1339 = arith.andi %add3A_1336, %and3A_1338 : vector<16xi32>
    %add3A_1340 = arith.constant 8192 : i32
    %add3A_1341 = vector.broadcast %add3A_1340 : i32 to vector<16xi32>
    %add3A_1342 = arith.addi %add3A_1341, %and3A_1339 : vector<16xi32>
    %gt3A_1343 = arith.constant 0 : i32
    %gt3A_1344 = vector.broadcast %gt3A_1343 : i32 to vector<16xi32>
    %gt3A_1345 = arith.cmpi sgt, %get3A_1320, %gt3A_1344 : vector<16xi32>
    %select_n3A_1346 = arith.select %gt3A_1345, %min3A_1328, %add3A_1342 : vector<16xi1>, vector<16xi32>
    %swap3A_1347 = arith.constant 4 : i32
    %swap3A_1348 = arith.index_cast %swap3A_1347 : i32 to index
    %swap3A_1349 = arith.constant 64 : index
    %swap3A_1350 = tpu.vector_load %arg6[%swap3A_1348, %swap3A_1349] {strides = array<i32>} : memref<8x128xi32, #tpu.memory_space<vmem>>, vector<16xi32>,
    tpu.vector_store %arg6[%swap3A_1348, %swap3A_1349], %select_n3A_1346 {strides = array<i32>} : memref<8x128xi32, #tpu.memory_space<vmem>>, vector<16xi32>,
    %slice3A_1351 = vector.extract_strided_slice %add3A_1325 {offsets = [15], sizes = [1], strides = [1]} : vector<16xi32> to vector<1xi32>
    %squeeze3A_1352 = vector.extract %slice3A_1351[0] : i32 from vector<1xi32>
    %get3A_1353 = arith.constant 592 : index
    %get3A_1354 = tpu.vector_load %arg5[%get3A_1353] {strides = array<i32>} : memref<1024xi32, #tpu.memory_space<vmem>>, vector<16xi32>,
    %broadcast_in_dim3A_1355 = arith.constant true
    %broadcast_in_dim3A_1356 = vector.broadcast %broadcast_in_dim3A_1355 : i1 to vector<16xi1>
    %masked_cumsum3A_1357 = tpu.scan <sum>, %get3A_1354 masked %broadcast_in_dim3A_1356 : vector<16xi32>, vector<16xi1> -> vector<16xi32>
    %add3A_1358 = vector.broadcast %squeeze3A_1352 : i32 to vector<16xi32>
    %add3A_1359 = arith.addi %masked_cumsum3A_1357, %add3A_1358 : vector<16xi32>
    %min3A_1360 = arith.constant 8191 : i32
    %min3A_1361 = vector.broadcast %min3A_1360 : i32 to vector<16xi32>
    %min3A_1362 = arith.minsi %add3A_1359, %min3A_1361 : vector<16xi32>
    %iota3A_1363 = tpu.iota {dimensions = array<i32: 0>} : vector<16xi32>
    %add3A_1364 = arith.constant 592 : i32
    %add3A_1365 = vector.broadcast %add3A_1364 : i32 to vector<16xi32>
    %add3A_1366 = arith.addi %iota3A_1363, %add3A_1365 : vector<16xi32>
    %mul3A_1367 = arith.constant 8 : i32
    %mul3A_1368 = arith.muli %add3A, %mul3A_1367 : i32
    %add3A_1369 = vector.broadcast %mul3A_1368 : i32 to vector<16xi32>
    %add3A_1370 = arith.addi %add3A_1366, %add3A_1369 : vector<16xi32>
    %and3A_1371 = arith.constant 1023 : i32
    %and3A_1372 = vector.broadcast %and3A_1371 : i32 to vector<16xi32>
    %and3A_1373 = arith.andi %add3A_1370, %and3A_1372 : vector<16xi32>
    %add3A_1374 = arith.constant 8192 : i32
    %add3A_1375 = vector.broadcast %add3A_1374 : i32 to vector<16xi32>
    %add3A_1376 = arith.addi %add3A_1375, %and3A_1373 : vector<16xi32>
    %gt3A_1377 = arith.constant 0 : i32
    %gt3A_1378 = vector.broadcast %gt3A_1377 : i32 to vector<16xi32>
    %gt3A_1379 = arith.cmpi sgt, %get3A_1354, %gt3A_1378 : vector<16xi32>
    %select_n3A_1380 = arith.select %gt3A_1379, %min3A_1362, %add3A_1376 : vector<16xi1>, vector<16xi32>
    %swap3A_1381 = arith.constant 4 : i32
    %swap3A_1382 = arith.index_cast %swap3A_1381 : i32 to index
    %swap3A_1383 = arith.constant 80 : index
    %swap3A_1384 = tpu.vector_load %arg6[%swap3A_1382, %swap3A_1383] {strides = array<i32>} : memref<8x128xi32, #tpu.memory_space<vmem>>, vector<16xi32>,
    tpu.vector_store %arg6[%swap3A_1382, %swap3A_1383], %select_n3A_1380 {strides = array<i32>} : memref<8x128xi32, #tpu.memory_space<vmem>>, vector<16xi32>,
    %slice3A_1385 = vector.extract_strided_slice %add3A_1359 {offsets = [15], sizes = [1], strides = [1]} : vector<16xi32> to vector<1xi32>
    %squeeze3A_1386 = vector.extract %slice3A_1385[0] : i32 from vector<1xi32>
    %get3A_1387 = arith.constant 608 : index
    %get3A_1388 = tpu.vector_load %arg5[%get3A_1387] {strides = array<i32>} : memref<1024xi32, #tpu.memory_space<vmem>>, vector<16xi32>,
    %broadcast_in_dim3A_1389 = arith.constant true
    %broadcast_in_dim3A_1390 = vector.broadcast %broadcast_in_dim3A_1389 : i1 to vector<16xi1>
    %masked_cumsum3A_1391 = tpu.scan <sum>, %get3A_1388 masked %broadcast_in_dim3A_1390 : vector<16xi32>, vector<16xi1> -> vector<16xi32>
    %add3A_1392 = vector.broadcast %squeeze3A_1386 : i32 to vector<16xi32>
    %add3A_1393 = arith.addi %masked_cumsum3A_1391, %add3A_1392 : vector<16xi32>
    %min3A_1394 = arith.constant 8191 : i32
    %min3A_1395 = vector.broadcast %min3A_1394 : i32 to vector<16xi32>
    %min3A_1396 = arith.minsi %add3A_1393, %min3A_1395 : vector<16xi32>
    %iota3A_1397 = tpu.iota {dimensions = array<i32: 0>} : vector<16xi32>
    %add3A_1398 = arith.constant 608 : i32
    %add3A_1399 = vector.broadcast %add3A_1398 : i32 to vector<16xi32>
    %add3A_1400 = arith.addi %iota3A_1397, %add3A_1399 : vector<16xi32>
    %mul3A_1401 = arith.constant 8 : i32
    %mul3A_1402 = arith.muli %add3A, %mul3A_1401 : i32
    %add3A_1403 = vector.broadcast %mul3A_1402 : i32 to vector<16xi32>
    %add3A_1404 = arith.addi %add3A_1400, %add3A_1403 : vector<16xi32>
    %and3A_1405 = arith.constant 1023 : i32
    %and3A_1406 = vector.broadcast %and3A_1405 : i32 to vector<16xi32>
    %and3A_1407 = arith.andi %add3A_1404, %and3A_1406 : vector<16xi32>
    %add3A_1408 = arith.constant 8192 : i32
    %add3A_1409 = vector.broadcast %add3A_1408 : i32 to vector<16xi32>
    %add3A_1410 = arith.addi %add3A_1409, %and3A_1407 : vector<16xi32>
    %gt3A_1411 = arith.constant 0 : i32
    %gt3A_1412 = vector.broadcast %gt3A_1411 : i32 to vector<16xi32>
    %gt3A_1413 = arith.cmpi sgt, %get3A_1388, %gt3A_1412 : vector<16xi32>
    %select_n3A_1414 = arith.select %gt3A_1413, %min3A_1396, %add3A_1410 : vector<16xi1>, vector<16xi32>
    %swap3A_1415 = arith.constant 4 : i32
    %swap3A_1416 = arith.index_cast %swap3A_1415 : i32 to index
    %swap3A_1417 = arith.constant 96 : index
    %swap3A_1418 = tpu.vector_load %arg6[%swap3A_1416, %swap3A_1417] {strides = array<i32>} : memref<8x128xi32, #tpu.memory_space<vmem>>, vector<16xi32>,
    tpu.vector_store %arg6[%swap3A_1416, %swap3A_1417], %select_n3A_1414 {strides = array<i32>} : memref<8x128xi32, #tpu.memory_space<vmem>>, vector<16xi32>,
    %slice3A_1419 = vector.extract_strided_slice %add3A_1393 {offsets = [15], sizes = [1], strides = [1]} : vector<16xi32> to vector<1xi32>
    %squeeze3A_1420 = vector.extract %slice3A_1419[0] : i32 from vector<1xi32>
    %get3A_1421 = arith.constant 624 : index
    %get3A_1422 = tpu.vector_load %arg5[%get3A_1421] {strides = array<i32>} : memref<1024xi32, #tpu.memory_space<vmem>>, vector<16xi32>,
    %broadcast_in_dim3A_1423 = arith.constant true
    %broadcast_in_dim3A_1424 = vector.broadcast %broadcast_in_dim3A_1423 : i1 to vector<16xi1>
    %masked_cumsum3A_1425 = tpu.scan <sum>, %get3A_1422 masked %broadcast_in_dim3A_1424 : vector<16xi32>, vector<16xi1> -> vector<16xi32>
    %add3A_1426 = vector.broadcast %squeeze3A_1420 : i32 to vector<16xi32>
    %add3A_1427 = arith.addi %masked_cumsum3A_1425, %add3A_1426 : vector<16xi32>
    %min3A_1428 = arith.constant 8191 : i32
    %min3A_1429 = vector.broadcast %min3A_1428 : i32 to vector<16xi32>
    %min3A_1430 = arith.minsi %add3A_1427, %min3A_1429 : vector<16xi32>
    %iota3A_1431 = tpu.iota {dimensions = array<i32: 0>} : vector<16xi32>
    %add3A_1432 = arith.constant 624 : i32
    %add3A_1433 = vector.broadcast %add3A_1432 : i32 to vector<16xi32>
    %add3A_1434 = arith.addi %iota3A_1431, %add3A_1433 : vector<16xi32>
    %mul3A_1435 = arith.constant 8 : i32
    %mul3A_1436 = arith.muli %add3A, %mul3A_1435 : i32
    %add3A_1437 = vector.broadcast %mul3A_1436 : i32 to vector<16xi32>
    %add3A_1438 = arith.addi %add3A_1434, %add3A_1437 : vector<16xi32>
    %and3A_1439 = arith.constant 1023 : i32
    %and3A_1440 = vector.broadcast %and3A_1439 : i32 to vector<16xi32>
    %and3A_1441 = arith.andi %add3A_1438, %and3A_1440 : vector<16xi32>
    %add3A_1442 = arith.constant 8192 : i32
    %add3A_1443 = vector.broadcast %add3A_1442 : i32 to vector<16xi32>
    %add3A_1444 = arith.addi %add3A_1443, %and3A_1441 : vector<16xi32>
    %gt3A_1445 = arith.constant 0 : i32
    %gt3A_1446 = vector.broadcast %gt3A_1445 : i32 to vector<16xi32>
    %gt3A_1447 = arith.cmpi sgt, %get3A_1422, %gt3A_1446 : vector<16xi32>
    %select_n3A_1448 = arith.select %gt3A_1447, %min3A_1430, %add3A_1444 : vector<16xi1>, vector<16xi32>
    %swap3A_1449 = arith.constant 4 : i32
    %swap3A_1450 = arith.index_cast %swap3A_1449 : i32 to index
    %swap3A_1451 = arith.constant 112 : index
    %swap3A_1452 = tpu.vector_load %arg6[%swap3A_1450, %swap3A_1451] {strides = array<i32>} : memref<8x128xi32, #tpu.memory_space<vmem>>, vector<16xi32>,
    tpu.vector_store %arg6[%swap3A_1450, %swap3A_1451], %select_n3A_1448 {strides = array<i32>} : memref<8x128xi32, #tpu.memory_space<vmem>>, vector<16xi32>,
    %slice3A_1453 = vector.extract_strided_slice %add3A_1427 {offsets = [15], sizes = [1], strides = [1]} : vector<16xi32> to vector<1xi32>
    %squeeze3A_1454 = vector.extract %slice3A_1453[0] : i32 from vector<1xi32>
    %dma_start3A_1455 = arith.constant 4 : i32
    %dma_start3A_1456 = arith.constant 512 : i32
    %dma_start3A_1457 = arith.constant 0 : i32
    %dma_start3A_1458 = tpu.memref_slice %arg7[%dma_start3A_1456, %dma_start3A_1457] : memref<1024x64xf32, #tpu.memory_space<vmem>> -> memref<128x64xf32, #tpu.memory_space<vmem>>
    %dma_start3A_1459 = arith.constant 0 : i32
    %dma_start3A_1460 = tpu.memref_slice %arg6[%dma_start3A_1455, %dma_start3A_1459] : memref<8x128xi32, #tpu.memory_space<vmem>> -> memref<1x128xi32, #tpu.memory_space<vmem>>
    %dma_start3A_1461 = tpu.memref_squeeze %dma_start3A_1460 : memref<1x128xi32, #tpu.memory_space<vmem>> -> memref<128xi32, #tpu.memory_space<vmem>>
    %dma_start3A_1462 = arith.constant 0 : i32
    %dma_start3A_1463 = arith.constant 0 : i32
    %dma_start3A_1464 = tpu.memref_slice %arg3[%dma_start3A_1462, %dma_start3A_1463] : memref<9216x64xf32, #tpu.memory_space<hbm>> -> memref<9216x64xf32, #tpu.memory_space<hbm>>
    tpu.enqueue_indirect_dma source(%dma_start3A_1464 : memref<9216x64xf32, #tpu.memory_space<hbm>>) target(%dma_start3A_1458 : memref<128x64xf32, #tpu.memory_space<vmem>>) offsets(%dma_start3A_1461 : memref<128xi32, #tpu.memory_space<vmem>>) semaphore(%arg12 : memref<!tpu.dma_semaphore, #tpu.memory_space<semaphore_mem>>)
    %get3A_1465 = arith.constant 640 : index
    %get3A_1466 = tpu.vector_load %arg5[%get3A_1465] {strides = array<i32>} : memref<1024xi32, #tpu.memory_space<vmem>>, vector<16xi32>,
    %broadcast_in_dim3A_1467 = arith.constant true
    %broadcast_in_dim3A_1468 = vector.broadcast %broadcast_in_dim3A_1467 : i1 to vector<16xi1>
    %masked_cumsum3A_1469 = tpu.scan <sum>, %get3A_1466 masked %broadcast_in_dim3A_1468 : vector<16xi32>, vector<16xi1> -> vector<16xi32>
    %add3A_1470 = vector.broadcast %squeeze3A_1454 : i32 to vector<16xi32>
    %add3A_1471 = arith.addi %masked_cumsum3A_1469, %add3A_1470 : vector<16xi32>
    %min3A_1472 = arith.constant 8191 : i32
    %min3A_1473 = vector.broadcast %min3A_1472 : i32 to vector<16xi32>
    %min3A_1474 = arith.minsi %add3A_1471, %min3A_1473 : vector<16xi32>
    %iota3A_1475 = tpu.iota {dimensions = array<i32: 0>} : vector<16xi32>
    %add3A_1476 = arith.constant 640 : i32
    %add3A_1477 = vector.broadcast %add3A_1476 : i32 to vector<16xi32>
    %add3A_1478 = arith.addi %iota3A_1475, %add3A_1477 : vector<16xi32>
    %mul3A_1479 = arith.constant 8 : i32
    %mul3A_1480 = arith.muli %add3A, %mul3A_1479 : i32
    %add3A_1481 = vector.broadcast %mul3A_1480 : i32 to vector<16xi32>
    %add3A_1482 = arith.addi %add3A_1478, %add3A_1481 : vector<16xi32>
    %and3A_1483 = arith.constant 1023 : i32
    %and3A_1484 = vector.broadcast %and3A_1483 : i32 to vector<16xi32>
    %and3A_1485 = arith.andi %add3A_1482, %and3A_1484 : vector<16xi32>
    %add3A_1486 = arith.constant 8192 : i32
    %add3A_1487 = vector.broadcast %add3A_1486 : i32 to vector<16xi32>
    %add3A_1488 = arith.addi %add3A_1487, %and3A_1485 : vector<16xi32>
    %gt3A_1489 = arith.constant 0 : i32
    %gt3A_1490 = vector.broadcast %gt3A_1489 : i32 to vector<16xi32>
    %gt3A_1491 = arith.cmpi sgt, %get3A_1466, %gt3A_1490 : vector<16xi32>
    %select_n3A_1492 = arith.select %gt3A_1491, %min3A_1474, %add3A_1488 : vector<16xi1>, vector<16xi32>
    %swap3A_1493 = arith.constant 5 : i32
    %swap3A_1494 = arith.index_cast %swap3A_1493 : i32 to index
    %swap3A_1495 = arith.constant 0 : index
    %swap3A_1496 = tpu.vector_load %arg6[%swap3A_1494, %swap3A_1495] {strides = array<i32>} : memref<8x128xi32, #tpu.memory_space<vmem>>, vector<16xi32>,
    tpu.vector_store %arg6[%swap3A_1494, %swap3A_1495], %select_n3A_1492 {strides = array<i32>} : memref<8x128xi32, #tpu.memory_space<vmem>>, vector<16xi32>,
    %slice3A_1497 = vector.extract_strided_slice %add3A_1471 {offsets = [15], sizes = [1], strides = [1]} : vector<16xi32> to vector<1xi32>
    %squeeze3A_1498 = vector.extract %slice3A_1497[0] : i32 from vector<1xi32>
    %get3A_1499 = arith.constant 656 : index
    %get3A_1500 = tpu.vector_load %arg5[%get3A_1499] {strides = array<i32>} : memref<1024xi32, #tpu.memory_space<vmem>>, vector<16xi32>,
    %broadcast_in_dim3A_1501 = arith.constant true
    %broadcast_in_dim3A_1502 = vector.broadcast %broadcast_in_dim3A_1501 : i1 to vector<16xi1>
    %masked_cumsum3A_1503 = tpu.scan <sum>, %get3A_1500 masked %broadcast_in_dim3A_1502 : vector<16xi32>, vector<16xi1> -> vector<16xi32>
    %add3A_1504 = vector.broadcast %squeeze3A_1498 : i32 to vector<16xi32>
    %add3A_1505 = arith.addi %masked_cumsum3A_1503, %add3A_1504 : vector<16xi32>
    %min3A_1506 = arith.constant 8191 : i32
    %min3A_1507 = vector.broadcast %min3A_1506 : i32 to vector<16xi32>
    %min3A_1508 = arith.minsi %add3A_1505, %min3A_1507 : vector<16xi32>
    %iota3A_1509 = tpu.iota {dimensions = array<i32: 0>} : vector<16xi32>
    %add3A_1510 = arith.constant 656 : i32
    %add3A_1511 = vector.broadcast %add3A_1510 : i32 to vector<16xi32>
    %add3A_1512 = arith.addi %iota3A_1509, %add3A_1511 : vector<16xi32>
    %mul3A_1513 = arith.constant 8 : i32
    %mul3A_1514 = arith.muli %add3A, %mul3A_1513 : i32
    %add3A_1515 = vector.broadcast %mul3A_1514 : i32 to vector<16xi32>
    %add3A_1516 = arith.addi %add3A_1512, %add3A_1515 : vector<16xi32>
    %and3A_1517 = arith.constant 1023 : i32
    %and3A_1518 = vector.broadcast %and3A_1517 : i32 to vector<16xi32>
    %and3A_1519 = arith.andi %add3A_1516, %and3A_1518 : vector<16xi32>
    %add3A_1520 = arith.constant 8192 : i32
    %add3A_1521 = vector.broadcast %add3A_1520 : i32 to vector<16xi32>
    %add3A_1522 = arith.addi %add3A_1521, %and3A_1519 : vector<16xi32>
    %gt3A_1523 = arith.constant 0 : i32
    %gt3A_1524 = vector.broadcast %gt3A_1523 : i32 to vector<16xi32>
    %gt3A_1525 = arith.cmpi sgt, %get3A_1500, %gt3A_1524 : vector<16xi32>
    %select_n3A_1526 = arith.select %gt3A_1525, %min3A_1508, %add3A_1522 : vector<16xi1>, vector<16xi32>
    %swap3A_1527 = arith.constant 5 : i32
    %swap3A_1528 = arith.index_cast %swap3A_1527 : i32 to index
    %swap3A_1529 = arith.constant 16 : index
    %swap3A_1530 = tpu.vector_load %arg6[%swap3A_1528, %swap3A_1529] {strides = array<i32>} : memref<8x128xi32, #tpu.memory_space<vmem>>, vector<16xi32>,
    tpu.vector_store %arg6[%swap3A_1528, %swap3A_1529], %select_n3A_1526 {strides = array<i32>} : memref<8x128xi32, #tpu.memory_space<vmem>>, vector<16xi32>,
    %slice3A_1531 = vector.extract_strided_slice %add3A_1505 {offsets = [15], sizes = [1], strides = [1]} : vector<16xi32> to vector<1xi32>
    %squeeze3A_1532 = vector.extract %slice3A_1531[0] : i32 from vector<1xi32>
    %get3A_1533 = arith.constant 672 : index
    %get3A_1534 = tpu.vector_load %arg5[%get3A_1533] {strides = array<i32>} : memref<1024xi32, #tpu.memory_space<vmem>>, vector<16xi32>,
    %broadcast_in_dim3A_1535 = arith.constant true
    %broadcast_in_dim3A_1536 = vector.broadcast %broadcast_in_dim3A_1535 : i1 to vector<16xi1>
    %masked_cumsum3A_1537 = tpu.scan <sum>, %get3A_1534 masked %broadcast_in_dim3A_1536 : vector<16xi32>, vector<16xi1> -> vector<16xi32>
    %add3A_1538 = vector.broadcast %squeeze3A_1532 : i32 to vector<16xi32>
    %add3A_1539 = arith.addi %masked_cumsum3A_1537, %add3A_1538 : vector<16xi32>
    %min3A_1540 = arith.constant 8191 : i32
    %min3A_1541 = vector.broadcast %min3A_1540 : i32 to vector<16xi32>
    %min3A_1542 = arith.minsi %add3A_1539, %min3A_1541 : vector<16xi32>
    %iota3A_1543 = tpu.iota {dimensions = array<i32: 0>} : vector<16xi32>
    %add3A_1544 = arith.constant 672 : i32
    %add3A_1545 = vector.broadcast %add3A_1544 : i32 to vector<16xi32>
    %add3A_1546 = arith.addi %iota3A_1543, %add3A_1545 : vector<16xi32>
    %mul3A_1547 = arith.constant 8 : i32
    %mul3A_1548 = arith.muli %add3A, %mul3A_1547 : i32
    %add3A_1549 = vector.broadcast %mul3A_1548 : i32 to vector<16xi32>
    %add3A_1550 = arith.addi %add3A_1546, %add3A_1549 : vector<16xi32>
    %and3A_1551 = arith.constant 1023 : i32
    %and3A_1552 = vector.broadcast %and3A_1551 : i32 to vector<16xi32>
    %and3A_1553 = arith.andi %add3A_1550, %and3A_1552 : vector<16xi32>
    %add3A_1554 = arith.constant 8192 : i32
    %add3A_1555 = vector.broadcast %add3A_1554 : i32 to vector<16xi32>
    %add3A_1556 = arith.addi %add3A_1555, %and3A_1553 : vector<16xi32>
    %gt3A_1557 = arith.constant 0 : i32
    %gt3A_1558 = vector.broadcast %gt3A_1557 : i32 to vector<16xi32>
    %gt3A_1559 = arith.cmpi sgt, %get3A_1534, %gt3A_1558 : vector<16xi32>
    %select_n3A_1560 = arith.select %gt3A_1559, %min3A_1542, %add3A_1556 : vector<16xi1>, vector<16xi32>
    %swap3A_1561 = arith.constant 5 : i32
    %swap3A_1562 = arith.index_cast %swap3A_1561 : i32 to index
    %swap3A_1563 = arith.constant 32 : index
    %swap3A_1564 = tpu.vector_load %arg6[%swap3A_1562, %swap3A_1563] {strides = array<i32>} : memref<8x128xi32, #tpu.memory_space<vmem>>, vector<16xi32>,
    tpu.vector_store %arg6[%swap3A_1562, %swap3A_1563], %select_n3A_1560 {strides = array<i32>} : memref<8x128xi32, #tpu.memory_space<vmem>>, vector<16xi32>,
    %slice3A_1565 = vector.extract_strided_slice %add3A_1539 {offsets = [15], sizes = [1], strides = [1]} : vector<16xi32> to vector<1xi32>
    %squeeze3A_1566 = vector.extract %slice3A_1565[0] : i32 from vector<1xi32>
    %get3A_1567 = arith.constant 688 : index
    %get3A_1568 = tpu.vector_load %arg5[%get3A_1567] {strides = array<i32>} : memref<1024xi32, #tpu.memory_space<vmem>>, vector<16xi32>,
    %broadcast_in_dim3A_1569 = arith.constant true
    %broadcast_in_dim3A_1570 = vector.broadcast %broadcast_in_dim3A_1569 : i1 to vector<16xi1>
    %masked_cumsum3A_1571 = tpu.scan <sum>, %get3A_1568 masked %broadcast_in_dim3A_1570 : vector<16xi32>, vector<16xi1> -> vector<16xi32>
    %add3A_1572 = vector.broadcast %squeeze3A_1566 : i32 to vector<16xi32>
    %add3A_1573 = arith.addi %masked_cumsum3A_1571, %add3A_1572 : vector<16xi32>
    %min3A_1574 = arith.constant 8191 : i32
    %min3A_1575 = vector.broadcast %min3A_1574 : i32 to vector<16xi32>
    %min3A_1576 = arith.minsi %add3A_1573, %min3A_1575 : vector<16xi32>
    %iota3A_1577 = tpu.iota {dimensions = array<i32: 0>} : vector<16xi32>
    %add3A_1578 = arith.constant 688 : i32
    %add3A_1579 = vector.broadcast %add3A_1578 : i32 to vector<16xi32>
    %add3A_1580 = arith.addi %iota3A_1577, %add3A_1579 : vector<16xi32>
    %mul3A_1581 = arith.constant 8 : i32
    %mul3A_1582 = arith.muli %add3A, %mul3A_1581 : i32
    %add3A_1583 = vector.broadcast %mul3A_1582 : i32 to vector<16xi32>
    %add3A_1584 = arith.addi %add3A_1580, %add3A_1583 : vector<16xi32>
    %and3A_1585 = arith.constant 1023 : i32
    %and3A_1586 = vector.broadcast %and3A_1585 : i32 to vector<16xi32>
    %and3A_1587 = arith.andi %add3A_1584, %and3A_1586 : vector<16xi32>
    %add3A_1588 = arith.constant 8192 : i32
    %add3A_1589 = vector.broadcast %add3A_1588 : i32 to vector<16xi32>
    %add3A_1590 = arith.addi %add3A_1589, %and3A_1587 : vector<16xi32>
    %gt3A_1591 = arith.constant 0 : i32
    %gt3A_1592 = vector.broadcast %gt3A_1591 : i32 to vector<16xi32>
    %gt3A_1593 = arith.cmpi sgt, %get3A_1568, %gt3A_1592 : vector<16xi32>
    %select_n3A_1594 = arith.select %gt3A_1593, %min3A_1576, %add3A_1590 : vector<16xi1>, vector<16xi32>
    %swap3A_1595 = arith.constant 5 : i32
    %swap3A_1596 = arith.index_cast %swap3A_1595 : i32 to index
    %swap3A_1597 = arith.constant 48 : index
    %swap3A_1598 = tpu.vector_load %arg6[%swap3A_1596, %swap3A_1597] {strides = array<i32>} : memref<8x128xi32, #tpu.memory_space<vmem>>, vector<16xi32>,
    tpu.vector_store %arg6[%swap3A_1596, %swap3A_1597], %select_n3A_1594 {strides = array<i32>} : memref<8x128xi32, #tpu.memory_space<vmem>>, vector<16xi32>,
    %slice3A_1599 = vector.extract_strided_slice %add3A_1573 {offsets = [15], sizes = [1], strides = [1]} : vector<16xi32> to vector<1xi32>
    %squeeze3A_1600 = vector.extract %slice3A_1599[0] : i32 from vector<1xi32>
    %get3A_1601 = arith.constant 704 : index
    %get3A_1602 = tpu.vector_load %arg5[%get3A_1601] {strides = array<i32>} : memref<1024xi32, #tpu.memory_space<vmem>>, vector<16xi32>,
    %broadcast_in_dim3A_1603 = arith.constant true
    %broadcast_in_dim3A_1604 = vector.broadcast %broadcast_in_dim3A_1603 : i1 to vector<16xi1>
    %masked_cumsum3A_1605 = tpu.scan <sum>, %get3A_1602 masked %broadcast_in_dim3A_1604 : vector<16xi32>, vector<16xi1> -> vector<16xi32>
    %add3A_1606 = vector.broadcast %squeeze3A_1600 : i32 to vector<16xi32>
    %add3A_1607 = arith.addi %masked_cumsum3A_1605, %add3A_1606 : vector<16xi32>
    %min3A_1608 = arith.constant 8191 : i32
    %min3A_1609 = vector.broadcast %min3A_1608 : i32 to vector<16xi32>
    %min3A_1610 = arith.minsi %add3A_1607, %min3A_1609 : vector<16xi32>
    %iota3A_1611 = tpu.iota {dimensions = array<i32: 0>} : vector<16xi32>
    %add3A_1612 = arith.constant 704 : i32
    %add3A_1613 = vector.broadcast %add3A_1612 : i32 to vector<16xi32>
    %add3A_1614 = arith.addi %iota3A_1611, %add3A_1613 : vector<16xi32>
    %mul3A_1615 = arith.constant 8 : i32
    %mul3A_1616 = arith.muli %add3A, %mul3A_1615 : i32
    %add3A_1617 = vector.broadcast %mul3A_1616 : i32 to vector<16xi32>
    %add3A_1618 = arith.addi %add3A_1614, %add3A_1617 : vector<16xi32>
    %and3A_1619 = arith.constant 1023 : i32
    %and3A_1620 = vector.broadcast %and3A_1619 : i32 to vector<16xi32>
    %and3A_1621 = arith.andi %add3A_1618, %and3A_1620 : vector<16xi32>
    %add3A_1622 = arith.constant 8192 : i32
    %add3A_1623 = vector.broadcast %add3A_1622 : i32 to vector<16xi32>
    %add3A_1624 = arith.addi %add3A_1623, %and3A_1621 : vector<16xi32>
    %gt3A_1625 = arith.constant 0 : i32
    %gt3A_1626 = vector.broadcast %gt3A_1625 : i32 to vector<16xi32>
    %gt3A_1627 = arith.cmpi sgt, %get3A_1602, %gt3A_1626 : vector<16xi32>
    %select_n3A_1628 = arith.select %gt3A_1627, %min3A_1610, %add3A_1624 : vector<16xi1>, vector<16xi32>
    %swap3A_1629 = arith.constant 5 : i32
    %swap3A_1630 = arith.index_cast %swap3A_1629 : i32 to index
    %swap3A_1631 = arith.constant 64 : index
    %swap3A_1632 = tpu.vector_load %arg6[%swap3A_1630, %swap3A_1631] {strides = array<i32>} : memref<8x128xi32, #tpu.memory_space<vmem>>, vector<16xi32>,
    tpu.vector_store %arg6[%swap3A_1630, %swap3A_1631], %select_n3A_1628 {strides = array<i32>} : memref<8x128xi32, #tpu.memory_space<vmem>>, vector<16xi32>,
    %slice3A_1633 = vector.extract_strided_slice %add3A_1607 {offsets = [15], sizes = [1], strides = [1]} : vector<16xi32> to vector<1xi32>
    %squeeze3A_1634 = vector.extract %slice3A_1633[0] : i32 from vector<1xi32>
    %get3A_1635 = arith.constant 720 : index
    %get3A_1636 = tpu.vector_load %arg5[%get3A_1635] {strides = array<i32>} : memref<1024xi32, #tpu.memory_space<vmem>>, vector<16xi32>,
    %broadcast_in_dim3A_1637 = arith.constant true
    %broadcast_in_dim3A_1638 = vector.broadcast %broadcast_in_dim3A_1637 : i1 to vector<16xi1>
    %masked_cumsum3A_1639 = tpu.scan <sum>, %get3A_1636 masked %broadcast_in_dim3A_1638 : vector<16xi32>, vector<16xi1> -> vector<16xi32>
    %add3A_1640 = vector.broadcast %squeeze3A_1634 : i32 to vector<16xi32>
    %add3A_1641 = arith.addi %masked_cumsum3A_1639, %add3A_1640 : vector<16xi32>
    %min3A_1642 = arith.constant 8191 : i32
    %min3A_1643 = vector.broadcast %min3A_1642 : i32 to vector<16xi32>
    %min3A_1644 = arith.minsi %add3A_1641, %min3A_1643 : vector<16xi32>
    %iota3A_1645 = tpu.iota {dimensions = array<i32: 0>} : vector<16xi32>
    %add3A_1646 = arith.constant 720 : i32
    %add3A_1647 = vector.broadcast %add3A_1646 : i32 to vector<16xi32>
    %add3A_1648 = arith.addi %iota3A_1645, %add3A_1647 : vector<16xi32>
    %mul3A_1649 = arith.constant 8 : i32
    %mul3A_1650 = arith.muli %add3A, %mul3A_1649 : i32
    %add3A_1651 = vector.broadcast %mul3A_1650 : i32 to vector<16xi32>
    %add3A_1652 = arith.addi %add3A_1648, %add3A_1651 : vector<16xi32>
    %and3A_1653 = arith.constant 1023 : i32
    %and3A_1654 = vector.broadcast %and3A_1653 : i32 to vector<16xi32>
    %and3A_1655 = arith.andi %add3A_1652, %and3A_1654 : vector<16xi32>
    %add3A_1656 = arith.constant 8192 : i32
    %add3A_1657 = vector.broadcast %add3A_1656 : i32 to vector<16xi32>
    %add3A_1658 = arith.addi %add3A_1657, %and3A_1655 : vector<16xi32>
    %gt3A_1659 = arith.constant 0 : i32
    %gt3A_1660 = vector.broadcast %gt3A_1659 : i32 to vector<16xi32>
    %gt3A_1661 = arith.cmpi sgt, %get3A_1636, %gt3A_1660 : vector<16xi32>
    %select_n3A_1662 = arith.select %gt3A_1661, %min3A_1644, %add3A_1658 : vector<16xi1>, vector<16xi32>
    %swap3A_1663 = arith.constant 5 : i32
    %swap3A_1664 = arith.index_cast %swap3A_1663 : i32 to index
    %swap3A_1665 = arith.constant 80 : index
    %swap3A_1666 = tpu.vector_load %arg6[%swap3A_1664, %swap3A_1665] {strides = array<i32>} : memref<8x128xi32, #tpu.memory_space<vmem>>, vector<16xi32>,
    tpu.vector_store %arg6[%swap3A_1664, %swap3A_1665], %select_n3A_1662 {strides = array<i32>} : memref<8x128xi32, #tpu.memory_space<vmem>>, vector<16xi32>,
    %slice3A_1667 = vector.extract_strided_slice %add3A_1641 {offsets = [15], sizes = [1], strides = [1]} : vector<16xi32> to vector<1xi32>
    %squeeze3A_1668 = vector.extract %slice3A_1667[0] : i32 from vector<1xi32>
    %get3A_1669 = arith.constant 736 : index
    %get3A_1670 = tpu.vector_load %arg5[%get3A_1669] {strides = array<i32>} : memref<1024xi32, #tpu.memory_space<vmem>>, vector<16xi32>,
    %broadcast_in_dim3A_1671 = arith.constant true
    %broadcast_in_dim3A_1672 = vector.broadcast %broadcast_in_dim3A_1671 : i1 to vector<16xi1>
    %masked_cumsum3A_1673 = tpu.scan <sum>, %get3A_1670 masked %broadcast_in_dim3A_1672 : vector<16xi32>, vector<16xi1> -> vector<16xi32>
    %add3A_1674 = vector.broadcast %squeeze3A_1668 : i32 to vector<16xi32>
    %add3A_1675 = arith.addi %masked_cumsum3A_1673, %add3A_1674 : vector<16xi32>
    %min3A_1676 = arith.constant 8191 : i32
    %min3A_1677 = vector.broadcast %min3A_1676 : i32 to vector<16xi32>
    %min3A_1678 = arith.minsi %add3A_1675, %min3A_1677 : vector<16xi32>
    %iota3A_1679 = tpu.iota {dimensions = array<i32: 0>} : vector<16xi32>
    %add3A_1680 = arith.constant 736 : i32
    %add3A_1681 = vector.broadcast %add3A_1680 : i32 to vector<16xi32>
    %add3A_1682 = arith.addi %iota3A_1679, %add3A_1681 : vector<16xi32>
    %mul3A_1683 = arith.constant 8 : i32
    %mul3A_1684 = arith.muli %add3A, %mul3A_1683 : i32
    %add3A_1685 = vector.broadcast %mul3A_1684 : i32 to vector<16xi32>
    %add3A_1686 = arith.addi %add3A_1682, %add3A_1685 : vector<16xi32>
    %and3A_1687 = arith.constant 1023 : i32
    %and3A_1688 = vector.broadcast %and3A_1687 : i32 to vector<16xi32>
    %and3A_1689 = arith.andi %add3A_1686, %and3A_1688 : vector<16xi32>
    %add3A_1690 = arith.constant 8192 : i32
    %add3A_1691 = vector.broadcast %add3A_1690 : i32 to vector<16xi32>
    %add3A_1692 = arith.addi %add3A_1691, %and3A_1689 : vector<16xi32>
    %gt3A_1693 = arith.constant 0 : i32
    %gt3A_1694 = vector.broadcast %gt3A_1693 : i32 to vector<16xi32>
    %gt3A_1695 = arith.cmpi sgt, %get3A_1670, %gt3A_1694 : vector<16xi32>
    %select_n3A_1696 = arith.select %gt3A_1695, %min3A_1678, %add3A_1692 : vector<16xi1>, vector<16xi32>
    %swap3A_1697 = arith.constant 5 : i32
    %swap3A_1698 = arith.index_cast %swap3A_1697 : i32 to index
    %swap3A_1699 = arith.constant 96 : index
    %swap3A_1700 = tpu.vector_load %arg6[%swap3A_1698, %swap3A_1699] {strides = array<i32>} : memref<8x128xi32, #tpu.memory_space<vmem>>, vector<16xi32>,
    tpu.vector_store %arg6[%swap3A_1698, %swap3A_1699], %select_n3A_1696 {strides = array<i32>} : memref<8x128xi32, #tpu.memory_space<vmem>>, vector<16xi32>,
    %slice3A_1701 = vector.extract_strided_slice %add3A_1675 {offsets = [15], sizes = [1], strides = [1]} : vector<16xi32> to vector<1xi32>
    %squeeze3A_1702 = vector.extract %slice3A_1701[0] : i32 from vector<1xi32>
    %get3A_1703 = arith.constant 752 : index
    %get3A_1704 = tpu.vector_load %arg5[%get3A_1703] {strides = array<i32>} : memref<1024xi32, #tpu.memory_space<vmem>>, vector<16xi32>,
    %broadcast_in_dim3A_1705 = arith.constant true
    %broadcast_in_dim3A_1706 = vector.broadcast %broadcast_in_dim3A_1705 : i1 to vector<16xi1>
    %masked_cumsum3A_1707 = tpu.scan <sum>, %get3A_1704 masked %broadcast_in_dim3A_1706 : vector<16xi32>, vector<16xi1> -> vector<16xi32>
    %add3A_1708 = vector.broadcast %squeeze3A_1702 : i32 to vector<16xi32>
    %add3A_1709 = arith.addi %masked_cumsum3A_1707, %add3A_1708 : vector<16xi32>
    %min3A_1710 = arith.constant 8191 : i32
    %min3A_1711 = vector.broadcast %min3A_1710 : i32 to vector<16xi32>
    %min3A_1712 = arith.minsi %add3A_1709, %min3A_1711 : vector<16xi32>
    %iota3A_1713 = tpu.iota {dimensions = array<i32: 0>} : vector<16xi32>
    %add3A_1714 = arith.constant 752 : i32
    %add3A_1715 = vector.broadcast %add3A_1714 : i32 to vector<16xi32>
    %add3A_1716 = arith.addi %iota3A_1713, %add3A_1715 : vector<16xi32>
    %mul3A_1717 = arith.constant 8 : i32
    %mul3A_1718 = arith.muli %add3A, %mul3A_1717 : i32
    %add3A_1719 = vector.broadcast %mul3A_1718 : i32 to vector<16xi32>
    %add3A_1720 = arith.addi %add3A_1716, %add3A_1719 : vector<16xi32>
    %and3A_1721 = arith.constant 1023 : i32
    %and3A_1722 = vector.broadcast %and3A_1721 : i32 to vector<16xi32>
    %and3A_1723 = arith.andi %add3A_1720, %and3A_1722 : vector<16xi32>
    %add3A_1724 = arith.constant 8192 : i32
    %add3A_1725 = vector.broadcast %add3A_1724 : i32 to vector<16xi32>
    %add3A_1726 = arith.addi %add3A_1725, %and3A_1723 : vector<16xi32>
    %gt3A_1727 = arith.constant 0 : i32
    %gt3A_1728 = vector.broadcast %gt3A_1727 : i32 to vector<16xi32>
    %gt3A_1729 = arith.cmpi sgt, %get3A_1704, %gt3A_1728 : vector<16xi32>
    %select_n3A_1730 = arith.select %gt3A_1729, %min3A_1712, %add3A_1726 : vector<16xi1>, vector<16xi32>
    %swap3A_1731 = arith.constant 5 : i32
    %swap3A_1732 = arith.index_cast %swap3A_1731 : i32 to index
    %swap3A_1733 = arith.constant 112 : index
    %swap3A_1734 = tpu.vector_load %arg6[%swap3A_1732, %swap3A_1733] {strides = array<i32>} : memref<8x128xi32, #tpu.memory_space<vmem>>, vector<16xi32>,
    tpu.vector_store %arg6[%swap3A_1732, %swap3A_1733], %select_n3A_1730 {strides = array<i32>} : memref<8x128xi32, #tpu.memory_space<vmem>>, vector<16xi32>,
    %slice3A_1735 = vector.extract_strided_slice %add3A_1709 {offsets = [15], sizes = [1], strides = [1]} : vector<16xi32> to vector<1xi32>
    %squeeze3A_1736 = vector.extract %slice3A_1735[0] : i32 from vector<1xi32>
    %dma_start3A_1737 = arith.constant 5 : i32
    %dma_start3A_1738 = arith.constant 640 : i32
    %dma_start3A_1739 = arith.constant 0 : i32
    %dma_start3A_1740 = tpu.memref_slice %arg7[%dma_start3A_1738, %dma_start3A_1739] : memref<1024x64xf32, #tpu.memory_space<vmem>> -> memref<128x64xf32, #tpu.memory_space<vmem>>
    %dma_start3A_1741 = arith.constant 0 : i32
    %dma_start3A_1742 = tpu.memref_slice %arg6[%dma_start3A_1737, %dma_start3A_1741] : memref<8x128xi32, #tpu.memory_space<vmem>> -> memref<1x128xi32, #tpu.memory_space<vmem>>
    %dma_start3A_1743 = tpu.memref_squeeze %dma_start3A_1742 : memref<1x128xi32, #tpu.memory_space<vmem>> -> memref<128xi32, #tpu.memory_space<vmem>>
    %dma_start3A_1744 = arith.constant 0 : i32
    %dma_start3A_1745 = arith.constant 0 : i32
    %dma_start3A_1746 = tpu.memref_slice %arg3[%dma_start3A_1744, %dma_start3A_1745] : memref<9216x64xf32, #tpu.memory_space<hbm>> -> memref<9216x64xf32, #tpu.memory_space<hbm>>
    tpu.enqueue_indirect_dma source(%dma_start3A_1746 : memref<9216x64xf32, #tpu.memory_space<hbm>>) target(%dma_start3A_1740 : memref<128x64xf32, #tpu.memory_space<vmem>>) offsets(%dma_start3A_1743 : memref<128xi32, #tpu.memory_space<vmem>>) semaphore(%arg12 : memref<!tpu.dma_semaphore, #tpu.memory_space<semaphore_mem>>)
    %get3A_1747 = arith.constant 768 : index
    %get3A_1748 = tpu.vector_load %arg5[%get3A_1747] {strides = array<i32>} : memref<1024xi32, #tpu.memory_space<vmem>>, vector<16xi32>,
    %broadcast_in_dim3A_1749 = arith.constant true
    %broadcast_in_dim3A_1750 = vector.broadcast %broadcast_in_dim3A_1749 : i1 to vector<16xi1>
    %masked_cumsum3A_1751 = tpu.scan <sum>, %get3A_1748 masked %broadcast_in_dim3A_1750 : vector<16xi32>, vector<16xi1> -> vector<16xi32>
    %add3A_1752 = vector.broadcast %squeeze3A_1736 : i32 to vector<16xi32>
    %add3A_1753 = arith.addi %masked_cumsum3A_1751, %add3A_1752 : vector<16xi32>
    %min3A_1754 = arith.constant 8191 : i32
    %min3A_1755 = vector.broadcast %min3A_1754 : i32 to vector<16xi32>
    %min3A_1756 = arith.minsi %add3A_1753, %min3A_1755 : vector<16xi32>
    %iota3A_1757 = tpu.iota {dimensions = array<i32: 0>} : vector<16xi32>
    %add3A_1758 = arith.constant 768 : i32
    %add3A_1759 = vector.broadcast %add3A_1758 : i32 to vector<16xi32>
    %add3A_1760 = arith.addi %iota3A_1757, %add3A_1759 : vector<16xi32>
    %mul3A_1761 = arith.constant 8 : i32
    %mul3A_1762 = arith.muli %add3A, %mul3A_1761 : i32
    %add3A_1763 = vector.broadcast %mul3A_1762 : i32 to vector<16xi32>
    %add3A_1764 = arith.addi %add3A_1760, %add3A_1763 : vector<16xi32>
    %and3A_1765 = arith.constant 1023 : i32
    %and3A_1766 = vector.broadcast %and3A_1765 : i32 to vector<16xi32>
    %and3A_1767 = arith.andi %add3A_1764, %and3A_1766 : vector<16xi32>
    %add3A_1768 = arith.constant 8192 : i32
    %add3A_1769 = vector.broadcast %add3A_1768 : i32 to vector<16xi32>
    %add3A_1770 = arith.addi %add3A_1769, %and3A_1767 : vector<16xi32>
    %gt3A_1771 = arith.constant 0 : i32
    %gt3A_1772 = vector.broadcast %gt3A_1771 : i32 to vector<16xi32>
    %gt3A_1773 = arith.cmpi sgt, %get3A_1748, %gt3A_1772 : vector<16xi32>
    %select_n3A_1774 = arith.select %gt3A_1773, %min3A_1756, %add3A_1770 : vector<16xi1>, vector<16xi32>
    %swap3A_1775 = arith.constant 6 : i32
    %swap3A_1776 = arith.index_cast %swap3A_1775 : i32 to index
    %swap3A_1777 = arith.constant 0 : index
    %swap3A_1778 = tpu.vector_load %arg6[%swap3A_1776, %swap3A_1777] {strides = array<i32>} : memref<8x128xi32, #tpu.memory_space<vmem>>, vector<16xi32>,
    tpu.vector_store %arg6[%swap3A_1776, %swap3A_1777], %select_n3A_1774 {strides = array<i32>} : memref<8x128xi32, #tpu.memory_space<vmem>>, vector<16xi32>,
    %slice3A_1779 = vector.extract_strided_slice %add3A_1753 {offsets = [15], sizes = [1], strides = [1]} : vector<16xi32> to vector<1xi32>
    %squeeze3A_1780 = vector.extract %slice3A_1779[0] : i32 from vector<1xi32>
    %get3A_1781 = arith.constant 784 : index
    %get3A_1782 = tpu.vector_load %arg5[%get3A_1781] {strides = array<i32>} : memref<1024xi32, #tpu.memory_space<vmem>>, vector<16xi32>,
    %broadcast_in_dim3A_1783 = arith.constant true
    %broadcast_in_dim3A_1784 = vector.broadcast %broadcast_in_dim3A_1783 : i1 to vector<16xi1>
    %masked_cumsum3A_1785 = tpu.scan <sum>, %get3A_1782 masked %broadcast_in_dim3A_1784 : vector<16xi32>, vector<16xi1> -> vector<16xi32>
    %add3A_1786 = vector.broadcast %squeeze3A_1780 : i32 to vector<16xi32>
    %add3A_1787 = arith.addi %masked_cumsum3A_1785, %add3A_1786 : vector<16xi32>
    %min3A_1788 = arith.constant 8191 : i32
    %min3A_1789 = vector.broadcast %min3A_1788 : i32 to vector<16xi32>
    %min3A_1790 = arith.minsi %add3A_1787, %min3A_1789 : vector<16xi32>
    %iota3A_1791 = tpu.iota {dimensions = array<i32: 0>} : vector<16xi32>
    %add3A_1792 = arith.constant 784 : i32
    %add3A_1793 = vector.broadcast %add3A_1792 : i32 to vector<16xi32>
    %add3A_1794 = arith.addi %iota3A_1791, %add3A_1793 : vector<16xi32>
    %mul3A_1795 = arith.constant 8 : i32
    %mul3A_1796 = arith.muli %add3A, %mul3A_1795 : i32
    %add3A_1797 = vector.broadcast %mul3A_1796 : i32 to vector<16xi32>
    %add3A_1798 = arith.addi %add3A_1794, %add3A_1797 : vector<16xi32>
    %and3A_1799 = arith.constant 1023 : i32
    %and3A_1800 = vector.broadcast %and3A_1799 : i32 to vector<16xi32>
    %and3A_1801 = arith.andi %add3A_1798, %and3A_1800 : vector<16xi32>
    %add3A_1802 = arith.constant 8192 : i32
    %add3A_1803 = vector.broadcast %add3A_1802 : i32 to vector<16xi32>
    %add3A_1804 = arith.addi %add3A_1803, %and3A_1801 : vector<16xi32>
    %gt3A_1805 = arith.constant 0 : i32
    %gt3A_1806 = vector.broadcast %gt3A_1805 : i32 to vector<16xi32>
    %gt3A_1807 = arith.cmpi sgt, %get3A_1782, %gt3A_1806 : vector<16xi32>
    %select_n3A_1808 = arith.select %gt3A_1807, %min3A_1790, %add3A_1804 : vector<16xi1>, vector<16xi32>
    %swap3A_1809 = arith.constant 6 : i32
    %swap3A_1810 = arith.index_cast %swap3A_1809 : i32 to index
    %swap3A_1811 = arith.constant 16 : index
    %swap3A_1812 = tpu.vector_load %arg6[%swap3A_1810, %swap3A_1811] {strides = array<i32>} : memref<8x128xi32, #tpu.memory_space<vmem>>, vector<16xi32>,
    tpu.vector_store %arg6[%swap3A_1810, %swap3A_1811], %select_n3A_1808 {strides = array<i32>} : memref<8x128xi32, #tpu.memory_space<vmem>>, vector<16xi32>,
    %slice3A_1813 = vector.extract_strided_slice %add3A_1787 {offsets = [15], sizes = [1], strides = [1]} : vector<16xi32> to vector<1xi32>
    %squeeze3A_1814 = vector.extract %slice3A_1813[0] : i32 from vector<1xi32>
    %get3A_1815 = arith.constant 800 : index
    %get3A_1816 = tpu.vector_load %arg5[%get3A_1815] {strides = array<i32>} : memref<1024xi32, #tpu.memory_space<vmem>>, vector<16xi32>,
    %broadcast_in_dim3A_1817 = arith.constant true
    %broadcast_in_dim3A_1818 = vector.broadcast %broadcast_in_dim3A_1817 : i1 to vector<16xi1>
    %masked_cumsum3A_1819 = tpu.scan <sum>, %get3A_1816 masked %broadcast_in_dim3A_1818 : vector<16xi32>, vector<16xi1> -> vector<16xi32>
    %add3A_1820 = vector.broadcast %squeeze3A_1814 : i32 to vector<16xi32>
    %add3A_1821 = arith.addi %masked_cumsum3A_1819, %add3A_1820 : vector<16xi32>
    %min3A_1822 = arith.constant 8191 : i32
    %min3A_1823 = vector.broadcast %min3A_1822 : i32 to vector<16xi32>
    %min3A_1824 = arith.minsi %add3A_1821, %min3A_1823 : vector<16xi32>
    %iota3A_1825 = tpu.iota {dimensions = array<i32: 0>} : vector<16xi32>
    %add3A_1826 = arith.constant 800 : i32
    %add3A_1827 = vector.broadcast %add3A_1826 : i32 to vector<16xi32>
    %add3A_1828 = arith.addi %iota3A_1825, %add3A_1827 : vector<16xi32>
    %mul3A_1829 = arith.constant 8 : i32
    %mul3A_1830 = arith.muli %add3A, %mul3A_1829 : i32
    %add3A_1831 = vector.broadcast %mul3A_1830 : i32 to vector<16xi32>
    %add3A_1832 = arith.addi %add3A_1828, %add3A_1831 : vector<16xi32>
    %and3A_1833 = arith.constant 1023 : i32
    %and3A_1834 = vector.broadcast %and3A_1833 : i32 to vector<16xi32>
    %and3A_1835 = arith.andi %add3A_1832, %and3A_1834 : vector<16xi32>
    %add3A_1836 = arith.constant 8192 : i32
    %add3A_1837 = vector.broadcast %add3A_1836 : i32 to vector<16xi32>
    %add3A_1838 = arith.addi %add3A_1837, %and3A_1835 : vector<16xi32>
    %gt3A_1839 = arith.constant 0 : i32
    %gt3A_1840 = vector.broadcast %gt3A_1839 : i32 to vector<16xi32>
    %gt3A_1841 = arith.cmpi sgt, %get3A_1816, %gt3A_1840 : vector<16xi32>
    %select_n3A_1842 = arith.select %gt3A_1841, %min3A_1824, %add3A_1838 : vector<16xi1>, vector<16xi32>
    %swap3A_1843 = arith.constant 6 : i32
    %swap3A_1844 = arith.index_cast %swap3A_1843 : i32 to index
    %swap3A_1845 = arith.constant 32 : index
    %swap3A_1846 = tpu.vector_load %arg6[%swap3A_1844, %swap3A_1845] {strides = array<i32>} : memref<8x128xi32, #tpu.memory_space<vmem>>, vector<16xi32>,
    tpu.vector_store %arg6[%swap3A_1844, %swap3A_1845], %select_n3A_1842 {strides = array<i32>} : memref<8x128xi32, #tpu.memory_space<vmem>>, vector<16xi32>,
    %slice3A_1847 = vector.extract_strided_slice %add3A_1821 {offsets = [15], sizes = [1], strides = [1]} : vector<16xi32> to vector<1xi32>
    %squeeze3A_1848 = vector.extract %slice3A_1847[0] : i32 from vector<1xi32>
    %get3A_1849 = arith.constant 816 : index
    %get3A_1850 = tpu.vector_load %arg5[%get3A_1849] {strides = array<i32>} : memref<1024xi32, #tpu.memory_space<vmem>>, vector<16xi32>,
    %broadcast_in_dim3A_1851 = arith.constant true
    %broadcast_in_dim3A_1852 = vector.broadcast %broadcast_in_dim3A_1851 : i1 to vector<16xi1>
    %masked_cumsum3A_1853 = tpu.scan <sum>, %get3A_1850 masked %broadcast_in_dim3A_1852 : vector<16xi32>, vector<16xi1> -> vector<16xi32>
    %add3A_1854 = vector.broadcast %squeeze3A_1848 : i32 to vector<16xi32>
    %add3A_1855 = arith.addi %masked_cumsum3A_1853, %add3A_1854 : vector<16xi32>
    %min3A_1856 = arith.constant 8191 : i32
    %min3A_1857 = vector.broadcast %min3A_1856 : i32 to vector<16xi32>
    %min3A_1858 = arith.minsi %add3A_1855, %min3A_1857 : vector<16xi32>
    %iota3A_1859 = tpu.iota {dimensions = array<i32: 0>} : vector<16xi32>
    %add3A_1860 = arith.constant 816 : i32
    %add3A_1861 = vector.broadcast %add3A_1860 : i32 to vector<16xi32>
    %add3A_1862 = arith.addi %iota3A_1859, %add3A_1861 : vector<16xi32>
    %mul3A_1863 = arith.constant 8 : i32
    %mul3A_1864 = arith.muli %add3A, %mul3A_1863 : i32
    %add3A_1865 = vector.broadcast %mul3A_1864 : i32 to vector<16xi32>
    %add3A_1866 = arith.addi %add3A_1862, %add3A_1865 : vector<16xi32>
    %and3A_1867 = arith.constant 1023 : i32
    %and3A_1868 = vector.broadcast %and3A_1867 : i32 to vector<16xi32>
    %and3A_1869 = arith.andi %add3A_1866, %and3A_1868 : vector<16xi32>
    %add3A_1870 = arith.constant 8192 : i32
    %add3A_1871 = vector.broadcast %add3A_1870 : i32 to vector<16xi32>
    %add3A_1872 = arith.addi %add3A_1871, %and3A_1869 : vector<16xi32>
    %gt3A_1873 = arith.constant 0 : i32
    %gt3A_1874 = vector.broadcast %gt3A_1873 : i32 to vector<16xi32>
    %gt3A_1875 = arith.cmpi sgt, %get3A_1850, %gt3A_1874 : vector<16xi32>
    %select_n3A_1876 = arith.select %gt3A_1875, %min3A_1858, %add3A_1872 : vector<16xi1>, vector<16xi32>
    %swap3A_1877 = arith.constant 6 : i32
    %swap3A_1878 = arith.index_cast %swap3A_1877 : i32 to index
    %swap3A_1879 = arith.constant 48 : index
    %swap3A_1880 = tpu.vector_load %arg6[%swap3A_1878, %swap3A_1879] {strides = array<i32>} : memref<8x128xi32, #tpu.memory_space<vmem>>, vector<16xi32>,
    tpu.vector_store %arg6[%swap3A_1878, %swap3A_1879], %select_n3A_1876 {strides = array<i32>} : memref<8x128xi32, #tpu.memory_space<vmem>>, vector<16xi32>,
    %slice3A_1881 = vector.extract_strided_slice %add3A_1855 {offsets = [15], sizes = [1], strides = [1]} : vector<16xi32> to vector<1xi32>
    %squeeze3A_1882 = vector.extract %slice3A_1881[0] : i32 from vector<1xi32>
    %get3A_1883 = arith.constant 832 : index
    %get3A_1884 = tpu.vector_load %arg5[%get3A_1883] {strides = array<i32>} : memref<1024xi32, #tpu.memory_space<vmem>>, vector<16xi32>,
    %broadcast_in_dim3A_1885 = arith.constant true
    %broadcast_in_dim3A_1886 = vector.broadcast %broadcast_in_dim3A_1885 : i1 to vector<16xi1>
    %masked_cumsum3A_1887 = tpu.scan <sum>, %get3A_1884 masked %broadcast_in_dim3A_1886 : vector<16xi32>, vector<16xi1> -> vector<16xi32>
    %add3A_1888 = vector.broadcast %squeeze3A_1882 : i32 to vector<16xi32>
    %add3A_1889 = arith.addi %masked_cumsum3A_1887, %add3A_1888 : vector<16xi32>
    %min3A_1890 = arith.constant 8191 : i32
    %min3A_1891 = vector.broadcast %min3A_1890 : i32 to vector<16xi32>
    %min3A_1892 = arith.minsi %add3A_1889, %min3A_1891 : vector<16xi32>
    %iota3A_1893 = tpu.iota {dimensions = array<i32: 0>} : vector<16xi32>
    %add3A_1894 = arith.constant 832 : i32
    %add3A_1895 = vector.broadcast %add3A_1894 : i32 to vector<16xi32>
    %add3A_1896 = arith.addi %iota3A_1893, %add3A_1895 : vector<16xi32>
    %mul3A_1897 = arith.constant 8 : i32
    %mul3A_1898 = arith.muli %add3A, %mul3A_1897 : i32
    %add3A_1899 = vector.broadcast %mul3A_1898 : i32 to vector<16xi32>
    %add3A_1900 = arith.addi %add3A_1896, %add3A_1899 : vector<16xi32>
    %and3A_1901 = arith.constant 1023 : i32
    %and3A_1902 = vector.broadcast %and3A_1901 : i32 to vector<16xi32>
    %and3A_1903 = arith.andi %add3A_1900, %and3A_1902 : vector<16xi32>
    %add3A_1904 = arith.constant 8192 : i32
    %add3A_1905 = vector.broadcast %add3A_1904 : i32 to vector<16xi32>
    %add3A_1906 = arith.addi %add3A_1905, %and3A_1903 : vector<16xi32>
    %gt3A_1907 = arith.constant 0 : i32
    %gt3A_1908 = vector.broadcast %gt3A_1907 : i32 to vector<16xi32>
    %gt3A_1909 = arith.cmpi sgt, %get3A_1884, %gt3A_1908 : vector<16xi32>
    %select_n3A_1910 = arith.select %gt3A_1909, %min3A_1892, %add3A_1906 : vector<16xi1>, vector<16xi32>
    %swap3A_1911 = arith.constant 6 : i32
    %swap3A_1912 = arith.index_cast %swap3A_1911 : i32 to index
    %swap3A_1913 = arith.constant 64 : index
    %swap3A_1914 = tpu.vector_load %arg6[%swap3A_1912, %swap3A_1913] {strides = array<i32>} : memref<8x128xi32, #tpu.memory_space<vmem>>, vector<16xi32>,
    tpu.vector_store %arg6[%swap3A_1912, %swap3A_1913], %select_n3A_1910 {strides = array<i32>} : memref<8x128xi32, #tpu.memory_space<vmem>>, vector<16xi32>,
    %slice3A_1915 = vector.extract_strided_slice %add3A_1889 {offsets = [15], sizes = [1], strides = [1]} : vector<16xi32> to vector<1xi32>
    %squeeze3A_1916 = vector.extract %slice3A_1915[0] : i32 from vector<1xi32>
    %get3A_1917 = arith.constant 848 : index
    %get3A_1918 = tpu.vector_load %arg5[%get3A_1917] {strides = array<i32>} : memref<1024xi32, #tpu.memory_space<vmem>>, vector<16xi32>,
    %broadcast_in_dim3A_1919 = arith.constant true
    %broadcast_in_dim3A_1920 = vector.broadcast %broadcast_in_dim3A_1919 : i1 to vector<16xi1>
    %masked_cumsum3A_1921 = tpu.scan <sum>, %get3A_1918 masked %broadcast_in_dim3A_1920 : vector<16xi32>, vector<16xi1> -> vector<16xi32>
    %add3A_1922 = vector.broadcast %squeeze3A_1916 : i32 to vector<16xi32>
    %add3A_1923 = arith.addi %masked_cumsum3A_1921, %add3A_1922 : vector<16xi32>
    %min3A_1924 = arith.constant 8191 : i32
    %min3A_1925 = vector.broadcast %min3A_1924 : i32 to vector<16xi32>
    %min3A_1926 = arith.minsi %add3A_1923, %min3A_1925 : vector<16xi32>
    %iota3A_1927 = tpu.iota {dimensions = array<i32: 0>} : vector<16xi32>
    %add3A_1928 = arith.constant 848 : i32
    %add3A_1929 = vector.broadcast %add3A_1928 : i32 to vector<16xi32>
    %add3A_1930 = arith.addi %iota3A_1927, %add3A_1929 : vector<16xi32>
    %mul3A_1931 = arith.constant 8 : i32
    %mul3A_1932 = arith.muli %add3A, %mul3A_1931 : i32
    %add3A_1933 = vector.broadcast %mul3A_1932 : i32 to vector<16xi32>
    %add3A_1934 = arith.addi %add3A_1930, %add3A_1933 : vector<16xi32>
    %and3A_1935 = arith.constant 1023 : i32
    %and3A_1936 = vector.broadcast %and3A_1935 : i32 to vector<16xi32>
    %and3A_1937 = arith.andi %add3A_1934, %and3A_1936 : vector<16xi32>
    %add3A_1938 = arith.constant 8192 : i32
    %add3A_1939 = vector.broadcast %add3A_1938 : i32 to vector<16xi32>
    %add3A_1940 = arith.addi %add3A_1939, %and3A_1937 : vector<16xi32>
    %gt3A_1941 = arith.constant 0 : i32
    %gt3A_1942 = vector.broadcast %gt3A_1941 : i32 to vector<16xi32>
    %gt3A_1943 = arith.cmpi sgt, %get3A_1918, %gt3A_1942 : vector<16xi32>
    %select_n3A_1944 = arith.select %gt3A_1943, %min3A_1926, %add3A_1940 : vector<16xi1>, vector<16xi32>
    %swap3A_1945 = arith.constant 6 : i32
    %swap3A_1946 = arith.index_cast %swap3A_1945 : i32 to index
    %swap3A_1947 = arith.constant 80 : index
    %swap3A_1948 = tpu.vector_load %arg6[%swap3A_1946, %swap3A_1947] {strides = array<i32>} : memref<8x128xi32, #tpu.memory_space<vmem>>, vector<16xi32>,
    tpu.vector_store %arg6[%swap3A_1946, %swap3A_1947], %select_n3A_1944 {strides = array<i32>} : memref<8x128xi32, #tpu.memory_space<vmem>>, vector<16xi32>,
    %slice3A_1949 = vector.extract_strided_slice %add3A_1923 {offsets = [15], sizes = [1], strides = [1]} : vector<16xi32> to vector<1xi32>
    %squeeze3A_1950 = vector.extract %slice3A_1949[0] : i32 from vector<1xi32>
    %get3A_1951 = arith.constant 864 : index
    %get3A_1952 = tpu.vector_load %arg5[%get3A_1951] {strides = array<i32>} : memref<1024xi32, #tpu.memory_space<vmem>>, vector<16xi32>,
    %broadcast_in_dim3A_1953 = arith.constant true
    %broadcast_in_dim3A_1954 = vector.broadcast %broadcast_in_dim3A_1953 : i1 to vector<16xi1>
    %masked_cumsum3A_1955 = tpu.scan <sum>, %get3A_1952 masked %broadcast_in_dim3A_1954 : vector<16xi32>, vector<16xi1> -> vector<16xi32>
    %add3A_1956 = vector.broadcast %squeeze3A_1950 : i32 to vector<16xi32>
    %add3A_1957 = arith.addi %masked_cumsum3A_1955, %add3A_1956 : vector<16xi32>
    %min3A_1958 = arith.constant 8191 : i32
    %min3A_1959 = vector.broadcast %min3A_1958 : i32 to vector<16xi32>
    %min3A_1960 = arith.minsi %add3A_1957, %min3A_1959 : vector<16xi32>
    %iota3A_1961 = tpu.iota {dimensions = array<i32: 0>} : vector<16xi32>
    %add3A_1962 = arith.constant 864 : i32
    %add3A_1963 = vector.broadcast %add3A_1962 : i32 to vector<16xi32>
    %add3A_1964 = arith.addi %iota3A_1961, %add3A_1963 : vector<16xi32>
    %mul3A_1965 = arith.constant 8 : i32
    %mul3A_1966 = arith.muli %add3A, %mul3A_1965 : i32
    %add3A_1967 = vector.broadcast %mul3A_1966 : i32 to vector<16xi32>
    %add3A_1968 = arith.addi %add3A_1964, %add3A_1967 : vector<16xi32>
    %and3A_1969 = arith.constant 1023 : i32
    %and3A_1970 = vector.broadcast %and3A_1969 : i32 to vector<16xi32>
    %and3A_1971 = arith.andi %add3A_1968, %and3A_1970 : vector<16xi32>
    %add3A_1972 = arith.constant 8192 : i32
    %add3A_1973 = vector.broadcast %add3A_1972 : i32 to vector<16xi32>
    %add3A_1974 = arith.addi %add3A_1973, %and3A_1971 : vector<16xi32>
    %gt3A_1975 = arith.constant 0 : i32
    %gt3A_1976 = vector.broadcast %gt3A_1975 : i32 to vector<16xi32>
    %gt3A_1977 = arith.cmpi sgt, %get3A_1952, %gt3A_1976 : vector<16xi32>
    %select_n3A_1978 = arith.select %gt3A_1977, %min3A_1960, %add3A_1974 : vector<16xi1>, vector<16xi32>
    %swap3A_1979 = arith.constant 6 : i32
    %swap3A_1980 = arith.index_cast %swap3A_1979 : i32 to index
    %swap3A_1981 = arith.constant 96 : index
    %swap3A_1982 = tpu.vector_load %arg6[%swap3A_1980, %swap3A_1981] {strides = array<i32>} : memref<8x128xi32, #tpu.memory_space<vmem>>, vector<16xi32>,
    tpu.vector_store %arg6[%swap3A_1980, %swap3A_1981], %select_n3A_1978 {strides = array<i32>} : memref<8x128xi32, #tpu.memory_space<vmem>>, vector<16xi32>,
    %slice3A_1983 = vector.extract_strided_slice %add3A_1957 {offsets = [15], sizes = [1], strides = [1]} : vector<16xi32> to vector<1xi32>
    %squeeze3A_1984 = vector.extract %slice3A_1983[0] : i32 from vector<1xi32>
    %get3A_1985 = arith.constant 880 : index
    %get3A_1986 = tpu.vector_load %arg5[%get3A_1985] {strides = array<i32>} : memref<1024xi32, #tpu.memory_space<vmem>>, vector<16xi32>,
    %broadcast_in_dim3A_1987 = arith.constant true
    %broadcast_in_dim3A_1988 = vector.broadcast %broadcast_in_dim3A_1987 : i1 to vector<16xi1>
    %masked_cumsum3A_1989 = tpu.scan <sum>, %get3A_1986 masked %broadcast_in_dim3A_1988 : vector<16xi32>, vector<16xi1> -> vector<16xi32>
    %add3A_1990 = vector.broadcast %squeeze3A_1984 : i32 to vector<16xi32>
    %add3A_1991 = arith.addi %masked_cumsum3A_1989, %add3A_1990 : vector<16xi32>
    %min3A_1992 = arith.constant 8191 : i32
    %min3A_1993 = vector.broadcast %min3A_1992 : i32 to vector<16xi32>
    %min3A_1994 = arith.minsi %add3A_1991, %min3A_1993 : vector<16xi32>
    %iota3A_1995 = tpu.iota {dimensions = array<i32: 0>} : vector<16xi32>
    %add3A_1996 = arith.constant 880 : i32
    %add3A_1997 = vector.broadcast %add3A_1996 : i32 to vector<16xi32>
    %add3A_1998 = arith.addi %iota3A_1995, %add3A_1997 : vector<16xi32>
    %mul3A_1999 = arith.constant 8 : i32
    %mul3A_2000 = arith.muli %add3A, %mul3A_1999 : i32
    %add3A_2001 = vector.broadcast %mul3A_2000 : i32 to vector<16xi32>
    %add3A_2002 = arith.addi %add3A_1998, %add3A_2001 : vector<16xi32>
    %and3A_2003 = arith.constant 1023 : i32
    %and3A_2004 = vector.broadcast %and3A_2003 : i32 to vector<16xi32>
    %and3A_2005 = arith.andi %add3A_2002, %and3A_2004 : vector<16xi32>
    %add3A_2006 = arith.constant 8192 : i32
    %add3A_2007 = vector.broadcast %add3A_2006 : i32 to vector<16xi32>
    %add3A_2008 = arith.addi %add3A_2007, %and3A_2005 : vector<16xi32>
    %gt3A_2009 = arith.constant 0 : i32
    %gt3A_2010 = vector.broadcast %gt3A_2009 : i32 to vector<16xi32>
    %gt3A_2011 = arith.cmpi sgt, %get3A_1986, %gt3A_2010 : vector<16xi32>
    %select_n3A_2012 = arith.select %gt3A_2011, %min3A_1994, %add3A_2008 : vector<16xi1>, vector<16xi32>
    %swap3A_2013 = arith.constant 6 : i32
    %swap3A_2014 = arith.index_cast %swap3A_2013 : i32 to index
    %swap3A_2015 = arith.constant 112 : index
    %swap3A_2016 = tpu.vector_load %arg6[%swap3A_2014, %swap3A_2015] {strides = array<i32>} : memref<8x128xi32, #tpu.memory_space<vmem>>, vector<16xi32>,
    tpu.vector_store %arg6[%swap3A_2014, %swap3A_2015], %select_n3A_2012 {strides = array<i32>} : memref<8x128xi32, #tpu.memory_space<vmem>>, vector<16xi32>,
    %slice3A_2017 = vector.extract_strided_slice %add3A_1991 {offsets = [15], sizes = [1], strides = [1]} : vector<16xi32> to vector<1xi32>
    %squeeze3A_2018 = vector.extract %slice3A_2017[0] : i32 from vector<1xi32>
    %dma_start3A_2019 = arith.constant 6 : i32
    %dma_start3A_2020 = arith.constant 768 : i32
    %dma_start3A_2021 = arith.constant 0 : i32
    %dma_start3A_2022 = tpu.memref_slice %arg7[%dma_start3A_2020, %dma_start3A_2021] : memref<1024x64xf32, #tpu.memory_space<vmem>> -> memref<128x64xf32, #tpu.memory_space<vmem>>
    %dma_start3A_2023 = arith.constant 0 : i32
    %dma_start3A_2024 = tpu.memref_slice %arg6[%dma_start3A_2019, %dma_start3A_2023] : memref<8x128xi32, #tpu.memory_space<vmem>> -> memref<1x128xi32, #tpu.memory_space<vmem>>
    %dma_start3A_2025 = tpu.memref_squeeze %dma_start3A_2024 : memref<1x128xi32, #tpu.memory_space<vmem>> -> memref<128xi32, #tpu.memory_space<vmem>>
    %dma_start3A_2026 = arith.constant 0 : i32
    %dma_start3A_2027 = arith.constant 0 : i32
    %dma_start3A_2028 = tpu.memref_slice %arg3[%dma_start3A_2026, %dma_start3A_2027] : memref<9216x64xf32, #tpu.memory_space<hbm>> -> memref<9216x64xf32, #tpu.memory_space<hbm>>
    tpu.enqueue_indirect_dma source(%dma_start3A_2028 : memref<9216x64xf32, #tpu.memory_space<hbm>>) target(%dma_start3A_2022 : memref<128x64xf32, #tpu.memory_space<vmem>>) offsets(%dma_start3A_2025 : memref<128xi32, #tpu.memory_space<vmem>>) semaphore(%arg12 : memref<!tpu.dma_semaphore, #tpu.memory_space<semaphore_mem>>)
    %get3A_2029 = arith.constant 896 : index
    %get3A_2030 = tpu.vector_load %arg5[%get3A_2029] {strides = array<i32>} : memref<1024xi32, #tpu.memory_space<vmem>>, vector<16xi32>,
    %broadcast_in_dim3A_2031 = arith.constant true
    %broadcast_in_dim3A_2032 = vector.broadcast %broadcast_in_dim3A_2031 : i1 to vector<16xi1>
    %masked_cumsum3A_2033 = tpu.scan <sum>, %get3A_2030 masked %broadcast_in_dim3A_2032 : vector<16xi32>, vector<16xi1> -> vector<16xi32>
    %add3A_2034 = vector.broadcast %squeeze3A_2018 : i32 to vector<16xi32>
    %add3A_2035 = arith.addi %masked_cumsum3A_2033, %add3A_2034 : vector<16xi32>
    %min3A_2036 = arith.constant 8191 : i32
    %min3A_2037 = vector.broadcast %min3A_2036 : i32 to vector<16xi32>
    %min3A_2038 = arith.minsi %add3A_2035, %min3A_2037 : vector<16xi32>
    %iota3A_2039 = tpu.iota {dimensions = array<i32: 0>} : vector<16xi32>
    %add3A_2040 = arith.constant 896 : i32
    %add3A_2041 = vector.broadcast %add3A_2040 : i32 to vector<16xi32>
    %add3A_2042 = arith.addi %iota3A_2039, %add3A_2041 : vector<16xi32>
    %mul3A_2043 = arith.constant 8 : i32
    %mul3A_2044 = arith.muli %add3A, %mul3A_2043 : i32
    %add3A_2045 = vector.broadcast %mul3A_2044 : i32 to vector<16xi32>
    %add3A_2046 = arith.addi %add3A_2042, %add3A_2045 : vector<16xi32>
    %and3A_2047 = arith.constant 1023 : i32
    %and3A_2048 = vector.broadcast %and3A_2047 : i32 to vector<16xi32>
    %and3A_2049 = arith.andi %add3A_2046, %and3A_2048 : vector<16xi32>
    %add3A_2050 = arith.constant 8192 : i32
    %add3A_2051 = vector.broadcast %add3A_2050 : i32 to vector<16xi32>
    %add3A_2052 = arith.addi %add3A_2051, %and3A_2049 : vector<16xi32>
    %gt3A_2053 = arith.constant 0 : i32
    %gt3A_2054 = vector.broadcast %gt3A_2053 : i32 to vector<16xi32>
    %gt3A_2055 = arith.cmpi sgt, %get3A_2030, %gt3A_2054 : vector<16xi32>
    %select_n3A_2056 = arith.select %gt3A_2055, %min3A_2038, %add3A_2052 : vector<16xi1>, vector<16xi32>
    %swap3A_2057 = arith.constant 7 : i32
    %swap3A_2058 = arith.index_cast %swap3A_2057 : i32 to index
    %swap3A_2059 = arith.constant 0 : index
    %swap3A_2060 = tpu.vector_load %arg6[%swap3A_2058, %swap3A_2059] {strides = array<i32>} : memref<8x128xi32, #tpu.memory_space<vmem>>, vector<16xi32>,
    tpu.vector_store %arg6[%swap3A_2058, %swap3A_2059], %select_n3A_2056 {strides = array<i32>} : memref<8x128xi32, #tpu.memory_space<vmem>>, vector<16xi32>,
    %slice3A_2061 = vector.extract_strided_slice %add3A_2035 {offsets = [15], sizes = [1], strides = [1]} : vector<16xi32> to vector<1xi32>
    %squeeze3A_2062 = vector.extract %slice3A_2061[0] : i32 from vector<1xi32>
    %get3A_2063 = arith.constant 912 : index
    %get3A_2064 = tpu.vector_load %arg5[%get3A_2063] {strides = array<i32>} : memref<1024xi32, #tpu.memory_space<vmem>>, vector<16xi32>,
    %broadcast_in_dim3A_2065 = arith.constant true
    %broadcast_in_dim3A_2066 = vector.broadcast %broadcast_in_dim3A_2065 : i1 to vector<16xi1>
    %masked_cumsum3A_2067 = tpu.scan <sum>, %get3A_2064 masked %broadcast_in_dim3A_2066 : vector<16xi32>, vector<16xi1> -> vector<16xi32>
    %add3A_2068 = vector.broadcast %squeeze3A_2062 : i32 to vector<16xi32>
    %add3A_2069 = arith.addi %masked_cumsum3A_2067, %add3A_2068 : vector<16xi32>
    %min3A_2070 = arith.constant 8191 : i32
    %min3A_2071 = vector.broadcast %min3A_2070 : i32 to vector<16xi32>
    %min3A_2072 = arith.minsi %add3A_2069, %min3A_2071 : vector<16xi32>
    %iota3A_2073 = tpu.iota {dimensions = array<i32: 0>} : vector<16xi32>
    %add3A_2074 = arith.constant 912 : i32
    %add3A_2075 = vector.broadcast %add3A_2074 : i32 to vector<16xi32>
    %add3A_2076 = arith.addi %iota3A_2073, %add3A_2075 : vector<16xi32>
    %mul3A_2077 = arith.constant 8 : i32
    %mul3A_2078 = arith.muli %add3A, %mul3A_2077 : i32
    %add3A_2079 = vector.broadcast %mul3A_2078 : i32 to vector<16xi32>
    %add3A_2080 = arith.addi %add3A_2076, %add3A_2079 : vector<16xi32>
    %and3A_2081 = arith.constant 1023 : i32
    %and3A_2082 = vector.broadcast %and3A_2081 : i32 to vector<16xi32>
    %and3A_2083 = arith.andi %add3A_2080, %and3A_2082 : vector<16xi32>
    %add3A_2084 = arith.constant 8192 : i32
    %add3A_2085 = vector.broadcast %add3A_2084 : i32 to vector<16xi32>
    %add3A_2086 = arith.addi %add3A_2085, %and3A_2083 : vector<16xi32>
    %gt3A_2087 = arith.constant 0 : i32
    %gt3A_2088 = vector.broadcast %gt3A_2087 : i32 to vector<16xi32>
    %gt3A_2089 = arith.cmpi sgt, %get3A_2064, %gt3A_2088 : vector<16xi32>
    %select_n3A_2090 = arith.select %gt3A_2089, %min3A_2072, %add3A_2086 : vector<16xi1>, vector<16xi32>
    %swap3A_2091 = arith.constant 7 : i32
    %swap3A_2092 = arith.index_cast %swap3A_2091 : i32 to index
    %swap3A_2093 = arith.constant 16 : index
    %swap3A_2094 = tpu.vector_load %arg6[%swap3A_2092, %swap3A_2093] {strides = array<i32>} : memref<8x128xi32, #tpu.memory_space<vmem>>, vector<16xi32>,
    tpu.vector_store %arg6[%swap3A_2092, %swap3A_2093], %select_n3A_2090 {strides = array<i32>} : memref<8x128xi32, #tpu.memory_space<vmem>>, vector<16xi32>,
    %slice3A_2095 = vector.extract_strided_slice %add3A_2069 {offsets = [15], sizes = [1], strides = [1]} : vector<16xi32> to vector<1xi32>
    %squeeze3A_2096 = vector.extract %slice3A_2095[0] : i32 from vector<1xi32>
    %get3A_2097 = arith.constant 928 : index
    %get3A_2098 = tpu.vector_load %arg5[%get3A_2097] {strides = array<i32>} : memref<1024xi32, #tpu.memory_space<vmem>>, vector<16xi32>,
    %broadcast_in_dim3A_2099 = arith.constant true
    %broadcast_in_dim3A_2100 = vector.broadcast %broadcast_in_dim3A_2099 : i1 to vector<16xi1>
    %masked_cumsum3A_2101 = tpu.scan <sum>, %get3A_2098 masked %broadcast_in_dim3A_2100 : vector<16xi32>, vector<16xi1> -> vector<16xi32>
    %add3A_2102 = vector.broadcast %squeeze3A_2096 : i32 to vector<16xi32>
    %add3A_2103 = arith.addi %masked_cumsum3A_2101, %add3A_2102 : vector<16xi32>
    %min3A_2104 = arith.constant 8191 : i32
    %min3A_2105 = vector.broadcast %min3A_2104 : i32 to vector<16xi32>
    %min3A_2106 = arith.minsi %add3A_2103, %min3A_2105 : vector<16xi32>
    %iota3A_2107 = tpu.iota {dimensions = array<i32: 0>} : vector<16xi32>
    %add3A_2108 = arith.constant 928 : i32
    %add3A_2109 = vector.broadcast %add3A_2108 : i32 to vector<16xi32>
    %add3A_2110 = arith.addi %iota3A_2107, %add3A_2109 : vector<16xi32>
    %mul3A_2111 = arith.constant 8 : i32
    %mul3A_2112 = arith.muli %add3A, %mul3A_2111 : i32
    %add3A_2113 = vector.broadcast %mul3A_2112 : i32 to vector<16xi32>
    %add3A_2114 = arith.addi %add3A_2110, %add3A_2113 : vector<16xi32>
    %and3A_2115 = arith.constant 1023 : i32
    %and3A_2116 = vector.broadcast %and3A_2115 : i32 to vector<16xi32>
    %and3A_2117 = arith.andi %add3A_2114, %and3A_2116 : vector<16xi32>
    %add3A_2118 = arith.constant 8192 : i32
    %add3A_2119 = vector.broadcast %add3A_2118 : i32 to vector<16xi32>
    %add3A_2120 = arith.addi %add3A_2119, %and3A_2117 : vector<16xi32>
    %gt3A_2121 = arith.constant 0 : i32
    %gt3A_2122 = vector.broadcast %gt3A_2121 : i32 to vector<16xi32>
    %gt3A_2123 = arith.cmpi sgt, %get3A_2098, %gt3A_2122 : vector<16xi32>
    %select_n3A_2124 = arith.select %gt3A_2123, %min3A_2106, %add3A_2120 : vector<16xi1>, vector<16xi32>
    %swap3A_2125 = arith.constant 7 : i32
    %swap3A_2126 = arith.index_cast %swap3A_2125 : i32 to index
    %swap3A_2127 = arith.constant 32 : index
    %swap3A_2128 = tpu.vector_load %arg6[%swap3A_2126, %swap3A_2127] {strides = array<i32>} : memref<8x128xi32, #tpu.memory_space<vmem>>, vector<16xi32>,
    tpu.vector_store %arg6[%swap3A_2126, %swap3A_2127], %select_n3A_2124 {strides = array<i32>} : memref<8x128xi32, #tpu.memory_space<vmem>>, vector<16xi32>,
    %slice3A_2129 = vector.extract_strided_slice %add3A_2103 {offsets = [15], sizes = [1], strides = [1]} : vector<16xi32> to vector<1xi32>
    %squeeze3A_2130 = vector.extract %slice3A_2129[0] : i32 from vector<1xi32>
    %get3A_2131 = arith.constant 944 : index
    %get3A_2132 = tpu.vector_load %arg5[%get3A_2131] {strides = array<i32>} : memref<1024xi32, #tpu.memory_space<vmem>>, vector<16xi32>,
    %broadcast_in_dim3A_2133 = arith.constant true
    %broadcast_in_dim3A_2134 = vector.broadcast %broadcast_in_dim3A_2133 : i1 to vector<16xi1>
    %masked_cumsum3A_2135 = tpu.scan <sum>, %get3A_2132 masked %broadcast_in_dim3A_2134 : vector<16xi32>, vector<16xi1> -> vector<16xi32>
    %add3A_2136 = vector.broadcast %squeeze3A_2130 : i32 to vector<16xi32>
    %add3A_2137 = arith.addi %masked_cumsum3A_2135, %add3A_2136 : vector<16xi32>
    %min3A_2138 = arith.constant 8191 : i32
    %min3A_2139 = vector.broadcast %min3A_2138 : i32 to vector<16xi32>
    %min3A_2140 = arith.minsi %add3A_2137, %min3A_2139 : vector<16xi32>
    %iota3A_2141 = tpu.iota {dimensions = array<i32: 0>} : vector<16xi32>
    %add3A_2142 = arith.constant 944 : i32
    %add3A_2143 = vector.broadcast %add3A_2142 : i32 to vector<16xi32>
    %add3A_2144 = arith.addi %iota3A_2141, %add3A_2143 : vector<16xi32>
    %mul3A_2145 = arith.constant 8 : i32
    %mul3A_2146 = arith.muli %add3A, %mul3A_2145 : i32
    %add3A_2147 = vector.broadcast %mul3A_2146 : i32 to vector<16xi32>
    %add3A_2148 = arith.addi %add3A_2144, %add3A_2147 : vector<16xi32>
    %and3A_2149 = arith.constant 1023 : i32
    %and3A_2150 = vector.broadcast %and3A_2149 : i32 to vector<16xi32>
    %and3A_2151 = arith.andi %add3A_2148, %and3A_2150 : vector<16xi32>
    %add3A_2152 = arith.constant 8192 : i32
    %add3A_2153 = vector.broadcast %add3A_2152 : i32 to vector<16xi32>
    %add3A_2154 = arith.addi %add3A_2153, %and3A_2151 : vector<16xi32>
    %gt3A_2155 = arith.constant 0 : i32
    %gt3A_2156 = vector.broadcast %gt3A_2155 : i32 to vector<16xi32>
    %gt3A_2157 = arith.cmpi sgt, %get3A_2132, %gt3A_2156 : vector<16xi32>
    %select_n3A_2158 = arith.select %gt3A_2157, %min3A_2140, %add3A_2154 : vector<16xi1>, vector<16xi32>
    %swap3A_2159 = arith.constant 7 : i32
    %swap3A_2160 = arith.index_cast %swap3A_2159 : i32 to index
    %swap3A_2161 = arith.constant 48 : index
    %swap3A_2162 = tpu.vector_load %arg6[%swap3A_2160, %swap3A_2161] {strides = array<i32>} : memref<8x128xi32, #tpu.memory_space<vmem>>, vector<16xi32>,
    tpu.vector_store %arg6[%swap3A_2160, %swap3A_2161], %select_n3A_2158 {strides = array<i32>} : memref<8x128xi32, #tpu.memory_space<vmem>>, vector<16xi32>,
    %slice3A_2163 = vector.extract_strided_slice %add3A_2137 {offsets = [15], sizes = [1], strides = [1]} : vector<16xi32> to vector<1xi32>
    %squeeze3A_2164 = vector.extract %slice3A_2163[0] : i32 from vector<1xi32>
    %get3A_2165 = arith.constant 960 : index
    %get3A_2166 = tpu.vector_load %arg5[%get3A_2165] {strides = array<i32>} : memref<1024xi32, #tpu.memory_space<vmem>>, vector<16xi32>,
    %broadcast_in_dim3A_2167 = arith.constant true
    %broadcast_in_dim3A_2168 = vector.broadcast %broadcast_in_dim3A_2167 : i1 to vector<16xi1>
    %masked_cumsum3A_2169 = tpu.scan <sum>, %get3A_2166 masked %broadcast_in_dim3A_2168 : vector<16xi32>, vector<16xi1> -> vector<16xi32>
    %add3A_2170 = vector.broadcast %squeeze3A_2164 : i32 to vector<16xi32>
    %add3A_2171 = arith.addi %masked_cumsum3A_2169, %add3A_2170 : vector<16xi32>
    %min3A_2172 = arith.constant 8191 : i32
    %min3A_2173 = vector.broadcast %min3A_2172 : i32 to vector<16xi32>
    %min3A_2174 = arith.minsi %add3A_2171, %min3A_2173 : vector<16xi32>
    %iota3A_2175 = tpu.iota {dimensions = array<i32: 0>} : vector<16xi32>
    %add3A_2176 = arith.constant 960 : i32
    %add3A_2177 = vector.broadcast %add3A_2176 : i32 to vector<16xi32>
    %add3A_2178 = arith.addi %iota3A_2175, %add3A_2177 : vector<16xi32>
    %mul3A_2179 = arith.constant 8 : i32
    %mul3A_2180 = arith.muli %add3A, %mul3A_2179 : i32
    %add3A_2181 = vector.broadcast %mul3A_2180 : i32 to vector<16xi32>
    %add3A_2182 = arith.addi %add3A_2178, %add3A_2181 : vector<16xi32>
    %and3A_2183 = arith.constant 1023 : i32
    %and3A_2184 = vector.broadcast %and3A_2183 : i32 to vector<16xi32>
    %and3A_2185 = arith.andi %add3A_2182, %and3A_2184 : vector<16xi32>
    %add3A_2186 = arith.constant 8192 : i32
    %add3A_2187 = vector.broadcast %add3A_2186 : i32 to vector<16xi32>
    %add3A_2188 = arith.addi %add3A_2187, %and3A_2185 : vector<16xi32>
    %gt3A_2189 = arith.constant 0 : i32
    %gt3A_2190 = vector.broadcast %gt3A_2189 : i32 to vector<16xi32>
    %gt3A_2191 = arith.cmpi sgt, %get3A_2166, %gt3A_2190 : vector<16xi32>
    %select_n3A_2192 = arith.select %gt3A_2191, %min3A_2174, %add3A_2188 : vector<16xi1>, vector<16xi32>
    %swap3A_2193 = arith.constant 7 : i32
    %swap3A_2194 = arith.index_cast %swap3A_2193 : i32 to index
    %swap3A_2195 = arith.constant 64 : index
    %swap3A_2196 = tpu.vector_load %arg6[%swap3A_2194, %swap3A_2195] {strides = array<i32>} : memref<8x128xi32, #tpu.memory_space<vmem>>, vector<16xi32>,
    tpu.vector_store %arg6[%swap3A_2194, %swap3A_2195], %select_n3A_2192 {strides = array<i32>} : memref<8x128xi32, #tpu.memory_space<vmem>>, vector<16xi32>,
    %slice3A_2197 = vector.extract_strided_slice %add3A_2171 {offsets = [15], sizes = [1], strides = [1]} : vector<16xi32> to vector<1xi32>
    %squeeze3A_2198 = vector.extract %slice3A_2197[0] : i32 from vector<1xi32>
    %get3A_2199 = arith.constant 976 : index
    %get3A_2200 = tpu.vector_load %arg5[%get3A_2199] {strides = array<i32>} : memref<1024xi32, #tpu.memory_space<vmem>>, vector<16xi32>,
    %broadcast_in_dim3A_2201 = arith.constant true
    %broadcast_in_dim3A_2202 = vector.broadcast %broadcast_in_dim3A_2201 : i1 to vector<16xi1>
    %masked_cumsum3A_2203 = tpu.scan <sum>, %get3A_2200 masked %broadcast_in_dim3A_2202 : vector<16xi32>, vector<16xi1> -> vector<16xi32>
    %add3A_2204 = vector.broadcast %squeeze3A_2198 : i32 to vector<16xi32>
    %add3A_2205 = arith.addi %masked_cumsum3A_2203, %add3A_2204 : vector<16xi32>
    %min3A_2206 = arith.constant 8191 : i32
    %min3A_2207 = vector.broadcast %min3A_2206 : i32 to vector<16xi32>
    %min3A_2208 = arith.minsi %add3A_2205, %min3A_2207 : vector<16xi32>
    %iota3A_2209 = tpu.iota {dimensions = array<i32: 0>} : vector<16xi32>
    %add3A_2210 = arith.constant 976 : i32
    %add3A_2211 = vector.broadcast %add3A_2210 : i32 to vector<16xi32>
    %add3A_2212 = arith.addi %iota3A_2209, %add3A_2211 : vector<16xi32>
    %mul3A_2213 = arith.constant 8 : i32
    %mul3A_2214 = arith.muli %add3A, %mul3A_2213 : i32
    %add3A_2215 = vector.broadcast %mul3A_2214 : i32 to vector<16xi32>
    %add3A_2216 = arith.addi %add3A_2212, %add3A_2215 : vector<16xi32>
    %and3A_2217 = arith.constant 1023 : i32
    %and3A_2218 = vector.broadcast %and3A_2217 : i32 to vector<16xi32>
    %and3A_2219 = arith.andi %add3A_2216, %and3A_2218 : vector<16xi32>
    %add3A_2220 = arith.constant 8192 : i32
    %add3A_2221 = vector.broadcast %add3A_2220 : i32 to vector<16xi32>
    %add3A_2222 = arith.addi %add3A_2221, %and3A_2219 : vector<16xi32>
    %gt3A_2223 = arith.constant 0 : i32
    %gt3A_2224 = vector.broadcast %gt3A_2223 : i32 to vector<16xi32>
    %gt3A_2225 = arith.cmpi sgt, %get3A_2200, %gt3A_2224 : vector<16xi32>
    %select_n3A_2226 = arith.select %gt3A_2225, %min3A_2208, %add3A_2222 : vector<16xi1>, vector<16xi32>
    %swap3A_2227 = arith.constant 7 : i32
    %swap3A_2228 = arith.index_cast %swap3A_2227 : i32 to index
    %swap3A_2229 = arith.constant 80 : index
    %swap3A_2230 = tpu.vector_load %arg6[%swap3A_2228, %swap3A_2229] {strides = array<i32>} : memref<8x128xi32, #tpu.memory_space<vmem>>, vector<16xi32>,
    tpu.vector_store %arg6[%swap3A_2228, %swap3A_2229], %select_n3A_2226 {strides = array<i32>} : memref<8x128xi32, #tpu.memory_space<vmem>>, vector<16xi32>,
    %slice3A_2231 = vector.extract_strided_slice %add3A_2205 {offsets = [15], sizes = [1], strides = [1]} : vector<16xi32> to vector<1xi32>
    %squeeze3A_2232 = vector.extract %slice3A_2231[0] : i32 from vector<1xi32>
    %get3A_2233 = arith.constant 992 : index
    %get3A_2234 = tpu.vector_load %arg5[%get3A_2233] {strides = array<i32>} : memref<1024xi32, #tpu.memory_space<vmem>>, vector<16xi32>,
    %broadcast_in_dim3A_2235 = arith.constant true
    %broadcast_in_dim3A_2236 = vector.broadcast %broadcast_in_dim3A_2235 : i1 to vector<16xi1>
    %masked_cumsum3A_2237 = tpu.scan <sum>, %get3A_2234 masked %broadcast_in_dim3A_2236 : vector<16xi32>, vector<16xi1> -> vector<16xi32>
    %add3A_2238 = vector.broadcast %squeeze3A_2232 : i32 to vector<16xi32>
    %add3A_2239 = arith.addi %masked_cumsum3A_2237, %add3A_2238 : vector<16xi32>
    %min3A_2240 = arith.constant 8191 : i32
    %min3A_2241 = vector.broadcast %min3A_2240 : i32 to vector<16xi32>
    %min3A_2242 = arith.minsi %add3A_2239, %min3A_2241 : vector<16xi32>
    %iota3A_2243 = tpu.iota {dimensions = array<i32: 0>} : vector<16xi32>
    %add3A_2244 = arith.constant 992 : i32
    %add3A_2245 = vector.broadcast %add3A_2244 : i32 to vector<16xi32>
    %add3A_2246 = arith.addi %iota3A_2243, %add3A_2245 : vector<16xi32>
    %mul3A_2247 = arith.constant 8 : i32
    %mul3A_2248 = arith.muli %add3A, %mul3A_2247 : i32
    %add3A_2249 = vector.broadcast %mul3A_2248 : i32 to vector<16xi32>
    %add3A_2250 = arith.addi %add3A_2246, %add3A_2249 : vector<16xi32>
    %and3A_2251 = arith.constant 1023 : i32
    %and3A_2252 = vector.broadcast %and3A_2251 : i32 to vector<16xi32>
    %and3A_2253 = arith.andi %add3A_2250, %and3A_2252 : vector<16xi32>
    %add3A_2254 = arith.constant 8192 : i32
    %add3A_2255 = vector.broadcast %add3A_2254 : i32 to vector<16xi32>
    %add3A_2256 = arith.addi %add3A_2255, %and3A_2253 : vector<16xi32>
    %gt3A_2257 = arith.constant 0 : i32
    %gt3A_2258 = vector.broadcast %gt3A_2257 : i32 to vector<16xi32>
    %gt3A_2259 = arith.cmpi sgt, %get3A_2234, %gt3A_2258 : vector<16xi32>
    %select_n3A_2260 = arith.select %gt3A_2259, %min3A_2242, %add3A_2256 : vector<16xi1>, vector<16xi32>
    %swap3A_2261 = arith.constant 7 : i32
    %swap3A_2262 = arith.index_cast %swap3A_2261 : i32 to index
    %swap3A_2263 = arith.constant 96 : index
    %swap3A_2264 = tpu.vector_load %arg6[%swap3A_2262, %swap3A_2263] {strides = array<i32>} : memref<8x128xi32, #tpu.memory_space<vmem>>, vector<16xi32>,
    tpu.vector_store %arg6[%swap3A_2262, %swap3A_2263], %select_n3A_2260 {strides = array<i32>} : memref<8x128xi32, #tpu.memory_space<vmem>>, vector<16xi32>,
    %slice3A_2265 = vector.extract_strided_slice %add3A_2239 {offsets = [15], sizes = [1], strides = [1]} : vector<16xi32> to vector<1xi32>
    %squeeze3A_2266 = vector.extract %slice3A_2265[0] : i32 from vector<1xi32>
    %get3A_2267 = arith.constant 1008 : index
    %get3A_2268 = tpu.vector_load %arg5[%get3A_2267] {strides = array<i32>} : memref<1024xi32, #tpu.memory_space<vmem>>, vector<16xi32>,
    %broadcast_in_dim3A_2269 = arith.constant true
    %broadcast_in_dim3A_2270 = vector.broadcast %broadcast_in_dim3A_2269 : i1 to vector<16xi1>
    %masked_cumsum3A_2271 = tpu.scan <sum>, %get3A_2268 masked %broadcast_in_dim3A_2270 : vector<16xi32>, vector<16xi1> -> vector<16xi32>
    %add3A_2272 = vector.broadcast %squeeze3A_2266 : i32 to vector<16xi32>
    %add3A_2273 = arith.addi %masked_cumsum3A_2271, %add3A_2272 : vector<16xi32>
    %min3A_2274 = arith.constant 8191 : i32
    %min3A_2275 = vector.broadcast %min3A_2274 : i32 to vector<16xi32>
    %min3A_2276 = arith.minsi %add3A_2273, %min3A_2275 : vector<16xi32>
    %iota3A_2277 = tpu.iota {dimensions = array<i32: 0>} : vector<16xi32>
    %add3A_2278 = arith.constant 1008 : i32
    %add3A_2279 = vector.broadcast %add3A_2278 : i32 to vector<16xi32>
    %add3A_2280 = arith.addi %iota3A_2277, %add3A_2279 : vector<16xi32>
    %mul3A_2281 = arith.constant 8 : i32
    %mul3A_2282 = arith.muli %add3A, %mul3A_2281 : i32
    %add3A_2283 = vector.broadcast %mul3A_2282 : i32 to vector<16xi32>
    %add3A_2284 = arith.addi %add3A_2280, %add3A_2283 : vector<16xi32>
    %and3A_2285 = arith.constant 1023 : i32
    %and3A_2286 = vector.broadcast %and3A_2285 : i32 to vector<16xi32>
    %and3A_2287 = arith.andi %add3A_2284, %and3A_2286 : vector<16xi32>
    %add3A_2288 = arith.constant 8192 : i32
    %add3A_2289 = vector.broadcast %add3A_2288 : i32 to vector<16xi32>
    %add3A_2290 = arith.addi %add3A_2289, %and3A_2287 : vector<16xi32>
    %gt3A_2291 = arith.constant 0 : i32
    %gt3A_2292 = vector.broadcast %gt3A_2291 : i32 to vector<16xi32>
    %gt3A_2293 = arith.cmpi sgt, %get3A_2268, %gt3A_2292 : vector<16xi32>
    %select_n3A_2294 = arith.select %gt3A_2293, %min3A_2276, %add3A_2290 : vector<16xi1>, vector<16xi32>
    %swap3A_2295 = arith.constant 7 : i32
    %swap3A_2296 = arith.index_cast %swap3A_2295 : i32 to index
    %swap3A_2297 = arith.constant 112 : index
    %swap3A_2298 = tpu.vector_load %arg6[%swap3A_2296, %swap3A_2297] {strides = array<i32>} : memref<8x128xi32, #tpu.memory_space<vmem>>, vector<16xi32>,
    tpu.vector_store %arg6[%swap3A_2296, %swap3A_2297], %select_n3A_2294 {strides = array<i32>} : memref<8x128xi32, #tpu.memory_space<vmem>>, vector<16xi32>,
    %slice3A_2299 = vector.extract_strided_slice %add3A_2273 {offsets = [15], sizes = [1], strides = [1]} : vector<16xi32> to vector<1xi32>
    %squeeze3A_2300 = vector.extract %slice3A_2299[0] : i32 from vector<1xi32>
    %dma_start3A_2301 = arith.constant 7 : i32
    %dma_start3A_2302 = arith.constant 896 : i32
    %dma_start3A_2303 = arith.constant 0 : i32
    %dma_start3A_2304 = tpu.memref_slice %arg7[%dma_start3A_2302, %dma_start3A_2303] : memref<1024x64xf32, #tpu.memory_space<vmem>> -> memref<128x64xf32, #tpu.memory_space<vmem>>
    %dma_start3A_2305 = arith.constant 0 : i32
    %dma_start3A_2306 = tpu.memref_slice %arg6[%dma_start3A_2301, %dma_start3A_2305] : memref<8x128xi32, #tpu.memory_space<vmem>> -> memref<1x128xi32, #tpu.memory_space<vmem>>
    %dma_start3A_2307 = tpu.memref_squeeze %dma_start3A_2306 : memref<1x128xi32, #tpu.memory_space<vmem>> -> memref<128xi32, #tpu.memory_space<vmem>>
    %dma_start3A_2308 = arith.constant 0 : i32
    %dma_start3A_2309 = arith.constant 0 : i32
    %dma_start3A_2310 = tpu.memref_slice %arg3[%dma_start3A_2308, %dma_start3A_2309] : memref<9216x64xf32, #tpu.memory_space<hbm>> -> memref<9216x64xf32, #tpu.memory_space<hbm>>
    tpu.enqueue_indirect_dma source(%dma_start3A_2310 : memref<9216x64xf32, #tpu.memory_space<hbm>>) target(%dma_start3A_2304 : memref<128x64xf32, #tpu.memory_space<vmem>>) offsets(%dma_start3A_2307 : memref<128xi32, #tpu.memory_space<vmem>>) semaphore(%arg12 : memref<!tpu.dma_semaphore, #tpu.memory_space<semaphore_mem>>)
    %dma_wait3A = arith.constant 0 : i32
    %dma_wait3A_2311 = arith.constant 0 : i32
    %dma_wait3A_2312 = arith.constant 0 : i32
    %dma_wait3A_2313 = tpu.memref_slice %arg7[%dma_wait3A_2311, %dma_wait3A_2312] : memref<1024x64xf32, #tpu.memory_space<vmem>> -> memref<128x64xf32, #tpu.memory_space<vmem>>
    %dma_wait3A_2314 = arith.constant 0 : i32
    %dma_wait3A_2315 = tpu.memref_slice %arg6[%dma_wait3A, %dma_wait3A_2314] : memref<8x128xi32, #tpu.memory_space<vmem>> -> memref<1x128xi32, #tpu.memory_space<vmem>>
    %dma_wait3A_2316 = tpu.memref_squeeze %dma_wait3A_2315 : memref<1x128xi32, #tpu.memory_space<vmem>> -> memref<128xi32, #tpu.memory_space<vmem>>
    %dma_wait3A_2317 = arith.constant 0 : i32
    %dma_wait3A_2318 = arith.constant 0 : i32
    %dma_wait3A_2319 = tpu.memref_slice %arg3[%dma_wait3A_2317, %dma_wait3A_2318] : memref<9216x64xf32, #tpu.memory_space<hbm>> -> memref<9216x64xf32, #tpu.memory_space<hbm>>
    tpu.wait_indirect_dma semaphore(%arg11 : memref<!tpu.dma_semaphore, #tpu.memory_space<semaphore_mem>>) src(%dma_wait3A_2319 : memref<9216x64xf32, #tpu.memory_space<hbm>>) dst(%dma_wait3A_2313 : memref<128x64xf32, #tpu.memory_space<vmem>>)
    %dma_wait3A_2320 = arith.constant 1 : i32
    %dma_wait3A_2321 = arith.constant 128 : i32
    %dma_wait3A_2322 = arith.constant 0 : i32
    %dma_wait3A_2323 = tpu.memref_slice %arg7[%dma_wait3A_2321, %dma_wait3A_2322] : memref<1024x64xf32, #tpu.memory_space<vmem>> -> memref<128x64xf32, #tpu.memory_space<vmem>>
    %dma_wait3A_2324 = arith.constant 0 : i32
    %dma_wait3A_2325 = tpu.memref_slice %arg6[%dma_wait3A_2320, %dma_wait3A_2324] : memref<8x128xi32, #tpu.memory_space<vmem>> -> memref<1x128xi32, #tpu.memory_space<vmem>>
    %dma_wait3A_2326 = tpu.memref_squeeze %dma_wait3A_2325 : memref<1x128xi32, #tpu.memory_space<vmem>> -> memref<128xi32, #tpu.memory_space<vmem>>
    %dma_wait3A_2327 = arith.constant 0 : i32
    %dma_wait3A_2328 = arith.constant 0 : i32
    %dma_wait3A_2329 = tpu.memref_slice %arg3[%dma_wait3A_2327, %dma_wait3A_2328] : memref<9216x64xf32, #tpu.memory_space<hbm>> -> memref<9216x64xf32, #tpu.memory_space<hbm>>
    tpu.wait_indirect_dma semaphore(%arg11 : memref<!tpu.dma_semaphore, #tpu.memory_space<semaphore_mem>>) src(%dma_wait3A_2329 : memref<9216x64xf32, #tpu.memory_space<hbm>>) dst(%dma_wait3A_2323 : memref<128x64xf32, #tpu.memory_space<vmem>>)
    %dma_wait3A_2330 = arith.constant 2 : i32
    %dma_wait3A_2331 = arith.constant 256 : i32
    %dma_wait3A_2332 = arith.constant 0 : i32
    %dma_wait3A_2333 = tpu.memref_slice %arg7[%dma_wait3A_2331, %dma_wait3A_2332] : memref<1024x64xf32, #tpu.memory_space<vmem>> -> memref<128x64xf32, #tpu.memory_space<vmem>>
    %dma_wait3A_2334 = arith.constant 0 : i32
    %dma_wait3A_2335 = tpu.memref_slice %arg6[%dma_wait3A_2330, %dma_wait3A_2334] : memref<8x128xi32, #tpu.memory_space<vmem>> -> memref<1x128xi32, #tpu.memory_space<vmem>>
    %dma_wait3A_2336 = tpu.memref_squeeze %dma_wait3A_2335 : memref<1x128xi32, #tpu.memory_space<vmem>> -> memref<128xi32, #tpu.memory_space<vmem>>
    %dma_wait3A_2337 = arith.constant 0 : i32
    %dma_wait3A_2338 = arith.constant 0 : i32
    %dma_wait3A_2339 = tpu.memref_slice %arg3[%dma_wait3A_2337, %dma_wait3A_2338] : memref<9216x64xf32, #tpu.memory_space<hbm>> -> memref<9216x64xf32, #tpu.memory_space<hbm>>
    tpu.wait_indirect_dma semaphore(%arg11 : memref<!tpu.dma_semaphore, #tpu.memory_space<semaphore_mem>>) src(%dma_wait3A_2339 : memref<9216x64xf32, #tpu.memory_space<hbm>>) dst(%dma_wait3A_2333 : memref<128x64xf32, #tpu.memory_space<vmem>>)
    %dma_wait3A_2340 = arith.constant 3 : i32
    %dma_wait3A_2341 = arith.constant 384 : i32
    %dma_wait3A_2342 = arith.constant 0 : i32
    %dma_wait3A_2343 = tpu.memref_slice %arg7[%dma_wait3A_2341, %dma_wait3A_2342] : memref<1024x64xf32, #tpu.memory_space<vmem>> -> memref<128x64xf32, #tpu.memory_space<vmem>>
    %dma_wait3A_2344 = arith.constant 0 : i32
    %dma_wait3A_2345 = tpu.memref_slice %arg6[%dma_wait3A_2340, %dma_wait3A_2344] : memref<8x128xi32, #tpu.memory_space<vmem>> -> memref<1x128xi32, #tpu.memory_space<vmem>>
    %dma_wait3A_2346 = tpu.memref_squeeze %dma_wait3A_2345 : memref<1x128xi32, #tpu.memory_space<vmem>> -> memref<128xi32, #tpu.memory_space<vmem>>
    %dma_wait3A_2347 = arith.constant 0 : i32
    %dma_wait3A_2348 = arith.constant 0 : i32
    %dma_wait3A_2349 = tpu.memref_slice %arg3[%dma_wait3A_2347, %dma_wait3A_2348] : memref<9216x64xf32, #tpu.memory_space<hbm>> -> memref<9216x64xf32, #tpu.memory_space<hbm>>
    tpu.wait_indirect_dma semaphore(%arg11 : memref<!tpu.dma_semaphore, #tpu.memory_space<semaphore_mem>>) src(%dma_wait3A_2349 : memref<9216x64xf32, #tpu.memory_space<hbm>>) dst(%dma_wait3A_2343 : memref<128x64xf32, #tpu.memory_space<vmem>>)
    %mul3A_2350 = arith.constant 1024 : i32
    %mul3A_2351 = arith.muli %add3A, %mul3A_2350 : i32
    %add3A_2352 = arith.constant 0 : i32
    %add3A_2353 = arith.addi %mul3A_2351, %add3A_2352 : i32
    %dma_start3A_2354 = arith.constant 0 : i32
    %dma_start3A_2355 = arith.constant 0 : i32
    %dma_start3A_2356 = tpu.memref_slice %arg7[%dma_start3A_2354, %dma_start3A_2355] : memref<1024x64xf32, #tpu.memory_space<vmem>> -> memref<128x64xf32, #tpu.memory_space<vmem>>
    %dma_start3A_2357 = arith.constant 0 : i32
    %dma_start3A_2358 = tpu.memref_slice %arg4[%add3A_2353, %dma_start3A_2357] : memref<32768x64xf32, #tpu.memory_space<hbm>> -> memref<128x64xf32, #tpu.memory_space<hbm>>
    %dma_start3A_2359 = arith.constant 0 : i32
    %dma_start3A_2360 = tpu.memref_slice %arg4[%add3A_2353, %dma_start3A_2359] : memref<32768x64xf32, #tpu.memory_space<hbm>> -> memref<128x64xf32, #tpu.memory_space<hbm>>
    %dma_start3A_2361 = arith.constant 0 : i32
    %dma_start3A_2362 = arith.constant 0 : i32
    %dma_start3A_2363 = tpu.memref_slice %arg7[%dma_start3A_2361, %dma_start3A_2362] : memref<1024x64xf32, #tpu.memory_space<vmem>> -> memref<128x64xf32, #tpu.memory_space<vmem>>
    tpu.enqueue_dma source(%dma_start3A_2363 : memref<128x64xf32, #tpu.memory_space<vmem>>) target(%dma_start3A_2360 : memref<128x64xf32, #tpu.memory_space<hbm>>) target_semaphore(%arg13 : memref<!tpu.dma_semaphore, #tpu.memory_space<semaphore_mem>>)
    %mul3A_2364 = arith.constant 1024 : i32
    %mul3A_2365 = arith.muli %add3A, %mul3A_2364 : i32
    %add3A_2366 = arith.constant 128 : i32
    %add3A_2367 = arith.addi %mul3A_2365, %add3A_2366 : i32
    %dma_start3A_2368 = arith.constant 128 : i32
    %dma_start3A_2369 = arith.constant 0 : i32
    %dma_start3A_2370 = tpu.memref_slice %arg7[%dma_start3A_2368, %dma_start3A_2369] : memref<1024x64xf32, #tpu.memory_space<vmem>> -> memref<128x64xf32, #tpu.memory_space<vmem>>
    %dma_start3A_2371 = arith.constant 0 : i32
    %dma_start3A_2372 = tpu.memref_slice %arg4[%add3A_2367, %dma_start3A_2371] : memref<32768x64xf32, #tpu.memory_space<hbm>> -> memref<128x64xf32, #tpu.memory_space<hbm>>
    %dma_start3A_2373 = arith.constant 0 : i32
    %dma_start3A_2374 = tpu.memref_slice %arg4[%add3A_2367, %dma_start3A_2373] : memref<32768x64xf32, #tpu.memory_space<hbm>> -> memref<128x64xf32, #tpu.memory_space<hbm>>
    %dma_start3A_2375 = arith.constant 128 : i32
    %dma_start3A_2376 = arith.constant 0 : i32
    %dma_start3A_2377 = tpu.memref_slice %arg7[%dma_start3A_2375, %dma_start3A_2376] : memref<1024x64xf32, #tpu.memory_space<vmem>> -> memref<128x64xf32, #tpu.memory_space<vmem>>
    tpu.enqueue_dma source(%dma_start3A_2377 : memref<128x64xf32, #tpu.memory_space<vmem>>) target(%dma_start3A_2374 : memref<128x64xf32, #tpu.memory_space<hbm>>) target_semaphore(%arg13 : memref<!tpu.dma_semaphore, #tpu.memory_space<semaphore_mem>>)
    %mul3A_2378 = arith.constant 1024 : i32
    %mul3A_2379 = arith.muli %add3A, %mul3A_2378 : i32
    %add3A_2380 = arith.constant 256 : i32
    %add3A_2381 = arith.addi %mul3A_2379, %add3A_2380 : i32
    %dma_start3A_2382 = arith.constant 256 : i32
    %dma_start3A_2383 = arith.constant 0 : i32
    %dma_start3A_2384 = tpu.memref_slice %arg7[%dma_start3A_2382, %dma_start3A_2383] : memref<1024x64xf32, #tpu.memory_space<vmem>> -> memref<128x64xf32, #tpu.memory_space<vmem>>
    %dma_start3A_2385 = arith.constant 0 : i32
    %dma_start3A_2386 = tpu.memref_slice %arg4[%add3A_2381, %dma_start3A_2385] : memref<32768x64xf32, #tpu.memory_space<hbm>> -> memref<128x64xf32, #tpu.memory_space<hbm>>
    %dma_start3A_2387 = arith.constant 0 : i32
    %dma_start3A_2388 = tpu.memref_slice %arg4[%add3A_2381, %dma_start3A_2387] : memref<32768x64xf32, #tpu.memory_space<hbm>> -> memref<128x64xf32, #tpu.memory_space<hbm>>
    %dma_start3A_2389 = arith.constant 256 : i32
    %dma_start3A_2390 = arith.constant 0 : i32
    %dma_start3A_2391 = tpu.memref_slice %arg7[%dma_start3A_2389, %dma_start3A_2390] : memref<1024x64xf32, #tpu.memory_space<vmem>> -> memref<128x64xf32, #tpu.memory_space<vmem>>
    tpu.enqueue_dma source(%dma_start3A_2391 : memref<128x64xf32, #tpu.memory_space<vmem>>) target(%dma_start3A_2388 : memref<128x64xf32, #tpu.memory_space<hbm>>) target_semaphore(%arg13 : memref<!tpu.dma_semaphore, #tpu.memory_space<semaphore_mem>>)
    %mul3A_2392 = arith.constant 1024 : i32
    %mul3A_2393 = arith.muli %add3A, %mul3A_2392 : i32
    %add3A_2394 = arith.constant 384 : i32
    %add3A_2395 = arith.addi %mul3A_2393, %add3A_2394 : i32
    %dma_start3A_2396 = arith.constant 384 : i32
    %dma_start3A_2397 = arith.constant 0 : i32
    %dma_start3A_2398 = tpu.memref_slice %arg7[%dma_start3A_2396, %dma_start3A_2397] : memref<1024x64xf32, #tpu.memory_space<vmem>> -> memref<128x64xf32, #tpu.memory_space<vmem>>
    %dma_start3A_2399 = arith.constant 0 : i32
    %dma_start3A_2400 = tpu.memref_slice %arg4[%add3A_2395, %dma_start3A_2399] : memref<32768x64xf32, #tpu.memory_space<hbm>> -> memref<128x64xf32, #tpu.memory_space<hbm>>
    %dma_start3A_2401 = arith.constant 0 : i32
    %dma_start3A_2402 = tpu.memref_slice %arg4[%add3A_2395, %dma_start3A_2401] : memref<32768x64xf32, #tpu.memory_space<hbm>> -> memref<128x64xf32, #tpu.memory_space<hbm>>
    %dma_start3A_2403 = arith.constant 384 : i32
    %dma_start3A_2404 = arith.constant 0 : i32
    %dma_start3A_2405 = tpu.memref_slice %arg7[%dma_start3A_2403, %dma_start3A_2404] : memref<1024x64xf32, #tpu.memory_space<vmem>> -> memref<128x64xf32, #tpu.memory_space<vmem>>
    tpu.enqueue_dma source(%dma_start3A_2405 : memref<128x64xf32, #tpu.memory_space<vmem>>) target(%dma_start3A_2402 : memref<128x64xf32, #tpu.memory_space<hbm>>) target_semaphore(%arg13 : memref<!tpu.dma_semaphore, #tpu.memory_space<semaphore_mem>>)
    %dma_wait3A_2406 = arith.constant 4 : i32
    %dma_wait3A_2407 = arith.constant 512 : i32
    %dma_wait3A_2408 = arith.constant 0 : i32
    %dma_wait3A_2409 = tpu.memref_slice %arg7[%dma_wait3A_2407, %dma_wait3A_2408] : memref<1024x64xf32, #tpu.memory_space<vmem>> -> memref<128x64xf32, #tpu.memory_space<vmem>>
    %dma_wait3A_2410 = arith.constant 0 : i32
    %dma_wait3A_2411 = tpu.memref_slice %arg6[%dma_wait3A_2406, %dma_wait3A_2410] : memref<8x128xi32, #tpu.memory_space<vmem>> -> memref<1x128xi32, #tpu.memory_space<vmem>>
    %dma_wait3A_2412 = tpu.memref_squeeze %dma_wait3A_2411 : memref<1x128xi32, #tpu.memory_space<vmem>> -> memref<128xi32, #tpu.memory_space<vmem>>
    %dma_wait3A_2413 = arith.constant 0 : i32
    %dma_wait3A_2414 = arith.constant 0 : i32
    %dma_wait3A_2415 = tpu.memref_slice %arg3[%dma_wait3A_2413, %dma_wait3A_2414] : memref<9216x64xf32, #tpu.memory_space<hbm>> -> memref<9216x64xf32, #tpu.memory_space<hbm>>
    tpu.wait_indirect_dma semaphore(%arg12 : memref<!tpu.dma_semaphore, #tpu.memory_space<semaphore_mem>>) src(%dma_wait3A_2415 : memref<9216x64xf32, #tpu.memory_space<hbm>>) dst(%dma_wait3A_2409 : memref<128x64xf32, #tpu.memory_space<vmem>>)
    %dma_wait3A_2416 = arith.constant 5 : i32
    %dma_wait3A_2417 = arith.constant 640 : i32
    %dma_wait3A_2418 = arith.constant 0 : i32
    %dma_wait3A_2419 = tpu.memref_slice %arg7[%dma_wait3A_2417, %dma_wait3A_2418] : memref<1024x64xf32, #tpu.memory_space<vmem>> -> memref<128x64xf32, #tpu.memory_space<vmem>>
    %dma_wait3A_2420 = arith.constant 0 : i32
    %dma_wait3A_2421 = tpu.memref_slice %arg6[%dma_wait3A_2416, %dma_wait3A_2420] : memref<8x128xi32, #tpu.memory_space<vmem>> -> memref<1x128xi32, #tpu.memory_space<vmem>>
    %dma_wait3A_2422 = tpu.memref_squeeze %dma_wait3A_2421 : memref<1x128xi32, #tpu.memory_space<vmem>> -> memref<128xi32, #tpu.memory_space<vmem>>
    %dma_wait3A_2423 = arith.constant 0 : i32
    %dma_wait3A_2424 = arith.constant 0 : i32
    %dma_wait3A_2425 = tpu.memref_slice %arg3[%dma_wait3A_2423, %dma_wait3A_2424] : memref<9216x64xf32, #tpu.memory_space<hbm>> -> memref<9216x64xf32, #tpu.memory_space<hbm>>
    tpu.wait_indirect_dma semaphore(%arg12 : memref<!tpu.dma_semaphore, #tpu.memory_space<semaphore_mem>>) src(%dma_wait3A_2425 : memref<9216x64xf32, #tpu.memory_space<hbm>>) dst(%dma_wait3A_2419 : memref<128x64xf32, #tpu.memory_space<vmem>>)
    %dma_wait3A_2426 = arith.constant 6 : i32
    %dma_wait3A_2427 = arith.constant 768 : i32
    %dma_wait3A_2428 = arith.constant 0 : i32
    %dma_wait3A_2429 = tpu.memref_slice %arg7[%dma_wait3A_2427, %dma_wait3A_2428] : memref<1024x64xf32, #tpu.memory_space<vmem>> -> memref<128x64xf32, #tpu.memory_space<vmem>>
    %dma_wait3A_2430 = arith.constant 0 : i32
    %dma_wait3A_2431 = tpu.memref_slice %arg6[%dma_wait3A_2426, %dma_wait3A_2430] : memref<8x128xi32, #tpu.memory_space<vmem>> -> memref<1x128xi32, #tpu.memory_space<vmem>>
    %dma_wait3A_2432 = tpu.memref_squeeze %dma_wait3A_2431 : memref<1x128xi32, #tpu.memory_space<vmem>> -> memref<128xi32, #tpu.memory_space<vmem>>
    %dma_wait3A_2433 = arith.constant 0 : i32
    %dma_wait3A_2434 = arith.constant 0 : i32
    %dma_wait3A_2435 = tpu.memref_slice %arg3[%dma_wait3A_2433, %dma_wait3A_2434] : memref<9216x64xf32, #tpu.memory_space<hbm>> -> memref<9216x64xf32, #tpu.memory_space<hbm>>
    tpu.wait_indirect_dma semaphore(%arg12 : memref<!tpu.dma_semaphore, #tpu.memory_space<semaphore_mem>>) src(%dma_wait3A_2435 : memref<9216x64xf32, #tpu.memory_space<hbm>>) dst(%dma_wait3A_2429 : memref<128x64xf32, #tpu.memory_space<vmem>>)
    %dma_wait3A_2436 = arith.constant 7 : i32
    %dma_wait3A_2437 = arith.constant 896 : i32
    %dma_wait3A_2438 = arith.constant 0 : i32
    %dma_wait3A_2439 = tpu.memref_slice %arg7[%dma_wait3A_2437, %dma_wait3A_2438] : memref<1024x64xf32, #tpu.memory_space<vmem>> -> memref<128x64xf32, #tpu.memory_space<vmem>>
    %dma_wait3A_2440 = arith.constant 0 : i32
    %dma_wait3A_2441 = tpu.memref_slice %arg6[%dma_wait3A_2436, %dma_wait3A_2440] : memref<8x128xi32, #tpu.memory_space<vmem>> -> memref<1x128xi32, #tpu.memory_space<vmem>>
    %dma_wait3A_2442 = tpu.memref_squeeze %dma_wait3A_2441 : memref<1x128xi32, #tpu.memory_space<vmem>> -> memref<128xi32, #tpu.memory_space<vmem>>
    %dma_wait3A_2443 = arith.constant 0 : i32
    %dma_wait3A_2444 = arith.constant 0 : i32
    %dma_wait3A_2445 = tpu.memref_slice %arg3[%dma_wait3A_2443, %dma_wait3A_2444] : memref<9216x64xf32, #tpu.memory_space<hbm>> -> memref<9216x64xf32, #tpu.memory_space<hbm>>
    tpu.wait_indirect_dma semaphore(%arg12 : memref<!tpu.dma_semaphore, #tpu.memory_space<semaphore_mem>>) src(%dma_wait3A_2445 : memref<9216x64xf32, #tpu.memory_space<hbm>>) dst(%dma_wait3A_2439 : memref<128x64xf32, #tpu.memory_space<vmem>>)
    %mul3A_2446 = arith.constant 1024 : i32
    %mul3A_2447 = arith.muli %add3A, %mul3A_2446 : i32
    %add3A_2448 = arith.constant 512 : i32
    %add3A_2449 = arith.addi %mul3A_2447, %add3A_2448 : i32
    %dma_start3A_2450 = arith.constant 512 : i32
    %dma_start3A_2451 = arith.constant 0 : i32
    %dma_start3A_2452 = tpu.memref_slice %arg7[%dma_start3A_2450, %dma_start3A_2451] : memref<1024x64xf32, #tpu.memory_space<vmem>> -> memref<128x64xf32, #tpu.memory_space<vmem>>
    %dma_start3A_2453 = arith.constant 0 : i32
    %dma_start3A_2454 = tpu.memref_slice %arg4[%add3A_2449, %dma_start3A_2453] : memref<32768x64xf32, #tpu.memory_space<hbm>> -> memref<128x64xf32, #tpu.memory_space<hbm>>
    %dma_start3A_2455 = arith.constant 0 : i32
    %dma_start3A_2456 = tpu.memref_slice %arg4[%add3A_2449, %dma_start3A_2455] : memref<32768x64xf32, #tpu.memory_space<hbm>> -> memref<128x64xf32, #tpu.memory_space<hbm>>
    %dma_start3A_2457 = arith.constant 512 : i32
    %dma_start3A_2458 = arith.constant 0 : i32
    %dma_start3A_2459 = tpu.memref_slice %arg7[%dma_start3A_2457, %dma_start3A_2458] : memref<1024x64xf32, #tpu.memory_space<vmem>> -> memref<128x64xf32, #tpu.memory_space<vmem>>
    tpu.enqueue_dma source(%dma_start3A_2459 : memref<128x64xf32, #tpu.memory_space<vmem>>) target(%dma_start3A_2456 : memref<128x64xf32, #tpu.memory_space<hbm>>) target_semaphore(%arg13 : memref<!tpu.dma_semaphore, #tpu.memory_space<semaphore_mem>>)
    %mul3A_2460 = arith.constant 1024 : i32
    %mul3A_2461 = arith.muli %add3A, %mul3A_2460 : i32
    %add3A_2462 = arith.constant 640 : i32
    %add3A_2463 = arith.addi %mul3A_2461, %add3A_2462 : i32
    %dma_start3A_2464 = arith.constant 640 : i32
    %dma_start3A_2465 = arith.constant 0 : i32
    %dma_start3A_2466 = tpu.memref_slice %arg7[%dma_start3A_2464, %dma_start3A_2465] : memref<1024x64xf32, #tpu.memory_space<vmem>> -> memref<128x64xf32, #tpu.memory_space<vmem>>
    %dma_start3A_2467 = arith.constant 0 : i32
    %dma_start3A_2468 = tpu.memref_slice %arg4[%add3A_2463, %dma_start3A_2467] : memref<32768x64xf32, #tpu.memory_space<hbm>> -> memref<128x64xf32, #tpu.memory_space<hbm>>
    %dma_start3A_2469 = arith.constant 0 : i32
    %dma_start3A_2470 = tpu.memref_slice %arg4[%add3A_2463, %dma_start3A_2469] : memref<32768x64xf32, #tpu.memory_space<hbm>> -> memref<128x64xf32, #tpu.memory_space<hbm>>
    %dma_start3A_2471 = arith.constant 640 : i32
    %dma_start3A_2472 = arith.constant 0 : i32
    %dma_start3A_2473 = tpu.memref_slice %arg7[%dma_start3A_2471, %dma_start3A_2472] : memref<1024x64xf32, #tpu.memory_space<vmem>> -> memref<128x64xf32, #tpu.memory_space<vmem>>
    tpu.enqueue_dma source(%dma_start3A_2473 : memref<128x64xf32, #tpu.memory_space<vmem>>) target(%dma_start3A_2470 : memref<128x64xf32, #tpu.memory_space<hbm>>) target_semaphore(%arg13 : memref<!tpu.dma_semaphore, #tpu.memory_space<semaphore_mem>>)
    %mul3A_2474 = arith.constant 1024 : i32
    %mul3A_2475 = arith.muli %add3A, %mul3A_2474 : i32
    %add3A_2476 = arith.constant 768 : i32
    %add3A_2477 = arith.addi %mul3A_2475, %add3A_2476 : i32
    %dma_start3A_2478 = arith.constant 768 : i32
    %dma_start3A_2479 = arith.constant 0 : i32
    %dma_start3A_2480 = tpu.memref_slice %arg7[%dma_start3A_2478, %dma_start3A_2479] : memref<1024x64xf32, #tpu.memory_space<vmem>> -> memref<128x64xf32, #tpu.memory_space<vmem>>
    %dma_start3A_2481 = arith.constant 0 : i32
    %dma_start3A_2482 = tpu.memref_slice %arg4[%add3A_2477, %dma_start3A_2481] : memref<32768x64xf32, #tpu.memory_space<hbm>> -> memref<128x64xf32, #tpu.memory_space<hbm>>
    %dma_start3A_2483 = arith.constant 0 : i32
    %dma_start3A_2484 = tpu.memref_slice %arg4[%add3A_2477, %dma_start3A_2483] : memref<32768x64xf32, #tpu.memory_space<hbm>> -> memref<128x64xf32, #tpu.memory_space<hbm>>
    %dma_start3A_2485 = arith.constant 768 : i32
    %dma_start3A_2486 = arith.constant 0 : i32
    %dma_start3A_2487 = tpu.memref_slice %arg7[%dma_start3A_2485, %dma_start3A_2486] : memref<1024x64xf32, #tpu.memory_space<vmem>> -> memref<128x64xf32, #tpu.memory_space<vmem>>
    tpu.enqueue_dma source(%dma_start3A_2487 : memref<128x64xf32, #tpu.memory_space<vmem>>) target(%dma_start3A_2484 : memref<128x64xf32, #tpu.memory_space<hbm>>) target_semaphore(%arg13 : memref<!tpu.dma_semaphore, #tpu.memory_space<semaphore_mem>>)
    %mul3A_2488 = arith.constant 1024 : i32
    %mul3A_2489 = arith.muli %add3A, %mul3A_2488 : i32
    %add3A_2490 = arith.constant 896 : i32
    %add3A_2491 = arith.addi %mul3A_2489, %add3A_2490 : i32
    %dma_start3A_2492 = arith.constant 896 : i32
    %dma_start3A_2493 = arith.constant 0 : i32
    %dma_start3A_2494 = tpu.memref_slice %arg7[%dma_start3A_2492, %dma_start3A_2493] : memref<1024x64xf32, #tpu.memory_space<vmem>> -> memref<128x64xf32, #tpu.memory_space<vmem>>
    %dma_start3A_2495 = arith.constant 0 : i32
    %dma_start3A_2496 = tpu.memref_slice %arg4[%add3A_2491, %dma_start3A_2495] : memref<32768x64xf32, #tpu.memory_space<hbm>> -> memref<128x64xf32, #tpu.memory_space<hbm>>
    %dma_start3A_2497 = arith.constant 0 : i32
    %dma_start3A_2498 = tpu.memref_slice %arg4[%add3A_2491, %dma_start3A_2497] : memref<32768x64xf32, #tpu.memory_space<hbm>> -> memref<128x64xf32, #tpu.memory_space<hbm>>
    %dma_start3A_2499 = arith.constant 896 : i32
    %dma_start3A_2500 = arith.constant 0 : i32
    %dma_start3A_2501 = tpu.memref_slice %arg7[%dma_start3A_2499, %dma_start3A_2500] : memref<1024x64xf32, #tpu.memory_space<vmem>> -> memref<128x64xf32, #tpu.memory_space<vmem>>
    tpu.enqueue_dma source(%dma_start3A_2501 : memref<128x64xf32, #tpu.memory_space<vmem>>) target(%dma_start3A_2498 : memref<128x64xf32, #tpu.memory_space<hbm>>) target_semaphore(%arg13 : memref<!tpu.dma_semaphore, #tpu.memory_space<semaphore_mem>>)
    %dma_wait3A_2502 = arith.constant 0 : i32
    %dma_wait3A_2503 = arith.constant 0 : i32
    %dma_wait3A_2504 = tpu.memref_slice %arg7[%dma_wait3A_2502, %dma_wait3A_2503] : memref<1024x64xf32, #tpu.memory_space<vmem>> -> memref<128x64xf32, #tpu.memory_space<vmem>>
    %dma_wait3A_2505 = arith.constant 0 : i32
    %dma_wait3A_2506 = tpu.memref_slice %arg4[%add3A_2353, %dma_wait3A_2505] : memref<32768x64xf32, #tpu.memory_space<hbm>> -> memref<128x64xf32, #tpu.memory_space<hbm>>
    %dma_wait3A_2507 = arith.constant 0 : i32
    %dma_wait3A_2508 = tpu.memref_slice %arg4[%add3A_2353, %dma_wait3A_2507] : memref<32768x64xf32, #tpu.memory_space<hbm>> -> memref<128x64xf32, #tpu.memory_space<hbm>>
    %dma_wait3A_2509 = arith.constant 0 : i32
    %dma_wait3A_2510 = arith.constant 0 : i32
    %dma_wait3A_2511 = tpu.memref_slice %arg7[%dma_wait3A_2509, %dma_wait3A_2510] : memref<1024x64xf32, #tpu.memory_space<vmem>> -> memref<128x64xf32, #tpu.memory_space<vmem>>
    tpu.wait_dma2 semaphore(%arg13 : memref<!tpu.dma_semaphore, #tpu.memory_space<semaphore_mem>>) src(%dma_wait3A_2511 : memref<128x64xf32, #tpu.memory_space<vmem>>) dst(%dma_wait3A_2508 : memref<128x64xf32, #tpu.memory_space<hbm>>)
    %dma_wait3A_2512 = arith.constant 128 : i32
    %dma_wait3A_2513 = arith.constant 0 : i32
    %dma_wait3A_2514 = tpu.memref_slice %arg7[%dma_wait3A_2512, %dma_wait3A_2513] : memref<1024x64xf32, #tpu.memory_space<vmem>> -> memref<128x64xf32, #tpu.memory_space<vmem>>
    %dma_wait3A_2515 = arith.constant 0 : i32
    %dma_wait3A_2516 = tpu.memref_slice %arg4[%add3A_2367, %dma_wait3A_2515] : memref<32768x64xf32, #tpu.memory_space<hbm>> -> memref<128x64xf32, #tpu.memory_space<hbm>>
    %dma_wait3A_2517 = arith.constant 0 : i32
    %dma_wait3A_2518 = tpu.memref_slice %arg4[%add3A_2367, %dma_wait3A_2517] : memref<32768x64xf32, #tpu.memory_space<hbm>> -> memref<128x64xf32, #tpu.memory_space<hbm>>
    %dma_wait3A_2519 = arith.constant 128 : i32
    %dma_wait3A_2520 = arith.constant 0 : i32
    %dma_wait3A_2521 = tpu.memref_slice %arg7[%dma_wait3A_2519, %dma_wait3A_2520] : memref<1024x64xf32, #tpu.memory_space<vmem>> -> memref<128x64xf32, #tpu.memory_space<vmem>>
    tpu.wait_dma2 semaphore(%arg13 : memref<!tpu.dma_semaphore, #tpu.memory_space<semaphore_mem>>) src(%dma_wait3A_2521 : memref<128x64xf32, #tpu.memory_space<vmem>>) dst(%dma_wait3A_2518 : memref<128x64xf32, #tpu.memory_space<hbm>>)
    %dma_wait3A_2522 = arith.constant 256 : i32
    %dma_wait3A_2523 = arith.constant 0 : i32
    %dma_wait3A_2524 = tpu.memref_slice %arg7[%dma_wait3A_2522, %dma_wait3A_2523] : memref<1024x64xf32, #tpu.memory_space<vmem>> -> memref<128x64xf32, #tpu.memory_space<vmem>>
    %dma_wait3A_2525 = arith.constant 0 : i32
    %dma_wait3A_2526 = tpu.memref_slice %arg4[%add3A_2381, %dma_wait3A_2525] : memref<32768x64xf32, #tpu.memory_space<hbm>> -> memref<128x64xf32, #tpu.memory_space<hbm>>
    %dma_wait3A_2527 = arith.constant 0 : i32
    %dma_wait3A_2528 = tpu.memref_slice %arg4[%add3A_2381, %dma_wait3A_2527] : memref<32768x64xf32, #tpu.memory_space<hbm>> -> memref<128x64xf32, #tpu.memory_space<hbm>>
    %dma_wait3A_2529 = arith.constant 256 : i32
    %dma_wait3A_2530 = arith.constant 0 : i32
    %dma_wait3A_2531 = tpu.memref_slice %arg7[%dma_wait3A_2529, %dma_wait3A_2530] : memref<1024x64xf32, #tpu.memory_space<vmem>> -> memref<128x64xf32, #tpu.memory_space<vmem>>
    tpu.wait_dma2 semaphore(%arg13 : memref<!tpu.dma_semaphore, #tpu.memory_space<semaphore_mem>>) src(%dma_wait3A_2531 : memref<128x64xf32, #tpu.memory_space<vmem>>) dst(%dma_wait3A_2528 : memref<128x64xf32, #tpu.memory_space<hbm>>)
    %dma_wait3A_2532 = arith.constant 384 : i32
    %dma_wait3A_2533 = arith.constant 0 : i32
    %dma_wait3A_2534 = tpu.memref_slice %arg7[%dma_wait3A_2532, %dma_wait3A_2533] : memref<1024x64xf32, #tpu.memory_space<vmem>> -> memref<128x64xf32, #tpu.memory_space<vmem>>
    %dma_wait3A_2535 = arith.constant 0 : i32
    %dma_wait3A_2536 = tpu.memref_slice %arg4[%add3A_2395, %dma_wait3A_2535] : memref<32768x64xf32, #tpu.memory_space<hbm>> -> memref<128x64xf32, #tpu.memory_space<hbm>>
    %dma_wait3A_2537 = arith.constant 0 : i32
    %dma_wait3A_2538 = tpu.memref_slice %arg4[%add3A_2395, %dma_wait3A_2537] : memref<32768x64xf32, #tpu.memory_space<hbm>> -> memref<128x64xf32, #tpu.memory_space<hbm>>
    %dma_wait3A_2539 = arith.constant 384 : i32
    %dma_wait3A_2540 = arith.constant 0 : i32
    %dma_wait3A_2541 = tpu.memref_slice %arg7[%dma_wait3A_2539, %dma_wait3A_2540] : memref<1024x64xf32, #tpu.memory_space<vmem>> -> memref<128x64xf32, #tpu.memory_space<vmem>>
    tpu.wait_dma2 semaphore(%arg13 : memref<!tpu.dma_semaphore, #tpu.memory_space<semaphore_mem>>) src(%dma_wait3A_2541 : memref<128x64xf32, #tpu.memory_space<vmem>>) dst(%dma_wait3A_2538 : memref<128x64xf32, #tpu.memory_space<hbm>>)
    %dma_wait3A_2542 = arith.constant 512 : i32
    %dma_wait3A_2543 = arith.constant 0 : i32
    %dma_wait3A_2544 = tpu.memref_slice %arg7[%dma_wait3A_2542, %dma_wait3A_2543] : memref<1024x64xf32, #tpu.memory_space<vmem>> -> memref<128x64xf32, #tpu.memory_space<vmem>>
    %dma_wait3A_2545 = arith.constant 0 : i32
    %dma_wait3A_2546 = tpu.memref_slice %arg4[%add3A_2449, %dma_wait3A_2545] : memref<32768x64xf32, #tpu.memory_space<hbm>> -> memref<128x64xf32, #tpu.memory_space<hbm>>
    %dma_wait3A_2547 = arith.constant 0 : i32
    %dma_wait3A_2548 = tpu.memref_slice %arg4[%add3A_2449, %dma_wait3A_2547] : memref<32768x64xf32, #tpu.memory_space<hbm>> -> memref<128x64xf32, #tpu.memory_space<hbm>>
    %dma_wait3A_2549 = arith.constant 512 : i32
    %dma_wait3A_2550 = arith.constant 0 : i32
    %dma_wait3A_2551 = tpu.memref_slice %arg7[%dma_wait3A_2549, %dma_wait3A_2550] : memref<1024x64xf32, #tpu.memory_space<vmem>> -> memref<128x64xf32, #tpu.memory_space<vmem>>
    tpu.wait_dma2 semaphore(%arg13 : memref<!tpu.dma_semaphore, #tpu.memory_space<semaphore_mem>>) src(%dma_wait3A_2551 : memref<128x64xf32, #tpu.memory_space<vmem>>) dst(%dma_wait3A_2548 : memref<128x64xf32, #tpu.memory_space<hbm>>)
    %dma_wait3A_2552 = arith.constant 640 : i32
    %dma_wait3A_2553 = arith.constant 0 : i32
    %dma_wait3A_2554 = tpu.memref_slice %arg7[%dma_wait3A_2552, %dma_wait3A_2553] : memref<1024x64xf32, #tpu.memory_space<vmem>> -> memref<128x64xf32, #tpu.memory_space<vmem>>
    %dma_wait3A_2555 = arith.constant 0 : i32
    %dma_wait3A_2556 = tpu.memref_slice %arg4[%add3A_2463, %dma_wait3A_2555] : memref<32768x64xf32, #tpu.memory_space<hbm>> -> memref<128x64xf32, #tpu.memory_space<hbm>>
    %dma_wait3A_2557 = arith.constant 0 : i32
    %dma_wait3A_2558 = tpu.memref_slice %arg4[%add3A_2463, %dma_wait3A_2557] : memref<32768x64xf32, #tpu.memory_space<hbm>> -> memref<128x64xf32, #tpu.memory_space<hbm>>
    %dma_wait3A_2559 = arith.constant 640 : i32
    %dma_wait3A_2560 = arith.constant 0 : i32
    %dma_wait3A_2561 = tpu.memref_slice %arg7[%dma_wait3A_2559, %dma_wait3A_2560] : memref<1024x64xf32, #tpu.memory_space<vmem>> -> memref<128x64xf32, #tpu.memory_space<vmem>>
    tpu.wait_dma2 semaphore(%arg13 : memref<!tpu.dma_semaphore, #tpu.memory_space<semaphore_mem>>) src(%dma_wait3A_2561 : memref<128x64xf32, #tpu.memory_space<vmem>>) dst(%dma_wait3A_2558 : memref<128x64xf32, #tpu.memory_space<hbm>>)
    %dma_wait3A_2562 = arith.constant 768 : i32
    %dma_wait3A_2563 = arith.constant 0 : i32
    %dma_wait3A_2564 = tpu.memref_slice %arg7[%dma_wait3A_2562, %dma_wait3A_2563] : memref<1024x64xf32, #tpu.memory_space<vmem>> -> memref<128x64xf32, #tpu.memory_space<vmem>>
    %dma_wait3A_2565 = arith.constant 0 : i32
    %dma_wait3A_2566 = tpu.memref_slice %arg4[%add3A_2477, %dma_wait3A_2565] : memref<32768x64xf32, #tpu.memory_space<hbm>> -> memref<128x64xf32, #tpu.memory_space<hbm>>
    %dma_wait3A_2567 = arith.constant 0 : i32
    %dma_wait3A_2568 = tpu.memref_slice %arg4[%add3A_2477, %dma_wait3A_2567] : memref<32768x64xf32, #tpu.memory_space<hbm>> -> memref<128x64xf32, #tpu.memory_space<hbm>>
    %dma_wait3A_2569 = arith.constant 768 : i32
    %dma_wait3A_2570 = arith.constant 0 : i32
    %dma_wait3A_2571 = tpu.memref_slice %arg7[%dma_wait3A_2569, %dma_wait3A_2570] : memref<1024x64xf32, #tpu.memory_space<vmem>> -> memref<128x64xf32, #tpu.memory_space<vmem>>
    tpu.wait_dma2 semaphore(%arg13 : memref<!tpu.dma_semaphore, #tpu.memory_space<semaphore_mem>>) src(%dma_wait3A_2571 : memref<128x64xf32, #tpu.memory_space<vmem>>) dst(%dma_wait3A_2568 : memref<128x64xf32, #tpu.memory_space<hbm>>)
    %dma_wait3A_2572 = arith.constant 896 : i32
    %dma_wait3A_2573 = arith.constant 0 : i32
    %dma_wait3A_2574 = tpu.memref_slice %arg7[%dma_wait3A_2572, %dma_wait3A_2573] : memref<1024x64xf32, #tpu.memory_space<vmem>> -> memref<128x64xf32, #tpu.memory_space<vmem>>
    %dma_wait3A_2575 = arith.constant 0 : i32
    %dma_wait3A_2576 = tpu.memref_slice %arg4[%add3A_2491, %dma_wait3A_2575] : memref<32768x64xf32, #tpu.memory_space<hbm>> -> memref<128x64xf32, #tpu.memory_space<hbm>>
    %dma_wait3A_2577 = arith.constant 0 : i32
    %dma_wait3A_2578 = tpu.memref_slice %arg4[%add3A_2491, %dma_wait3A_2577] : memref<32768x64xf32, #tpu.memory_space<hbm>> -> memref<128x64xf32, #tpu.memory_space<hbm>>
    %dma_wait3A_2579 = arith.constant 896 : i32
    %dma_wait3A_2580 = arith.constant 0 : i32
    %dma_wait3A_2581 = tpu.memref_slice %arg7[%dma_wait3A_2579, %dma_wait3A_2580] : memref<1024x64xf32, #tpu.memory_space<vmem>> -> memref<128x64xf32, #tpu.memory_space<vmem>>
    tpu.wait_dma2 semaphore(%arg13 : memref<!tpu.dma_semaphore, #tpu.memory_space<semaphore_mem>>) src(%dma_wait3A_2581 : memref<128x64xf32, #tpu.memory_space<vmem>>) dst(%dma_wait3A_2578 : memref<128x64xf32, #tpu.memory_space<hbm>>)
    return
  }
}

</mosaic_0001>

<sc_bundles>
// kernel: kernel.3.cloned.1.call-start
scs
__scs_entry_jumppad:
0x0: {  	(pc) =	sbr.rel $0x88, $3  }
0x1: {  	(tag) =	ssettag $0x0;
	lr =	simm.s32 $0x1  }
0x2: {  	[smem:$0x3F9F] =	sst lr;
	_ =	strace $0xD0000000  }
0x3: {  	_ = 	snop  }
0x4: {  	_ = 	snop  }
0x5: {  	_ = 	snop  }
0x6: {  	_ = 	snop  }
0x7: {  	_ = 	snop  }
__scs_overlays_trampoline_lowered:
0x8: {  	[smem:$0x3FAE] =	sst s0  }
0x9: {  	[smem:$0x3FAF] =	sst s1  }
0xa: {  	[smem:$0x3FB0] =	sst s2  }
0xb: {  	[smem:$0x3FB1] =	sst s3  }
0xc: {  	[smem:$0x3FB2] =	sst s4  }
0xd: {  	[smem:$0x3FB3] =	sst s5  }
0xe: {  	[smem:$0x3FB4] =	sst s6  }
0xf: {  	[smem:$0x3FB5] =	sst s7  }
0x10: {  	[smem:$0x3FB6] =	sst s8  }
0x11: {  	[smem:$0x3FB7] =	sst s9;
	s0 =	simm.s32 @!p0 $0x0  }
0x12: {  	s1 =	sld [smem:$0x3F9D];
	s0 =	simm.s32 @p0 $0x1  }
0x13: {  	[smem:$0x3FB8] =	sst s0;
	s0 =	simm.s32 @!p1 $0x0  }
0x14: {  	s2 =	sld [smem:$0x3F9C];
	s0 =	simm.s32 @p1 $0x1  }
0x15: {  	[smem:$0x3FB9] =	sst s0;
	s0 =	simm.s32 @!p2 $0x0  }
0x16: {  	s3 =	sld [smem:$0x3FDB];
	s0 =	simm.s32 @p2 $0x1  }
0x17: {  	s4 =	simm.s32 $0x1BF5;
	[smem:$0x3FBB] =	sst s0  }
0x18: {  	s0 =	sld [smem:$0x3F9E];
	_ =	swait.ge [sflag:s4], $0x0  }
0x19: {  	s7 =	sld [smem:$0x3F9F]  }
0x1a: {  	s8 =	sadd.s32 $0xFFFFE003, lr  }
0x1b: {  	s9 =	sadd.s32 $0xFFFFFEF7, lr;
	s5 =	simm.s32 $0xFFFFFFFF;
	p2 =	slt.u32 s8, $0xFFFFF086  }
0x1c: {  	p1 =	slt.u32 s9, $0xF7A;
	s5 =	simm.s32 @!p2 $0x0  }
0x1d: {  	s5 =	simm.s32 @p1 $0x1;
	p0 =	seq.s32 s7, s2  }
0x1e: {  	s7 =	smul.u32 @!p0 $0xF7A, s2;
	p2 =	seq.s32 @!p0 s5, $0x0  }
0x1f: {  	s9 =	smul.u32 $0xF7A, s1;
	s8 =	simm.s32 @!p0 $0x1BF5;
	p2 =	por !p2, p0  }
0x20: {  	[sflag:s8] =	ssyncset.s32 @!p0 $0xFFFFF086;
	s6 =	sadd.s32 @!p0 s3, s7;
	s7 =	simm.s32 @!p0 $0x108  }
0x21: {  	s3 =	sadd.s32 s3, s9;
	s6 =	sadd.s32 @!p0 $0x88, s6;
	s7 =	simm.s32 @p2 $0x1082  }
0x22: {  	[simem:s7], [sflag:s8] =	dma.local @!p0 [hbm:s6], $0xF7A  }
0x23: {  	s9 =	sor.u32 $0xD0000000, s2;
	s6 =	simm.s32 $0x108;
	_ =	swait.ge @!p0 [sflag:s8], $0x0  }
0x24: {  	s3 =	sadd.s32 $0x88, s3;
	s6 =	simm.s32 @!p1 $0x1082;
	[sflag:s4] =	ssyncset.s32 $0xFFFFF086  }
0x25: {  	[simem:s6], [sflag:s4] =	dma.local [hbm:s3], $0xF7A  }
0x26: {  	[smem:$0x3F9F] =	sst s1;
	(tag) =	ssettag s2;
	_ =	strace s9  }
0x27: {  	s1 =	sld [smem:$0x3FAF]  }
0x28: {  	s2 =	sld [smem:$0x3FB0]  }
0x29: {  	s4 =	sld [smem:$0x3FB2]  }
0x2a: {  	p0 =	seq.s32 s5, $0x0;
	s5 =	sld [smem:$0x3FB3]  }
0x2b: {  	s6 =	sld [smem:$0x3FB4]  }
0x2c: {  	s7 =	sld [smem:$0x3FB5]  }
0x2d: {  	s3 =	simm.s32 $0x108;
	s8 =	sld [smem:$0x3FB6]  }
0x2e: {  	s3 =	simm.s32 @!p0 $0x1082;
	s9 =	sld [smem:$0x3FB7]  }
0x2f: {  	lr =	sadd.s32 s0, s3;
	s0 =	sld [smem:$0x3FAE]  }
0x30: {  	s3 =	sld [smem:$0x3FB1]  }
0x31: {  	[smem:$0x3FBA] =	sst s10  }
0x32: {  	s10 =	sld [smem:$0x3FB8];
	_ =	sdelay $0x3  }
0x33: {  	p0 =	seq.s32 s10, $0x1;
	s10 =	sld [smem:$0x3FBA];
	_ =	sdelay $0x3  }
0x34: {  	[smem:$0x3FBA] =	sst s10  }
0x35: {  	s10 =	sld [smem:$0x3FB9];
	_ =	sdelay $0x3  }
0x36: {  	p1 =	seq.s32 s10, $0x1;
	s10 =	sld [smem:$0x3FBA];
	_ =	sdelay $0x3  }
0x37: {  	[smem:$0x3FBA] =	sst s10  }
0x38: {  	s10 =	sld [smem:$0x3FBB]  }
0x39: {  	_ = 	snop;
	(pc) =	sbr.ind lr, $3  }
0x3a: {  	_ = 	snop  }
0x3b: {  	_ = 	snop  }
0x3c: {  	p2 =	seq.s32 s10, $0x1;
	s10 =	sld [smem:$0x3FBA]  }
0x3d: {  	_ =	shalt  }
0x3e: {  	_ =	shalt  }
0x3f: {  	_ =	shalt  }
0x40: {  	_ =	shalt  }
0x41: {  	_ =	shalt  }
0x42: {  	_ =	shalt  }
0x43: {  	_ =	shalt  }
0x44: {  	_ =	shalt  }
0x45: {  	_ =	shalt  }
0x46: {  	_ =	shalt  }
0x47: {  	_ =	shalt  }
0x48: {  	_ =	shalt  }
0x49: {  	_ =	shalt  }
0x4a: {  	_ =	shalt  }
0x4b: {  	_ =	shalt  }
0x4c: {  	_ =	shalt  }
0x4d: {  	_ =	shalt  }
0x4e: {  	_ =	shalt  }
0x4f: {  	_ =	shalt  }
0x50: {  	_ =	shalt  }
0x51: {  	_ =	shalt  }
0x52: {  	_ =	shalt  }
0x53: {  	_ =	shalt  }
0x54: {  	_ =	shalt  }
0x55: {  	_ =	shalt  }
0x56: {  	_ =	shalt  }
0x57: {  	_ =	shalt  }
0x58: {  	_ =	shalt  }
0x59: {  	_ =	shalt  }
0x5a: {  	_ =	shalt  }
0x5b: {  	_ =	shalt  }
0x5c: {  	_ =	shalt  }
0x5d: {  	_ =	shalt  }
0x5e: {  	_ =	shalt  }
0x5f: {  	_ =	shalt  }
0x60: {  	_ =	shalt  }
0x61: {  	_ =	shalt  }
0x62: {  	_ =	shalt  }
0x63: {  	_ =	shalt  }
0x64: {  	_ =	shalt  }
0x65: {  	_ =	shalt  }
0x66: {  	_ =	shalt  }
0x67: {  	_ =	shalt  }
0x68: {  	_ =	shalt  }
0x69: {  	_ =	shalt  }
0x6a: {  	_ =	shalt  }
0x6b: {  	_ =	shalt  }
0x6c: {  	_ =	shalt  }
0x6d: {  	_ =	shalt  }
0x6e: {  	_ =	shalt  }
0x6f: {  	_ =	shalt  }
0x70: {  	_ =	shalt  }
0x71: {  	_ =	shalt  }
0x72: {  	_ =	shalt  }
0x73: {  	_ =	shalt  }
0x74: {  	_ =	shalt  }
0x75: {  	_ =	shalt  }
0x76: {  	_ =	shalt  }
0x77: {  	_ =	shalt  }
0x78: {  	_ =	shalt  }
0x79: {  	_ =	shalt  }
0x7a: {  	_ =	shalt  }
0x7b: {  	_ =	shalt  }
0x7c: {  	_ =	shalt  }
0x7d: {  	_ =	shalt  }
0x7e: {  	_ =	shalt  }
0x7f: {  	_ =	shalt  }
0x80: {  	_ =	shalt  }
0x81: {  	_ =	shalt  }
0x82: {  	_ =	shalt  }
0x83: {  	_ =	shalt  }
0x84: {  	_ =	shalt  }
0x85: {  	_ =	shalt  }
0x86: {  	_ =	shalt  }
0x87: {  	_ =	shalt  }
.Lfunc_end0:
.L_simem_size_0:
called_computation_lowered:
.L_overlay_start_0:
0x88: {  	s2 =	sld [smem:$0x3FD9]  }
0x89: {  	s3 =	sld [smem:$0x3FFE];
	_ =	sdelay $0x1  }
0x8a: {  	s1 =	srdreg.scid  }
0x8b: {  	s0 =	sand.u32 $0x1, s1  }
0x8c: {  	s17 =	sshll.u32 s0, $0xA;
	s2 =	sadd.s32 s3, s2  }
0x8d: {  	s2 =	sadd.s32 s2, s17  }
0x8e: {  	[smem:$0x3FC6] =	sst s2  }
0x8f: {  	_ = 	snop  }
0x90: {  	s2 =	sld [smem:$0x3FD0];
	(tm) =	ssettm $0x1  }
0x91: {  	s18 =	sld [smem:$0x3FFB];
	_ =	sdelay $0x3  }
0x92: {  	_ =	strace s18  }
0x93: {  	s3 =	sld [smem:$0x3FFC];
	_ =	sdelay $0x3  }
0x94: {  	_ =	strace s3  }
0x95: {  	s3 =	sld [smem:$0x3FFD];
	_ =	sdelay $0x3  }
0x96: {  	_ =	strace s3  }
0x97: {  	_ =	strace $0x8FFFFFFF  }
0x98: {  	s19 =	sld [smem:$0x3FDB];
	_ =	sdelay $0x1  }
0x99: {  	s4 =	simm.s32 $_scs_section_size  }
0x9a: {  	s5 =	simm.s32 $_size__tile_overlayer_lowered;
	s6 =	simm.s32 $_tile_overlayer_lowered  }
0x9b: {  	s22 =	simm.s32 $0x1BFF;
	s21 =	sshll.u32 s6, $0x1;
	s3 =	sadd.s32 s4, s19  }
0x9c: {  	s7 =	simm.s32 $0x0;
	s20 =	sshll.u32 s5, $0x1;
	s5 =	sadd.s32 s21, s3  }
0x9d: {  	[timem:s7], [sflag:s22] =	dma.local [hbm:s5], s20  }
0x9e: {  	_ =	swait.ge [sflag:s22], s20  }
0x9f: {  	s4 =	ssub.s32 $0x0, s20;
	[sflag:s22] =	ssyncset.done $0x0  }
0xa0: {  	[sflag:s22] =	ssyncadd.s32 s4;
	_ =	sdelay $0x1  }
0xa1: {  	s23 =	simm.s32 $0x1B8B  }
0xa2: {  	_ =	swait.ge [sflag:s23], $0x1  }
0xa3: {  	[sflag:s23] =	ssyncset.done $0x0  }
0xa4: {  	s25 =	simm.s32 $0x1B8E;
	s24 =	sld [smem:$0x3FFE];
	[sflag:s23] =	ssyncadd.s32 $0xFFFFFFFF  }
0xa5: {  	s26 =	simm.s32 $execute0_lowered;
	[smem:$0x3FD2] =	sst s25  }
0xa6: {  	s5 =	sshll.u32 s26, $0x1;
	_ =	strace $0x80000046;
	[dreg:$0x1] =	wrdreg $0xFFFFFFFF  }
0xa7: {  	s28 =	simm.s32 $_size_execute0_lowered;
	s3 =	sadd.s32 s3, s5;
	[dreg:$0x0] =	wrdreg $0x0  }
0xa8: {  	s5 =	sshll.u32 s28, $0x1;
	[dreg:$0x2] =	wrdreg s3  }
0xa9: {  	[dreg:$0x3] =	wrdreg s5  }
0xaa: {  	[dreg:$0x4] =	wrdreg $0xC0  }
0xab: {  	_ =	task [dreg:s7], $0x5FFFF  }
0xac: {  	[dreg:$0x1] =	wrdreg $0xFFFFFFFF  }
0xad: {  	[dreg:$0x0] =	wrdreg $0x60  }
0xae: {  	[dreg:$0x2] =	wrdreg s24  }
0xaf: {  	[dreg:$0x3] =	wrdreg s2  }
0xb0: {  	[dreg:$0x4] =	wrdreg $0x109100  }
0xb1: {  	[dreg:$0x5] =	wrdreg $0x9  }
0xb2: {  	_ =	task.clear_ibuf [dreg:s7], $0x6FFFF;
	_ =	strace $0x90000046  }
0xb3: {  	s29 =	simm.s32 $0x9;
	_ =	strace $0x80000048  }
0xb4: {  	_ =	swait.ge [sflag:s29], $0x1  }
0xb5: {  	[sflag:s29] =	ssyncadd.s32 $0xFFFFFFFF  }
0xb6: {  	_ =	strace $0x90000048  }
0xb7: {  	_ =	sfence  }
0xb8: {  	s30 =	sld [smem:$0x0];
	_ =	sdelay $0x2  }
0xb9: {  	s31 =	sshll.u32 s1, $0xD;
	s1 =	sshrl.u32 s1, $0x2  }
0xba: {  	s3 =	sand.u32 $0x4000, s31;
	s1 =	sadd.s32 s1, s30  }
0xbb: {  	s0 =	sor.u32 s3, s0;
	s1 =	sshll.u32 s1, $0x11  }
0xbc: {  	s0 =	sor.u32 s1, s0  }
0xbd: {  	s0 =	sadd.s32 $0x8F2B, s0  }
0xbe: {  	[sflag:s0] =	ssyncadd.remote.s32 $0x1  }
0xbf: {  	_ =	sfence.sel $0xFFFF  }
0xc0: {  	[dreg:$0x0] =	wrdreg $0xFFFFFFFF;
	(pc) =	sbr.abs _section_cstart, $3  }
0xc1: {  	[dreg:$0x1] =	wrdreg $0xFFFFFFFF  }
0xc2: {  	_ =	task.clear_ibuf [dreg:s7], $0x2FFFF;
	_ =	strace $0x9FFFFFFF  }
0xc3: {  	(tm) =	ssettm $0x7FFFFFFF  }
tec
execute0_lowered:
.L_overlay_start_1:
0x0: {  	(tag) =	ssettag $0x1  }
0x1: {  	s0 =	srdreg.scid;
	v0 =	vimm.s32 $0x30201000  }
0x2: {  	s8 =	stileid.u32;
	v1 =	vimm.s32 $0x70605040;
	s2 =	sand.u32 $0x1, s0;
	v0 =	vunpack.c.0.s8.s32 v0  }
0x3: {  	vm0 =	vcmask $0xF00;
	s3 =	sand.u32 $0x8, s8;
	v1 =	vunpack.c.0.s8.s32 v1;
	s0 =	sshll.u32 s2, $0x4  }
0x4: {  	v2 =	vmov s3;
	s1 =	sor.u32 s8, s0;
	v3 =	vnsel vm0, $0x70, v0;
	vm0 =	vcmask $0x1F10  }
0x5: {  	v0 =	vlaneseq.u32;
	v2 =	vshll.u32 v2, $0x4;
	s0 =	sshll.u32 s1, $0x3;
	v1 =	vsel vm0, v1, v3  }
0x6: {  	v3 =	vadd.s32 s0, v0;
	v1 =	vor.u32 v1, v2  }
0x7: {  	[tilespmem:$0x1FF00] =	vst v1;
	v1 =	vand.u32 $0x3FF, v3  }
0x8: {  	v1 =	vor.u32 $0x2000, v1  }
0x9: {  	[tilespmem:$0x1FF10] =	vst v1;
	v1 =	vor.u32 $0x10, v0  }
0xa: {  	v1 =	vadd.s32 s0, v1  }
0xb: {  	v2 =	vor.u32 $0x20, v0;
	v1 =	vand.u32 $0x3FF, v1  }
0xc: {  	v3 =	vor.u32 $0x30, v0;
	v2 =	vadd.s32 s0, v2;
	v1 =	vor.u32 $0x2000, v1  }
0xd: {  	v3 =	vadd.s32 s0, v3;
	[tilespmem:$0x1FF20] =	vst v1;
	v1 =	vand.u32 $0x3FF, v2  }
0xe: {  	v2 =	vand.u32 $0x3FF, v3;
	v1 =	vor.u32 $0x2000, v1  }
0xf: {  	[tilespmem:$0x1FF30] =	vst v1;
	v1 =	vor.u32 $0x2000, v2  }
0x10: {  	[tilespmem:$0x1FF40] =	vst v1;
	v1 =	vor.u32 $0x40, v0  }
0x11: {  	v1 =	vadd.s32 s0, v1  }
0x12: {  	v2 =	vor.u32 $0x50, v0;
	v1 =	vand.u32 $0x3FF, v1  }
0x13: {  	v5 =	vor.u32 $0x60, v0;
	v2 =	vadd.s32 s0, v2;
	v1 =	vor.u32 $0x2000, v1  }
0x14: {  	v6 =	vadd.s32 s0, v5;
	[tilespmem:$0x1FF50] =	vst v1;
	v1 =	vand.u32 $0x3FF, v2  }
0x15: {  	v2 =	vand.u32 $0x3FF, v6;
	v1 =	vor.u32 $0x2000, v1  }
0x16: {  	[tilespmem:$0x1FF60] =	vst v1;
	v1 =	vor.u32 $0x2000, v2  }
0x17: {  	[tilespmem:$0x1FF70] =	vst v1;
	v1 =	vor.u32 $0x70, v0  }
0x18: {  	v1 =	vadd.s32 s0, v1  }
0x19: {  	v2 =	vor.u32 $0x80, v0;
	v1 =	vand.u32 $0x3FF, v1  }
0x1a: {  	v8 =	vor.u32 $0x90, v0;
	v2 =	vadd.s32 s0, v2;
	v1 =	vor.u32 $0x2000, v1  }
0x1b: {  	v9 =	vadd.s32 s0, v8;
	[tilespmem:$0x1FF80] =	vst v1;
	v1 =	vand.u32 $0x3FF, v2  }
0x1c: {  	v2 =	vand.u32 $0x3FF, v9;
	v1 =	vor.u32 $0x2000, v1  }
0x1d: {  	[tilespmem:$0x1FF90] =	vst v1;
	v1 =	vor.u32 $0x2000, v2  }
0x1e: {  	[tilespmem:$0x1FFA0] =	vst v1;
	v1 =	vor.u32 $0xA0, v0  }
0x1f: {  	v1 =	vadd.s32 s0, v1  }
0x20: {  	v2 =	vor.u32 $0xB0, v0;
	v1 =	vand.u32 $0x3FF, v1  }
0x21: {  	v11 =	vor.u32 $0xC0, v0;
	v2 =	vadd.s32 s0, v2;
	v1 =	vor.u32 $0x2000, v1  }
0x22: {  	v12 =	vadd.s32 s0, v11;
	[tilespmem:$0x1FFB0] =	vst v1;
	v1 =	vand.u32 $0x3FF, v2  }
0x23: {  	s26 =	sand.u32 $0x7, s8;
	v2 =	vand.u32 $0x3FF, v12;
	v1 =	vor.u32 $0x2000, v1  }
0x24: {  	v59 =	vmov s26;
	v14 =	vor.u32 $0xF0, v0;
	[tilespmem:$0x1FFC0] =	vst v1;
	v1 =	vor.u32 $0x2000, v2  }
0x25: {  	v17 =	vor.u32 $0x120, v0;
	v20 =	vor.u32 $0x150, v0;
	[tilespmem:$0x1FFD0] =	vst v1;
	v1 =	vor.u32 $0xD0, v0  }
0x26: {  	v23 =	vor.u32 $0x180, v0;
	v26 =	vor.u32 $0x1B0, v0;
	v1 =	vadd.s32 s0, v1  }
0x27: {  	v29 =	vor.u32 $0x1E0, v0;
	v2 =	vor.u32 $0xE0, v0;
	v1 =	vand.u32 $0x3FF, v1  }
0x28: {  	v32 =	vor.u32 $0x210, v0;
	v2 =	vadd.s32 s0, v2;
	v1 =	vor.u32 $0x2000, v1  }
0x29: {  	v35 =	vor.u32 $0x240, v0;
	v38 =	vor.u32 $0x270, v0;
	[tilespmem:$0x1FFE0] =	vst v1;
	v1 =	vand.u32 $0x3FF, v2  }
0x2a: {  	v41 =	vor.u32 $0x2A0, v0;
	v15 =	vadd.s32 s0, v14;
	v1 =	vor.u32 $0x2000, v1  }
0x2b: {  	v44 =	vor.u32 $0x2D0, v0;
	v2 =	vand.u32 $0x3FF, v15;
	[tilespmem:$0x1FFF0] =	vst v1;
	v1 =	vor.u32 $0x100, v0  }
0x2c: {  	v16 =	vor.u32 $0x2000, v2;
	v2 =	vor.u32 $0x110, v0;
	v1 =	vadd.s32 s0, v1  }
0x2d: {  	v47 =	vor.u32 $0x300, v0;
	v2 =	vadd.s32 s0, v2;
	v1 =	vand.u32 $0x3FF, v1  }
0x2e: {  	v18 =	vadd.s32 s0, v17;
	v17 =	vor.u32 $0x2000, v1;
	v1 =	vand.u32 $0x3FF, v2  }
0x2f: {  	v2 =	vand.u32 $0x3FF, v18;
	v18 =	vor.u32 $0x2000, v1;
	v1 =	vor.u32 $0x130, v0  }
0x30: {  	v19 =	vor.u32 $0x2000, v2;
	v2 =	vor.u32 $0x140, v0;
	v1 =	vadd.s32 s0, v1  }
0x31: {  	v50 =	vor.u32 $0x330, v0;
	v2 =	vadd.s32 s0, v2;
	v1 =	vand.u32 $0x3FF, v1  }
0x32: {  	v21 =	vadd.s32 s0, v20;
	v20 =	vor.u32 $0x2000, v1;
	v1 =	vand.u32 $0x3FF, v2  }
0x33: {  	v2 =	vand.u32 $0x3FF, v21;
	v21 =	vor.u32 $0x2000, v1;
	v1 =	vor.u32 $0x160, v0  }
0x34: {  	v22 =	vor.u32 $0x2000, v2;
	v2 =	vor.u32 $0x170, v0;
	v1 =	vadd.s32 s0, v1  }
0x35: {  	v53 =	vor.u32 $0x360, v0;
	v2 =	vadd.s32 s0, v2;
	v1 =	vand.u32 $0x3FF, v1  }
0x36: {  	v24 =	vadd.s32 s0, v23;
	v23 =	vor.u32 $0x2000, v1;
	v1 =	vand.u32 $0x3FF, v2  }
0x37: {  	v2 =	vand.u32 $0x3FF, v24;
	v24 =	vor.u32 $0x2000, v1;
	v1 =	vor.u32 $0x190, v0  }
0x38: {  	v25 =	vor.u32 $0x2000, v2;
	v2 =	vor.u32 $0x1A0, v0;
	v1 =	vadd.s32 s0, v1  }
0x39: {  	v56 =	vor.u32 $0x390, v0;
	v2 =	vadd.s32 s0, v2;
	v1 =	vand.u32 $0x3FF, v1  }
0x3a: {  	v27 =	vadd.s32 s0, v26;
	v26 =	vor.u32 $0x2000, v1;
	v1 =	vand.u32 $0x3FF, v2  }
0x3b: {  	v2 =	vand.u32 $0x3FF, v27;
	v27 =	vor.u32 $0x2000, v1;
	v1 =	vor.u32 $0x1C0, v0  }
0x3c: {  	v28 =	vor.u32 $0x2000, v2;
	v2 =	vor.u32 $0x1D0, v0;
	v1 =	vadd.s32 s0, v1  }
0x3d: {  	v60 =	vor.u32 $0x3C0, v0;
	v2 =	vadd.s32 s0, v2;
	v1 =	vand.u32 $0x3FF, v1  }
0x3e: {  	v30 =	vadd.s32 s0, v29;
	v29 =	vor.u32 $0x2000, v1;
	v1 =	vand.u32 $0x3FF, v2  }
0x3f: {  	v2 =	vand.u32 $0x3FF, v30;
	v30 =	vor.u32 $0x2000, v1;
	v1 =	vor.u32 $0x1F0, v0  }
0x40: {  	v31 =	vor.u32 $0x2000, v2;
	v2 =	vor.u32 $0x200, v0;
	v1 =	vadd.s32 s0, v1  }
0x41: {  	vm0 =	vgt.u32 v59, v0;
	v2 =	vadd.s32 s0, v2;
	v1 =	vand.u32 $0x3FF, v1  }
0x42: {  	v33 =	vadd.s32 s0, v32;
	v32 =	vor.u32 $0x2000, v1;
	v1 =	vand.u32 $0x3FF, v2  }
0x43: {  	v2 =	vand.u32 $0x3FF, v33;
	v33 =	vor.u32 $0x2000, v1;
	v1 =	vor.u32 $0x220, v0  }
0x44: {  	v34 =	vor.u32 $0x2000, v2;
	v2 =	vor.u32 $0x230, v0;
	v1 =	vadd.s32 s0, v1  }
0x45: {  	v13 =	vor.u32 $0x3D0, v0;
	v2 =	vadd.s32 s0, v2;
	v1 =	vand.u32 $0x3FF, v1  }
0x46: {  	v36 =	vadd.s32 s0, v35;
	v35 =	vor.u32 $0x2000, v1;
	v1 =	vand.u32 $0x3FF, v2  }
0x47: {  	v2 =	vand.u32 $0x3FF, v36;
	v36 =	vor.u32 $0x2000, v1;
	v1 =	vor.u32 $0x250, v0  }
0x48: {  	v37 =	vor.u32 $0x2000, v2;
	v2 =	vor.u32 $0x260, v0;
	v1 =	vadd.s32 s0, v1  }
0x49: {  	v61 =	vor.u32 $0x3E0, v0;
	v2 =	vadd.s32 s0, v2;
	v1 =	vand.u32 $0x3FF, v1  }
0x4a: {  	v39 =	vadd.s32 s0, v38;
	v38 =	vor.u32 $0x2000, v1;
	v1 =	vand.u32 $0x3FF, v2  }
0x4b: {  	v2 =	vand.u32 $0x3FF, v39;
	v39 =	vor.u32 $0x2000, v1;
	v1 =	vor.u32 $0x280, v0  }
0x4c: {  	v40 =	vor.u32 $0x2000, v2;
	v2 =	vor.u32 $0x290, v0;
	v1 =	vadd.s32 s0, v1  }
0x4d: {  	v42 =	vadd.s32 s0, v41;
	v2 =	vadd.s32 s0, v2;
	v1 =	vand.u32 $0x3FF, v1  }
0x4e: {  	v45 =	vadd.s32 s0, v44;
	v41 =	vor.u32 $0x2000, v1;
	v1 =	vand.u32 $0x3FF, v2  }
0x4f: {  	v2 =	vand.u32 $0x3FF, v42;
	v42 =	vor.u32 $0x2000, v1;
	v1 =	vor.u32 $0x2B0, v0  }
0x50: {  	v43 =	vor.u32 $0x2000, v2;
	v2 =	vor.u32 $0x2C0, v0;
	v1 =	vadd.s32 s0, v1  }
0x51: {  	v48 =	vadd.s32 s0, v47;
	v2 =	vadd.s32 s0, v2;
	v1 =	vand.u32 $0x3FF, v1  }
0x52: {  	v51 =	vadd.s32 s0, v50;
	v44 =	vor.u32 $0x2000, v1;
	v1 =	vand.u32 $0x3FF, v2  }
0x53: {  	v2 =	vand.u32 $0x3FF, v45;
	v45 =	vor.u32 $0x2000, v1;
	v1 =	vor.u32 $0x2E0, v0  }
0x54: {  	v46 =	vor.u32 $0x2000, v2;
	v2 =	vor.u32 $0x2F0, v0;
	v1 =	vadd.s32 s0, v1  }
0x55: {  	v54 =	vadd.s32 s0, v53;
	v2 =	vadd.s32 s0, v2;
	v1 =	vand.u32 $0x3FF, v1  }
0x56: {  	v57 =	vadd.s32 s0, v56;
	v47 =	vor.u32 $0x2000, v1;
	v1 =	vand.u32 $0x3FF, v2  }
0x57: {  	v2 =	vand.u32 $0x3FF, v48;
	v48 =	vor.u32 $0x2000, v1;
	v1 =	vor.u32 $0x310, v0  }
0x58: {  	v49 =	vor.u32 $0x2000, v2;
	v2 =	vor.u32 $0x320, v0;
	v1 =	vadd.s32 s0, v1  }
0x59: {  	v60 =	vadd.s32 s0, v60;
	v2 =	vadd.s32 s0, v2;
	v1 =	vand.u32 $0x3FF, v1  }
0x5a: {  	s4 =	rddreg [dreg:$0x0];
	v62 =	vadd.s32 s0, v13;
	v50 =	vor.u32 $0x2000, v1;
	v1 =	vand.u32 $0x3FF, v2  }
0x5b: {  	s6 =	rddreg [dreg:$0x1];
	v2 =	vand.u32 $0x3FF, v51;
	v51 =	vor.u32 $0x2000, v1;
	v1 =	vor.u32 $0x340, v0  }
0x5c: {  	s9 =	rddreg [dreg:$0x2];
	s16 =	simm.s32 $0x4;
	s18 =	simm.s32 $0x10810;
	v52 =	vor.u32 $0x2000, v2;
	v2 =	vor.u32 $0x350, v0;
	v1 =	vadd.s32 s0, v1  }
0x5d: {  	s19 =	simm.s32 $0x80;
	s21 =	simm.s32 $0x800;
	s23 =	simm.s32 $0x2800;
	v63 =	vadd.s32 s0, v61;
	v2 =	vadd.s32 s0, v2;
	v1 =	vand.u32 $0x3FF, v1  }
0x5e: {  	s25 =	simm.s32 $0x4800;
	s28 =	simm.s32 $0x6800;
	s30 =	simm.s32 $0x8800;
	v14 =	vand.u32 $0x3FF, v60;
	v53 =	vor.u32 $0x2000, v1;
	v1 =	vand.u32 $0x3FF, v2  }
0x5f: {  	s17 =	simm.s32 $0x780;
	s20 =	simm.s32 $0xE800;
	s22 =	simm.s32 $0x1;
	v2 =	vand.u32 $0x3FF, v54;
	v54 =	vor.u32 $0x2000, v1;
	v1 =	vor.u32 $0x370, v0  }
0x60: {  	s24 =	simm.s32 $0x2;
	s29 =	simm.s32 $0x0;
	s31 =	sshll.u32 s8, $0x4;
	v55 =	vor.u32 $0x2000, v2;
	v2 =	vor.u32 $0x380, v0;
	v1 =	vadd.s32 s0, v1  }
0x61: {  	s3 =	simm.s32 $0x0;
	s2 =	ssub.s32 $0x2, s2;
	s26 =	simm.s32 $0x3;
	v61 =	vor.u32 $0x2000, v14;
	v2 =	vadd.s32 s0, v2;
	v1 =	vand.u32 $0x3FF, v1  }
0x62: {  	[smem:$0x7FF] =	sst s3;
	s7 =	sshrl.u32 s2, $0x1;
	s5 =	sshll.u32 s1, $0x7;
	v56 =	vor.u32 $0x2000, v1;
	v1 =	vand.u32 $0x3FF, v2;
	v2 =	vand.u32 $0x3FF, v57  }
0x63: {  	s2 =	ssub.s32 s2, s7;
	s1 =	sshll.u32 s1, $0xD;
	s7 =	sadd.s32 s31, s9;
	v57 =	vor.u32 $0x2000, v1;
	v58 =	vor.u32 $0x2000, v2;
	v1 =	vor.u32 $0x3A0, v0  }
0x64: {  	s5 =	sadd.s32 s5, s4;
	s4 =	sadd.s32 $0x1200, s4;
	s6 =	sadd.s32 s6, s1;
	v2 =	vor.u32 $0x3B0, v0;
	v0 =	vor.u32 $0x3F0, v0;
	v1 =	vadd.s32 s0, v1  }
0x65: {  	s15 =	smax.u32 s2, $0x1;
	s1 =	simm.s32 $0xA800;
	s2 =	simm.s32 $0xC800;
	v2 =	vadd.s32 s0, v2;
	v0 =	vadd.s32 s0, v0;
	v1 =	vand.u32 $0x3FF, v1  }
0x66: {  	s5 =	sadd.s32 $0x200, s5;
	s8 =	sadd.s32 $0x400, s6;
	s9 =	sadd.s32 $0x800, s6;
	v2 =	vand.u32 $0x3FF, v2;
	v0 =	vand.u32 $0x3FF, v0;
	v59 =	vor.u32 $0x2000, v1  }
0x67: {  	s10 =	sadd.s32 $0xC00, s6;
	s11 =	sadd.s32 $0x1000, s6;
	s12 =	sadd.s32 $0x1400, s6;
	v60 =	vor.u32 $0x2000, v2;
	v1 =	vand.u32 $0x3FF, v62;
	v2 =	vand.u32 $0x3FF, v63  }
0x68: {  	s13 =	sadd.s32 $0x1800, s6;
	s14 =	sadd.s32 $0x1C00, s6;
	_ =	strace $0x80000047;
	v0 =	vor.u32 $0x2000, v0;
	v62 =	vor.u32 $0x2000, v1;
	v63 =	vor.u32 $0x2000, v2  }
.LBB2_1:
0x69: {  	[tilespmem:s3], [sflag:$0x4] =	stream.linear.gather [hbm4b:s5+s3], $0x400, $0x38;
	[tilespmem:$0x10920] =	vst v63  }
0x6a: {  	_ =	swait.ge [sflag:s16], $0x400  }
0x6b: {  	[sflag:s16] =	ssyncset.done $0x0  }
0x6c: {  	s0 =	simm.s32 $0x0;
	[sflag:s16] =	ssyncadd.s32 $0xFFFFFC00  }
0x6d: {  	v1 =	vimm.s32 $0x0;
	s31 =	simm.s32 $0x40;
	v2 =	vld [tilespmem:s0+$0x0]  }
.LBB2_2:
0x6e: {  	p0 =	sne.s32 s31, $0xFC0  }
.Ltmp0:
0x6f: {  	_ = 	snop;
	(pc) =	sbr.rel @p0 .LBB2_2-.Ltmp0, $3  }
0x70: {  	_ =	sdelay $0x1  }
0x71: {  	s0 =	sshra.s32 s31, $0x2;
	s31 =	sadd.s32 $0x40, s31;
	v1 =	vadd.s32 v1, v2  }
0x72: {  	v2 =	vld [tilespmem:s0+$0x0]  }
0x73: {  	_ =	sdelay $0x3  }
0x74: {  	v1 =	vadd.s32 v1, v2  }
0x75: {  	(xrf0) =	vadd.scan.msk.s32 $0xffff, v1;
	_ =	sdelay $0x5  }
0x76: {  	v1, _, _ =	vpop (xrf0)  }
0x77: {  	v1 =	vbroadcast v1, $0xF;
	_ =	sdelay $0x1  }
0x78: {  	s0 =	simm.s32 $0x10800;
	[tilespmem:$0x10800] =	vst v1  }
0x79: {  	[spmem:s7] =	stream.linear.scatter [tilespmem:s0], [sflag:$0x4], $0x10, $0x38;
	[tilespmem:$0x10920] =	vst v63  }
0x7a: {  	_ =	swait.ge [sflag:s16], $0x10  }
0x7b: {  	[sflag:s16] =	ssyncset.done $0x0  }
0x7c: {  	[sflag:s16] =	ssyncadd.s32 $0xFFFFFFF0  }
0x7d: {  	[bflag:$0x0] =	sbarrier.arrive $0xFFFF  }
0x7e: {  	s31 =	rddreg [dreg:$0x2]  }
0x7f: {  	[tilespmem:s18], [sflag:$0x4] =	stream.linear.gather [spmem:s31], $0x100, $0x38;
	[tilespmem:$0x10920] =	vst v63  }
0x80: {  	_ =	swait.ge [sflag:s16], $0x100  }
0x81: {  	v1 =	vld [tilespmem:$0x1FF00];
	_ =	sdelay $0x5  }
0x82: {  	[sflag:s16] =	ssyncset.done $0x0  }
0x83: {  	[sflag:s16] =	ssyncadd.s32 $0xFFFFFF00  }
0x84: {  	v1 =	vld.idx.msk [tilespmem:v1+s18+$0x0], $0xffff;
	_ =	sdelay $0x2  }
0x85: {  	v2 =	vld [tilespmem:$0x0];
	_ =	sdelay $0x1  }
0x86: {  	v1 =	vnsel vm0, $0x0, v1  }
0x87: {  	(xrf0) =	vadd.scan.msk.s32 $0xffff, v1;
	v1 =	vld [tilespmem:$0x10];
	_ =	sdelay $0x1  }
0x88: {  	(xrf0) =	vadd.scan.msk.s32 $0xffff, v2  }
0x89: {  	v3 =	vld [tilespmem:$0x20];
	_ =	sdelay $0x1  }
0x8a: {  	(xrf0) =	vadd.scan.msk.s32 $0xffff, v1  }
0x8b: {  	v5 =	vld [tilespmem:$0x30];
	v4, _, _ =	vpop (xrf0)  }
0x8c: {  	v4 =	vbroadcast v4, $0xF  }
0x8d: {  	(xrf0) =	vadd.scan.msk.s32 $0xffff, v3;
	v6, _, _ =	vpop (xrf0)  }
0x8e: {  	v4 =	vadd.s32 v6, v4;
	v6 =	vld [tilespmem:$0x40]  }
0x8f: {  	v7 =	vbroadcast v4, $0xF  }
0x90: {  	(xrf0) =	vadd.scan.msk.s32 $0xffff, v5;
	v8, _, _ =	vpop (xrf0)  }
0x91: {  	v7 =	vadd.s32 v8, v7  }
0x92: {  	v9 =	vbroadcast v7, $0xF  }
0x93: {  	v10, _, _ =	vpop (xrf0);
	(xrf0) =	vadd.scan.msk.s32 $0xffff, v6  }
0x94: {  	v9 =	vadd.s32 v10, v9  }
0x95: {  	v11 =	vbroadcast v9, $0xF  }
0x96: {  	v12, _, _ =	vpop (xrf0)  }
0x97: {  	v11 =	vadd.s32 v12, v11  }
0x98: {  	v13 =	vbroadcast v11, $0xF  }
0x99: {  	vm1 =	vlt.s32 v4, $0x1FFF;
	v14, _, _ =	vpop (xrf0)  }
0x9a: {  	v4 =	vnsel vm1, $0x1FFF, v4;
	vm1 =	vgt.s32 v2, $0x0;
	v2 =	vadd.s32 v14, v13;
	v13 =	vld [tilespmem:$0x1FF10];
	_ =	sdelay $0x2  }
0x9b: {  	v8 =	vld [tilespmem:$0x50];
	_ =	sdelay $0x1  }
0x9c: {  	v4 =	vsel vm1, v4, v13;
	vm1 =	vlt.s32 v9, $0x1FFF  }
0x9d: {  	v9 =	vnsel vm1, $0x1FFF, v9;
	vm1 =	vgt.s32 v3, $0x0;
	v3 =	vld [tilespmem:$0x1FF30]  }
0x9e: {  	v10 =	vld [tilespmem:$0x60]  }
0x9f: {  	(xrf0) =	vadd.scan.msk.s32 $0xffff, v8;
	v14 =	vld [tilespmem:$0x1FF40]  }
0xa0: {  	v13 =	vld [tilespmem:$0x1FF20];
	_ =	sdelay $0x1  }
0xa1: {  	vm2 =	vlt.s32 v7, $0x1FFF;
	v3 =	vsel vm1, v9, v3;
	vm1 =	vlt.s32 v11, $0x1FFF  }
0xa2: {  	v7 =	vnsel vm2, $0x1FFF, v7;
	v11 =	vnsel vm1, $0x1FFF, v11;
	vm1 =	vgt.s32 v5, $0x0;
	[tilespmem:$0x420] =	vst v3;
	v3 =	vld [tilespmem:$0x1FF50]  }
0xa3: {  	vm2 =	vgt.s32 v1, $0x0;
	v1 =	vbroadcast v2, $0xF;
	[tilespmem:$0x400] =	vst v4;
	v4 =	vsel vm1, v11, v14;
	v11 =	vld [tilespmem:$0x1FF60]  }
0xa4: {  	(xrf0) =	vadd.scan.msk.s32 $0xffff, v10;
	v7 =	vsel vm2, v7, v13;
	v13, _, _ =	vpop (xrf0);
	vm2 =	vlt.s32 v2, $0x1FFF  }
0xa5: {  	v12 =	vld [tilespmem:$0x70];
	v1 =	vadd.s32 v13, v1;
	v2 =	vnsel vm2, $0x1FFF, v2  }
0xa6: {  	v9 =	vbroadcast v1, $0xF;
	vm2 =	vlt.s32 v1, $0x1FFF;
	vm1 =	vgt.s32 v6, $0x0  }
0xa7: {  	v1 =	vnsel vm2, $0x1FFF, v1;
	v2 =	vsel vm1, v2, v3;
	vm1 =	vgt.s32 v8, $0x0  }
0xa8: {  	v1 =	vsel vm1, v1, v11  }
0xa9: {  	[tilespmem:$0x450] =	vst v1;
	v1 =	vld [tilespmem:$0x1FF70]  }
0xaa: {  	(xrf0) =	vadd.scan.msk.s32 $0xffff, v12;
	v13, _, _ =	vpop (xrf0)  }
0xab: {  	v5 =	vadd.s32 v13, v9  }
0xac: {  	vm1 =	vlt.s32 v5, $0x1FFF  }
0xad: {  	[tilespmem:$0x440] =	vst v2;
	v2 =	vnsel vm1, $0x1FFF, v5;
	vm1 =	vgt.s32 v10, $0x0  }
0xae: {  	v1 =	vsel vm1, v2, v1  }
0xaf: {  	v9 =	vbroadcast v5, $0xF;
	[tilespmem:$0x460] =	vst v1;
	v1 =	vld [tilespmem:$0x1FF80]  }
0xb0: {  	v3, _, _ =	vpop (xrf0)  }
0xb1: {  	v3 =	vadd.s32 v3, v9  }
0xb2: {  	vm2 =	vlt.s32 v3, $0x1FFF  }
0xb3: {  	[tilespmem:$0x410] =	vst v7;
	v2 =	vnsel vm2, $0x1FFF, v3;
	vm1 =	vgt.s32 v12, $0x0  }
0xb4: {  	[tilespmem:$0x430] =	vst v4;
	v1 =	vsel vm1, v2, v1  }
0xb5: {  	s31 =	simm.s32 $0x400;
	[tilespmem:$0x470] =	vst v1  }
0xb6: {  	[tilespmem:s21], [sflag:$0x1] =	stream.indirect.gather [hbm4b:s4+s19], $0x40, s31, s19, $0xb8;
	[tilespmem:$0x10920] =	vst v63  }
0xb7: {  	v1 =	vld [tilespmem:$0x80];
	_ =	sdelay $0x2  }
0xb8: {  	v2 =	vld [tilespmem:$0x90];
	_ =	sdelay $0x1  }
0xb9: {  	(xrf0) =	vadd.scan.msk.s32 $0xffff, v1  }
0xba: {  	v4 =	vld [tilespmem:$0xA0];
	_ =	sdelay $0x1  }
0xbb: {  	(xrf0) =	vadd.scan.msk.s32 $0xffff, v2  }
0xbc: {  	v5 =	vld [tilespmem:$0xB0]  }
0xbd: {  	v3 =	vbroadcast v3, $0xF  }
0xbe: {  	v12, _, _ =	vpop (xrf0);
	(xrf0) =	vadd.scan.msk.s32 $0xffff, v4  }
0xbf: {  	v6 =	vld [tilespmem:$0xC0];
	v3 =	vadd.s32 v3, v12  }
0xc0: {  	v13 =	vbroadcast v3, $0xF  }
0xc1: {  	v14, _, _ =	vpop (xrf0);
	(xrf0) =	vadd.scan.msk.s32 $0xffff, v5  }
0xc2: {  	v7 =	vadd.s32 v13, v14  }
0xc3: {  	v12 =	vbroadcast v7, $0xF  }
0xc4: {  	v13, _, _ =	vpop (xrf0);
	(xrf0) =	vadd.scan.msk.s32 $0xffff, v6  }
0xc5: {  	v9 =	vadd.s32 v12, v13  }
0xc6: {  	v11 =	vbroadcast v9, $0xF  }
0xc7: {  	v12, _, _ =	vpop (xrf0)  }
0xc8: {  	v11 =	vadd.s32 v11, v12  }
0xc9: {  	v13 =	vbroadcast v11, $0xF  }
0xca: {  	v8 =	vld [tilespmem:$0xD0];
	vm1 =	vlt.s32 v3, $0x1FFF;
	v14, _, _ =	vpop (xrf0)  }
0xcb: {  	v3 =	vnsel vm1, $0x1FFF, v3;
	vm1 =	vgt.s32 v1, $0x0;
	v1 =	vadd.s32 v13, v14;
	v13 =	vld [tilespmem:$0x1FF90];
	_ =	sdelay $0x1  }
0xcc: {  	v10 =	vld [tilespmem:$0xE0];
	_ =	sdelay $0x1  }
0xcd: {  	(xrf0) =	vadd.scan.msk.s32 $0xffff, v8  }
0xce: {  	v3 =	vsel vm1, v3, v13;
	v13 =	vld [tilespmem:$0x1FFA0];
	_ =	sdelay $0x1  }
0xcf: {  	(xrf0) =	vadd.scan.msk.s32 $0xffff, v10;
	v14 =	vld [tilespmem:$0x1FFB0]  }
0xd0: {  	vm2 =	vlt.s32 v7, $0x1FFF  }
0xd1: {  	v7 =	vnsel vm2, $0x1FFF, v7;
	vm2 =	vgt.s32 v2, $0x0;
	v2 =	vbroadcast v1, $0xF;
	[tilespmem:$0x480] =	vst v3;
	v3 =	vld [tilespmem:$0x1FFC0]  }
0xd2: {  	vm1 =	vlt.s32 v9, $0x1FFF;
	v7 =	vsel vm2, v7, v13;
	v13, _, _ =	vpop (xrf0)  }
0xd3: {  	v9 =	vnsel vm1, $0x1FFF, v9;
	vm1 =	vgt.s32 v4, $0x0;
	v2 =	vadd.s32 v2, v13  }
0xd4: {  	v12 =	vld [tilespmem:$0xF0];
	v4 =	vsel vm1, v9, v14;
	vm1 =	vlt.s32 v11, $0x1FFF;
	v13 =	vbroadcast v2, $0xF  }
0xd5: {  	v11 =	vnsel vm1, $0x1FFF, v11;
	vm1 =	vgt.s32 v5, $0x0;
	v14, _, _ =	vpop (xrf0)  }
0xd6: {  	v3 =	vsel vm1, v11, v3;
	v5 =	vadd.s32 v13, v14;
	v14 =	vld [tilespmem:$0x1FFD0]  }
0xd7: {  	[tilespmem:$0x4B0] =	vst v3;
	v3 =	vld [tilespmem:$0x1FFE0];
	_ =	sdelay $0x1  }
0xd8: {  	(xrf0) =	vadd.scan.msk.s32 $0xffff, v12;
	vm2 =	vlt.s32 v1, $0x1FFF  }
0xd9: {  	v1 =	vnsel vm2, $0x1FFF, v1;
	vm1 =	vgt.s32 v6, $0x0;
	vm2 =	vlt.s32 v2, $0x1FFF  }
0xda: {  	v2 =	vnsel vm2, $0x1FFF, v2;
	v1 =	vsel vm1, v1, v14;
	vm1 =	vgt.s32 v8, $0x0  }
0xdb: {  	v2 =	vsel vm1, v2, v3  }
0xdc: {  	[tilespmem:$0x4D0] =	vst v2;
	v2 =	vld [tilespmem:$0x1FFF0]  }
0xdd: {  	v13 =	vbroadcast v5, $0xF  }
0xde: {  	v9, _, _ =	vpop (xrf0)  }
0xdf: {  	[tilespmem:$0x4A0] =	vst v4;
	vm1 =	vlt.s32 v5, $0x1FFF;
	v3 =	vadd.s32 v13, v9  }
0xe0: {  	[tilespmem:$0x4C0] =	vst v1;
	v1 =	vnsel vm1, $0x1FFF, v5;
	vm1 =	vgt.s32 v10, $0x0;
	vm2 =	vlt.s32 v3, $0x1FFF  }
0xe1: {  	[tilespmem:$0x490] =	vst v7;
	v1 =	vsel vm1, v1, v2;
	v2 =	vnsel vm2, $0x1FFF, v3;
	vm1 =	vgt.s32 v12, $0x0  }
0xe2: {  	[tilespmem:$0x4E0] =	vst v1;
	v1 =	vsel vm1, v2, v16  }
0xe3: {  	s31 =	simm.s32 $0x480;
	[tilespmem:$0x4F0] =	vst v1  }
0xe4: {  	[tilespmem:s23], [sflag:$0x1] =	stream.indirect.gather [hbm4b:s4+s19], $0x40, s31, s19, $0xb8;
	[tilespmem:$0x10920] =	vst v63  }
0xe5: {  	v1 =	vld [tilespmem:$0x100];
	_ =	sdelay $0x2  }
0xe6: {  	v2 =	vld [tilespmem:$0x110];
	_ =	sdelay $0x1  }
0xe7: {  	(xrf0) =	vadd.scan.msk.s32 $0xffff, v1  }
0xe8: {  	v4 =	vld [tilespmem:$0x120];
	_ =	sdelay $0x1  }
0xe9: {  	(xrf0) =	vadd.scan.msk.s32 $0xffff, v2  }
0xea: {  	v5 =	vld [tilespmem:$0x130]  }
0xeb: {  	v3 =	vbroadcast v3, $0xF  }
0xec: {  	v11, _, _ =	vpop (xrf0);
	(xrf0) =	vadd.scan.msk.s32 $0xffff, v4  }
0xed: {  	v6 =	vld [tilespmem:$0x140];
	v3 =	vadd.s32 v3, v11  }
0xee: {  	v12 =	vbroadcast v3, $0xF  }
0xef: {  	v13, _, _ =	vpop (xrf0);
	(xrf0) =	vadd.scan.msk.s32 $0xffff, v5  }
0xf0: {  	v8 =	vld [tilespmem:$0x150];
	v7 =	vadd.s32 v12, v13  }
0xf1: {  	v14 =	vbroadcast v7, $0xF  }
0xf2: {  	v12, _, _ =	vpop (xrf0);
	(xrf0) =	vadd.scan.msk.s32 $0xffff, v6  }
0xf3: {  	v10 =	vld [tilespmem:$0x160];
	v9 =	vadd.s32 v14, v12  }
0xf4: {  	v11 =	vbroadcast v9, $0xF  }
0xf5: {  	v12, _, _ =	vpop (xrf0);
	(xrf0) =	vadd.scan.msk.s32 $0xffff, v8  }
0xf6: {  	v11 =	vadd.s32 v11, v12;
	v12 =	vld [tilespmem:$0x170]  }
0xf7: {  	vm1 =	vlt.s32 v3, $0x1FFF;
	v13 =	vbroadcast v11, $0xF  }
0xf8: {  	v3 =	vnsel vm1, $0x1FFF, v3;
	vm1 =	vgt.s32 v1, $0x0;
	vm2 =	vlt.s32 v7, $0x1FFF;
	v14, _, _ =	vpop (xrf0);
	(xrf0) =	vadd.scan.msk.s32 $0xffff, v10  }
0xf9: {  	v3 =	vsel vm1, v3, v17;
	v7 =	vnsel vm2, $0x1FFF, v7;
	v1 =	vadd.s32 v13, v14  }
0xfa: {  	vm2 =	vgt.s32 v2, $0x0;
	vm1 =	vlt.s32 v9, $0x1FFF;
	v2 =	vbroadcast v1, $0xF  }
0xfb: {  	v9 =	vnsel vm1, $0x1FFF, v9;
	vm1 =	vgt.s32 v4, $0x0;
	v13, _, _ =	vpop (xrf0);
	(xrf0) =	vadd.scan.msk.s32 $0xffff, v12  }
0xfc: {  	v4 =	vsel vm1, v9, v19;
	vm1 =	vlt.s32 v11, $0x1FFF;
	v2 =	vadd.s32 v2, v13  }
0xfd: {  	v11 =	vnsel vm1, $0x1FFF, v11;
	vm1 =	vgt.s32 v5, $0x0;
	v13 =	vbroadcast v2, $0xF  }
0xfe: {  	[tilespmem:$0x500] =	vst v3;
	v7 =	vsel vm2, v7, v18;
	v3 =	vsel vm1, v11, v20;
	v14, _, _ =	vpop (xrf0)  }
0xff: {  	vm1 =	vgt.s32 v6, $0x0;
	vm2 =	vlt.s32 v1, $0x1FFF;
	v5 =	vadd.s32 v13, v14  }
0x100: {  	[tilespmem:$0x510] =	vst v7;
	v1 =	vnsel vm2, $0x1FFF, v1;
	vm2 =	vlt.s32 v2, $0x1FFF;
	v9 =	vbroadcast v5, $0xF  }
0x101: {  	[tilespmem:$0x520] =	vst v4;
	v1 =	vsel vm1, v1, v21;
	vm1 =	vgt.s32 v8, $0x0;
	v2 =	vnsel vm2, $0x1FFF, v2;
	v11, _, _ =	vpop (xrf0)  }
0x102: {  	[tilespmem:$0x530] =	vst v3;
	v2 =	vsel vm1, v2, v22;
	vm1 =	vlt.s32 v5, $0x1FFF;
	v3 =	vadd.s32 v9, v11  }
0x103: {  	[tilespmem:$0x540] =	vst v1;
	v1 =	vnsel vm1, $0x1FFF, v5;
	vm1 =	vgt.s32 v10, $0x0;
	vm2 =	vlt.s32 v3, $0x1FFF  }
0x104: {  	[tilespmem:$0x550] =	vst v2;
	v1 =	vsel vm1, v1, v23;
	vm1 =	vgt.s32 v12, $0x0;
	v2 =	vnsel vm2, $0x1FFF, v3  }
0x105: {  	[tilespmem:$0x560] =	vst v1;
	v1 =	vsel vm1, v2, v24  }
0x106: {  	s31 =	simm.s32 $0x500;
	[tilespmem:$0x570] =	vst v1  }
0x107: {  	[tilespmem:s25], [sflag:$0x1] =	stream.indirect.gather [hbm4b:s4+s19], $0x40, s31, s19, $0xb8;
	[tilespmem:$0x10920] =	vst v63  }
0x108: {  	v1 =	vld [tilespmem:$0x180];
	_ =	sdelay $0x2  }
0x109: {  	v2 =	vld [tilespmem:$0x190];
	_ =	sdelay $0x1  }
0x10a: {  	(xrf0) =	vadd.scan.msk.s32 $0xffff, v1  }
0x10b: {  	v4 =	vld [tilespmem:$0x1A0];
	_ =	sdelay $0x1  }
0x10c: {  	(xrf0) =	vadd.scan.msk.s32 $0xffff, v2  }
0x10d: {  	v5 =	vld [tilespmem:$0x1B0]  }
0x10e: {  	v3 =	vbroadcast v3, $0xF  }
0x10f: {  	v12, _, _ =	vpop (xrf0);
	(xrf0) =	vadd.scan.msk.s32 $0xffff, v4  }
0x110: {  	v6 =	vld [tilespmem:$0x1C0];
	v3 =	vadd.s32 v3, v12  }
0x111: {  	v13 =	vbroadcast v3, $0xF  }
0x112: {  	v14, _, _ =	vpop (xrf0);
	(xrf0) =	vadd.scan.msk.s32 $0xffff, v5  }
0x113: {  	v8 =	vld [tilespmem:$0x1D0];
	v7 =	vadd.s32 v13, v14  }
0x114: {  	v12 =	vbroadcast v7, $0xF  }
0x115: {  	v13, _, _ =	vpop (xrf0);
	(xrf0) =	vadd.scan.msk.s32 $0xffff, v6  }
0x116: {  	v10 =	vld [tilespmem:$0x1E0];
	v9 =	vadd.s32 v12, v13  }
0x117: {  	v11 =	vbroadcast v9, $0xF  }
0x118: {  	v12, _, _ =	vpop (xrf0);
	(xrf0) =	vadd.scan.msk.s32 $0xffff, v8  }
0x119: {  	v11 =	vadd.s32 v11, v12;
	v12 =	vld [tilespmem:$0x1F0]  }
0x11a: {  	vm1 =	vlt.s32 v3, $0x1FFF;
	v13 =	vbroadcast v11, $0xF  }
0x11b: {  	v3 =	vnsel vm1, $0x1FFF, v3;
	vm1 =	vgt.s32 v1, $0x0;
	vm2 =	vlt.s32 v7, $0x1FFF;
	v14, _, _ =	vpop (xrf0);
	(xrf0) =	vadd.scan.msk.s32 $0xffff, v10  }
0x11c: {  	v3 =	vsel vm1, v3, v25;
	v7 =	vnsel vm2, $0x1FFF, v7;
	v1 =	vadd.s32 v13, v14  }
0x11d: {  	vm2 =	vgt.s32 v2, $0x0;
	vm1 =	vlt.s32 v9, $0x1FFF;
	v2 =	vbroadcast v1, $0xF  }
0x11e: {  	v9 =	vnsel vm1, $0x1FFF, v9;
	vm1 =	vgt.s32 v4, $0x0;
	v13, _, _ =	vpop (xrf0);
	(xrf0) =	vadd.scan.msk.s32 $0xffff, v12  }
0x11f: {  	v4 =	vsel vm1, v9, v27;
	vm1 =	vlt.s32 v11, $0x1FFF;
	v2 =	vadd.s32 v2, v13  }
0x120: {  	v11 =	vnsel vm1, $0x1FFF, v11;
	vm1 =	vgt.s32 v5, $0x0;
	v14 =	vbroadcast v2, $0xF  }
0x121: {  	[tilespmem:$0x580] =	vst v3;
	v7 =	vsel vm2, v7, v26;
	v3 =	vsel vm1, v11, v28;
	v13, _, _ =	vpop (xrf0)  }
0x122: {  	vm1 =	vgt.s32 v6, $0x0;
	vm2 =	vlt.s32 v1, $0x1FFF;
	v5 =	vadd.s32 v14, v13  }
0x123: {  	[tilespmem:$0x590] =	vst v7;
	v1 =	vnsel vm2, $0x1FFF, v1;
	vm2 =	vlt.s32 v2, $0x1FFF;
	v14 =	vbroadcast v5, $0xF  }
0x124: {  	[tilespmem:$0x5A0] =	vst v4;
	v1 =	vsel vm1, v1, v29;
	vm1 =	vgt.s32 v8, $0x0;
	v2 =	vnsel vm2, $0x1FFF, v2;
	v9, _, _ =	vpop (xrf0)  }
0x125: {  	[tilespmem:$0x5B0] =	vst v3;
	v2 =	vsel vm1, v2, v30;
	vm1 =	vlt.s32 v5, $0x1FFF;
	v3 =	vadd.s32 v14, v9  }
0x126: {  	[tilespmem:$0x5C0] =	vst v1;
	v1 =	vnsel vm1, $0x1FFF, v5;
	vm1 =	vgt.s32 v10, $0x0;
	vm2 =	vlt.s32 v3, $0x1FFF  }
0x127: {  	[tilespmem:$0x5D0] =	vst v2;
	v1 =	vsel vm1, v1, v31;
	vm1 =	vgt.s32 v12, $0x0;
	v2 =	vnsel vm2, $0x1FFF, v3  }
0x128: {  	[tilespmem:$0x5E0] =	vst v1;
	v1 =	vsel vm1, v2, v32  }
0x129: {  	s31 =	simm.s32 $0x580;
	[tilespmem:$0x5F0] =	vst v1  }
0x12a: {  	[tilespmem:s28], [sflag:$0x1] =	stream.indirect.gather [hbm4b:s4+s19], $0x40, s31, s19, $0xb8;
	[tilespmem:$0x10920] =	vst v63  }
0x12b: {  	v1 =	vld [tilespmem:$0x200];
	_ =	sdelay $0x2  }
0x12c: {  	v2 =	vld [tilespmem:$0x210];
	_ =	sdelay $0x1  }
0x12d: {  	(xrf0) =	vadd.scan.msk.s32 $0xffff, v1  }
0x12e: {  	v4 =	vld [tilespmem:$0x220];
	_ =	sdelay $0x1  }
0x12f: {  	(xrf0) =	vadd.scan.msk.s32 $0xffff, v2  }
0x130: {  	v5 =	vld [tilespmem:$0x230]  }
0x131: {  	v3 =	vbroadcast v3, $0xF  }
0x132: {  	v11, _, _ =	vpop (xrf0);
	(xrf0) =	vadd.scan.msk.s32 $0xffff, v4  }
0x133: {  	v6 =	vld [tilespmem:$0x240];
	v3 =	vadd.s32 v3, v11  }
0x134: {  	v12 =	vbroadcast v3, $0xF  }
0x135: {  	v13, _, _ =	vpop (xrf0);
	(xrf0) =	vadd.scan.msk.s32 $0xffff, v5  }
0x136: {  	v8 =	vld [tilespmem:$0x250];
	v7 =	vadd.s32 v12, v13  }
0x137: {  	v14 =	vbroadcast v7, $0xF  }
0x138: {  	v12, _, _ =	vpop (xrf0);
	(xrf0) =	vadd.scan.msk.s32 $0xffff, v6  }
0x139: {  	v10 =	vld [tilespmem:$0x260];
	v9 =	vadd.s32 v14, v12  }
0x13a: {  	v11 =	vbroadcast v9, $0xF  }
0x13b: {  	v12, _, _ =	vpop (xrf0);
	(xrf0) =	vadd.scan.msk.s32 $0xffff, v8  }
0x13c: {  	v11 =	vadd.s32 v11, v12;
	v12 =	vld [tilespmem:$0x270]  }
0x13d: {  	vm1 =	vlt.s32 v3, $0x1FFF;
	v13 =	vbroadcast v11, $0xF  }
0x13e: {  	v3 =	vnsel vm1, $0x1FFF, v3;
	vm1 =	vgt.s32 v1, $0x0;
	vm2 =	vlt.s32 v7, $0x1FFF;
	v14, _, _ =	vpop (xrf0);
	(xrf0) =	vadd.scan.msk.s32 $0xffff, v10  }
0x13f: {  	v3 =	vsel vm1, v3, v33;
	v7 =	vnsel vm2, $0x1FFF, v7;
	v1 =	vadd.s32 v13, v14  }
0x140: {  	vm2 =	vgt.s32 v2, $0x0;
	vm1 =	vlt.s32 v9, $0x1FFF;
	v2 =	vbroadcast v1, $0xF  }
0x141: {  	v9 =	vnsel vm1, $0x1FFF, v9;
	vm1 =	vgt.s32 v4, $0x0;
	v13, _, _ =	vpop (xrf0);
	(xrf0) =	vadd.scan.msk.s32 $0xffff, v12  }
0x142: {  	v4 =	vsel vm1, v9, v35;
	vm1 =	vlt.s32 v11, $0x1FFF;
	v2 =	vadd.s32 v2, v13  }
0x143: {  	v11 =	vnsel vm1, $0x1FFF, v11;
	vm1 =	vgt.s32 v5, $0x0;
	v13 =	vbroadcast v2, $0xF  }
0x144: {  	[tilespmem:$0x600] =	vst v3;
	v7 =	vsel vm2, v7, v34;
	v3 =	vsel vm1, v11, v36;
	v14, _, _ =	vpop (xrf0)  }
0x145: {  	vm1 =	vgt.s32 v6, $0x0;
	vm2 =	vlt.s32 v1, $0x1FFF;
	v5 =	vadd.s32 v13, v14  }
0x146: {  	[tilespmem:$0x610] =	vst v7;
	v1 =	vnsel vm2, $0x1FFF, v1;
	vm2 =	vlt.s32 v2, $0x1FFF;
	v9 =	vbroadcast v5, $0xF  }
0x147: {  	[tilespmem:$0x620] =	vst v4;
	v1 =	vsel vm1, v1, v37;
	vm1 =	vgt.s32 v8, $0x0;
	v2 =	vnsel vm2, $0x1FFF, v2;
	v11, _, _ =	vpop (xrf0)  }
0x148: {  	[tilespmem:$0x630] =	vst v3;
	v2 =	vsel vm1, v2, v38;
	vm1 =	vlt.s32 v5, $0x1FFF;
	v3 =	vadd.s32 v9, v11  }
0x149: {  	[tilespmem:$0x640] =	vst v1;
	v1 =	vnsel vm1, $0x1FFF, v5;
	vm1 =	vgt.s32 v10, $0x0;
	vm2 =	vlt.s32 v3, $0x1FFF  }
0x14a: {  	[tilespmem:$0x650] =	vst v2;
	v1 =	vsel vm1, v1, v39;
	vm1 =	vgt.s32 v12, $0x0;
	v2 =	vnsel vm2, $0x1FFF, v3  }
0x14b: {  	[tilespmem:$0x660] =	vst v1;
	v1 =	vsel vm1, v2, v40  }
0x14c: {  	s31 =	simm.s32 $0x600;
	[tilespmem:$0x670] =	vst v1  }
0x14d: {  	[tilespmem:s30], [sflag:$0x2] =	stream.indirect.gather [hbm4b:s4+s19], $0x40, s31, s19, $0xb8;
	[tilespmem:$0x10920] =	vst v63  }
0x14e: {  	v1 =	vld [tilespmem:$0x280];
	_ =	sdelay $0x2  }
0x14f: {  	v2 =	vld [tilespmem:$0x290];
	_ =	sdelay $0x1  }
0x150: {  	(xrf0) =	vadd.scan.msk.s32 $0xffff, v1  }
0x151: {  	v4 =	vld [tilespmem:$0x2A0];
	_ =	sdelay $0x1  }
0x152: {  	(xrf0) =	vadd.scan.msk.s32 $0xffff, v2  }
0x153: {  	v5 =	vld [tilespmem:$0x2B0]  }
0x154: {  	v3 =	vbroadcast v3, $0xF  }
0x155: {  	v12, _, _ =	vpop (xrf0);
	(xrf0) =	vadd.scan.msk.s32 $0xffff, v4  }
0x156: {  	v6 =	vld [tilespmem:$0x2C0];
	v3 =	vadd.s32 v3, v12  }
0x157: {  	v13 =	vbroadcast v3, $0xF  }
0x158: {  	v14, _, _ =	vpop (xrf0);
	(xrf0) =	vadd.scan.msk.s32 $0xffff, v5  }
0x159: {  	v8 =	vld [tilespmem:$0x2D0];
	v7 =	vadd.s32 v13, v14  }
0x15a: {  	v12 =	vbroadcast v7, $0xF  }
0x15b: {  	v13, _, _ =	vpop (xrf0);
	(xrf0) =	vadd.scan.msk.s32 $0xffff, v6  }
0x15c: {  	v10 =	vld [tilespmem:$0x2E0];
	v9 =	vadd.s32 v12, v13  }
0x15d: {  	v11 =	vbroadcast v9, $0xF  }
0x15e: {  	v12, _, _ =	vpop (xrf0);
	(xrf0) =	vadd.scan.msk.s32 $0xffff, v8  }
0x15f: {  	v11 =	vadd.s32 v11, v12;
	v12 =	vld [tilespmem:$0x2F0]  }
0x160: {  	vm1 =	vlt.s32 v3, $0x1FFF;
	v13 =	vbroadcast v11, $0xF  }
0x161: {  	v3 =	vnsel vm1, $0x1FFF, v3;
	vm1 =	vgt.s32 v1, $0x0;
	vm2 =	vlt.s32 v7, $0x1FFF;
	v14, _, _ =	vpop (xrf0);
	(xrf0) =	vadd.scan.msk.s32 $0xffff, v10  }
0x162: {  	v3 =	vsel vm1, v3, v41;
	v7 =	vnsel vm2, $0x1FFF, v7;
	v1 =	vadd.s32 v13, v14  }
0x163: {  	vm2 =	vgt.s32 v2, $0x0;
	vm1 =	vlt.s32 v9, $0x1FFF;
	v2 =	vbroadcast v1, $0xF  }
0x164: {  	v9 =	vnsel vm1, $0x1FFF, v9;
	vm1 =	vgt.s32 v4, $0x0;
	v13, _, _ =	vpop (xrf0);
	(xrf0) =	vadd.scan.msk.s32 $0xffff, v12  }
0x165: {  	v4 =	vsel vm1, v9, v43;
	vm1 =	vlt.s32 v11, $0x1FFF;
	v2 =	vadd.s32 v2, v13  }
0x166: {  	v11 =	vnsel vm1, $0x1FFF, v11;
	vm1 =	vgt.s32 v5, $0x0;
	v14 =	vbroadcast v2, $0xF  }
0x167: {  	[tilespmem:$0x680] =	vst v3;
	v7 =	vsel vm2, v7, v42;
	v3 =	vsel vm1, v11, v44;
	v13, _, _ =	vpop (xrf0)  }
0x168: {  	vm1 =	vgt.s32 v6, $0x0;
	vm2 =	vlt.s32 v1, $0x1FFF;
	v5 =	vadd.s32 v14, v13  }
0x169: {  	[tilespmem:$0x690] =	vst v7;
	v1 =	vnsel vm2, $0x1FFF, v1;
	vm2 =	vlt.s32 v2, $0x1FFF;
	v14 =	vbroadcast v5, $0xF  }
0x16a: {  	[tilespmem:$0x6A0] =	vst v4;
	v1 =	vsel vm1, v1, v45;
	vm1 =	vgt.s32 v8, $0x0;
	v2 =	vnsel vm2, $0x1FFF, v2;
	v9, _, _ =	vpop (xrf0)  }
0x16b: {  	[tilespmem:$0x6B0] =	vst v3;
	v2 =	vsel vm1, v2, v46;
	vm1 =	vlt.s32 v5, $0x1FFF;
	v3 =	vadd.s32 v14, v9  }
0x16c: {  	[tilespmem:$0x6C0] =	vst v1;
	v1 =	vnsel vm1, $0x1FFF, v5;
	vm1 =	vgt.s32 v10, $0x0;
	vm2 =	vlt.s32 v3, $0x1FFF  }
0x16d: {  	[tilespmem:$0x6D0] =	vst v2;
	v1 =	vsel vm1, v1, v47;
	vm1 =	vgt.s32 v12, $0x0;
	v2 =	vnsel vm2, $0x1FFF, v3  }
0x16e: {  	[tilespmem:$0x6E0] =	vst v1;
	v1 =	vsel vm1, v2, v48  }
0x16f: {  	s31 =	simm.s32 $0x680;
	[tilespmem:$0x6F0] =	vst v1  }
0x170: {  	[tilespmem:s1], [sflag:$0x2] =	stream.indirect.gather [hbm4b:s4+s19], $0x40, s31, s19, $0xb8;
	[tilespmem:$0x10920] =	vst v63  }
0x171: {  	v1 =	vld [tilespmem:$0x300];
	_ =	sdelay $0x2  }
0x172: {  	v2 =	vld [tilespmem:$0x310];
	_ =	sdelay $0x1  }
0x173: {  	(xrf0) =	vadd.scan.msk.s32 $0xffff, v1  }
0x174: {  	v4 =	vld [tilespmem:$0x320];
	_ =	sdelay $0x1  }
0x175: {  	(xrf0) =	vadd.scan.msk.s32 $0xffff, v2  }
0x176: {  	v5 =	vld [tilespmem:$0x330]  }
0x177: {  	v3 =	vbroadcast v3, $0xF  }
0x178: {  	v11, _, _ =	vpop (xrf0);
	(xrf0) =	vadd.scan.msk.s32 $0xffff, v4  }
0x179: {  	v6 =	vld [tilespmem:$0x340];
	v3 =	vadd.s32 v3, v11  }
0x17a: {  	v12 =	vbroadcast v3, $0xF  }
0x17b: {  	v13, _, _ =	vpop (xrf0);
	(xrf0) =	vadd.scan.msk.s32 $0xffff, v5  }
0x17c: {  	v8 =	vld [tilespmem:$0x350];
	v7 =	vadd.s32 v12, v13  }
0x17d: {  	v14 =	vbroadcast v7, $0xF  }
0x17e: {  	v12, _, _ =	vpop (xrf0);
	(xrf0) =	vadd.scan.msk.s32 $0xffff, v6  }
0x17f: {  	v10 =	vld [tilespmem:$0x360];
	v9 =	vadd.s32 v14, v12  }
0x180: {  	v11 =	vbroadcast v9, $0xF  }
0x181: {  	v12, _, _ =	vpop (xrf0);
	(xrf0) =	vadd.scan.msk.s32 $0xffff, v8  }
0x182: {  	v11 =	vadd.s32 v11, v12;
	v12 =	vld [tilespmem:$0x370]  }
0x183: {  	vm1 =	vlt.s32 v3, $0x1FFF;
	v13 =	vbroadcast v11, $0xF  }
0x184: {  	v3 =	vnsel vm1, $0x1FFF, v3;
	vm1 =	vgt.s32 v1, $0x0;
	vm2 =	vlt.s32 v7, $0x1FFF;
	v14, _, _ =	vpop (xrf0);
	(xrf0) =	vadd.scan.msk.s32 $0xffff, v10  }
0x185: {  	v3 =	vsel vm1, v3, v49;
	v7 =	vnsel vm2, $0x1FFF, v7;
	v1 =	vadd.s32 v13, v14  }
0x186: {  	vm2 =	vgt.s32 v2, $0x0;
	vm1 =	vlt.s32 v9, $0x1FFF;
	v2 =	vbroadcast v1, $0xF  }
0x187: {  	v9 =	vnsel vm1, $0x1FFF, v9;
	vm1 =	vgt.s32 v4, $0x0;
	v13, _, _ =	vpop (xrf0);
	(xrf0) =	vadd.scan.msk.s32 $0xffff, v12  }
0x188: {  	v4 =	vsel vm1, v9, v51;
	vm1 =	vlt.s32 v11, $0x1FFF;
	v2 =	vadd.s32 v2, v13  }
0x189: {  	v11 =	vnsel vm1, $0x1FFF, v11;
	vm1 =	vgt.s32 v5, $0x0;
	v13 =	vbroadcast v2, $0xF  }
0x18a: {  	[tilespmem:$0x700] =	vst v3;
	v7 =	vsel vm2, v7, v50;
	v3 =	vsel vm1, v11, v52;
	v14, _, _ =	vpop (xrf0)  }
0x18b: {  	vm1 =	vgt.s32 v6, $0x0;
	vm2 =	vlt.s32 v1, $0x1FFF;
	v5 =	vadd.s32 v13, v14  }
0x18c: {  	[tilespmem:$0x710] =	vst v7;
	v1 =	vnsel vm2, $0x1FFF, v1;
	vm2 =	vlt.s32 v2, $0x1FFF;
	v9 =	vbroadcast v5, $0xF  }
0x18d: {  	[tilespmem:$0x720] =	vst v4;
	v1 =	vsel vm1, v1, v53;
	vm1 =	vgt.s32 v8, $0x0;
	v2 =	vnsel vm2, $0x1FFF, v2;
	v11, _, _ =	vpop (xrf0)  }
0x18e: {  	[tilespmem:$0x730] =	vst v3;
	v2 =	vsel vm1, v2, v54;
	vm1 =	vlt.s32 v5, $0x1FFF;
	v3 =	vadd.s32 v9, v11  }
0x18f: {  	[tilespmem:$0x740] =	vst v1;
	v1 =	vnsel vm1, $0x1FFF, v5;
	vm1 =	vgt.s32 v10, $0x0;
	vm2 =	vlt.s32 v3, $0x1FFF  }
0x190: {  	[tilespmem:$0x750] =	vst v2;
	v1 =	vsel vm1, v1, v55;
	vm1 =	vgt.s32 v12, $0x0;
	v2 =	vnsel vm2, $0x1FFF, v3  }
0x191: {  	[tilespmem:$0x760] =	vst v1;
	v1 =	vsel vm1, v2, v56  }
0x192: {  	s31 =	simm.s32 $0x700;
	[tilespmem:$0x770] =	vst v1  }
0x193: {  	[tilespmem:s2], [sflag:$0x2] =	stream.indirect.gather [hbm4b:s4+s19], $0x40, s31, s19, $0xb8;
	[tilespmem:$0x10920] =	vst v63  }
0x194: {  	v1 =	vld [tilespmem:$0x380];
	_ =	sdelay $0x2  }
0x195: {  	v2 =	vld [tilespmem:$0x390];
	_ =	sdelay $0x1  }
0x196: {  	(xrf0) =	vadd.scan.msk.s32 $0xffff, v1  }
0x197: {  	v4 =	vld [tilespmem:$0x3A0];
	_ =	sdelay $0x1  }
0x198: {  	(xrf0) =	vadd.scan.msk.s32 $0xffff, v2  }
0x199: {  	v5 =	vld [tilespmem:$0x3B0]  }
0x19a: {  	v3 =	vbroadcast v3, $0xF  }
0x19b: {  	v13, _, _ =	vpop (xrf0);
	(xrf0) =	vadd.scan.msk.s32 $0xffff, v4  }
0x19c: {  	v6 =	vld [tilespmem:$0x3C0];
	v3 =	vadd.s32 v3, v13  }
0x19d: {  	v14 =	vbroadcast v3, $0xF  }
0x19e: {  	v12, _, _ =	vpop (xrf0);
	(xrf0) =	vadd.scan.msk.s32 $0xffff, v5  }
0x19f: {  	v8 =	vld [tilespmem:$0x3D0];
	v7 =	vadd.s32 v14, v12  }
0x1a0: {  	v13 =	vbroadcast v7, $0xF  }
0x1a1: {  	v14, _, _ =	vpop (xrf0);
	(xrf0) =	vadd.scan.msk.s32 $0xffff, v6  }
0x1a2: {  	v10 =	vld [tilespmem:$0x3E0];
	v9 =	vadd.s32 v13, v14  }
0x1a3: {  	v11 =	vbroadcast v9, $0xF  }
0x1a4: {  	v12, _, _ =	vpop (xrf0);
	(xrf0) =	vadd.scan.msk.s32 $0xffff, v8  }
0x1a5: {  	v11 =	vadd.s32 v11, v12;
	v12 =	vld [tilespmem:$0x3F0]  }
0x1a6: {  	v13 =	vbroadcast v11, $0xF  }
0x1a7: {  	v14, _, _ =	vpop (xrf0);
	(xrf0) =	vadd.scan.msk.s32 $0xffff, v10  }
0x1a8: {  	v13 =	vadd.s32 v13, v14  }
0x1a9: {  	v14 =	vbroadcast v13, $0xF  }
0x1aa: {  	v15, _, _ =	vpop (xrf0);
	(xrf0) =	vadd.scan.msk.s32 $0xffff, v12  }
0x1ab: {  	vm1 =	vgt.s32 v1, $0x0;
	vm2 =	vgt.s32 v2, $0x0;
	v14 =	vadd.s32 v14, v15  }
0x1ac: {  	vm3 =	vgt.s32 v4, $0x0;
	vm4 =	vgt.s32 v5, $0x0;
	v15 =	vbroadcast v14, $0xF  }
0x1ad: {  	vm5 =	vgt.s32 v6, $0x0;
	vm6 =	vgt.s32 v8, $0x0;
	vm7 =	vlt.s32 v3, $0x1FFF;
	v1, _, _ =	vpop (xrf0)  }
0x1ae: {  	v3 =	vnsel vm7, $0x1FFF, v3;
	vm15 =	vlt.s32 v7, $0x1FFF;
	v1 =	vadd.s32 v15, v1  }
0x1af: {  	v3 =	vsel vm1, v3, v57;
	v8 =	vnsel vm15, $0x1FFF, v7;
	v2 =	vbroadcast v1, $0xF  }
0x1b0: {  	vm8 =	vgt.s32 v10, $0x0;
	[tilespmem:$0x780] =	vst v3;
	vm1 =	vlt.s32 v9, $0x1FFF;
	v3 =	vsel vm2, v8, v58;
	v10, _, _ =	vpop (xrf0)  }
0x1b1: {  	v2 =	vadd.s32 v2, v10;
	v10 =	vnsel vm1, $0x1FFF, v9;
	vm1 =	vlt.s32 v11, $0x1FFF  }
0x1b2: {  	[tilespmem:$0x790] =	vst v3;
	v3 =	vsel vm3, v10, v59;
	v11 =	vnsel vm1, $0x1FFF, v11;
	vm1 =	vlt.s32 v13, $0x1FFF  }
0x1b3: {  	[tilespmem:$0x7A0] =	vst v3;
	v3 =	vsel vm4, v11, v60;
	v13 =	vnsel vm1, $0x1FFF, v13;
	vm1 =	vlt.s32 v14, $0x1FFF  }
0x1b4: {  	[tilespmem:$0x7B0] =	vst v3;
	v3 =	vsel vm5, v13, v61;
	v14 =	vnsel vm1, $0x1FFF, v14;
	vm1 =	vlt.s32 v1, $0x1FFF  }
0x1b5: {  	[tilespmem:$0x7C0] =	vst v3;
	v3 =	vsel vm6, v14, v62;
	v1 =	vnsel vm1, $0x1FFF, v1;
	vm1 =	vlt.s32 v2, $0x1FFF  }
0x1b6: {  	vm2 =	vgt.s32 v12, $0x0;
	[tilespmem:$0x7D0] =	vst v3;
	v1 =	vsel vm8, v1, v63;
	v2 =	vnsel vm1, $0x1FFF, v2  }
0x1b7: {  	[tilespmem:$0x7E0] =	vst v1;
	v1 =	vsel vm2, v2, v0  }
0x1b8: {  	[tilespmem:$0x7F0] =	vst v1  }
0x1b9: {  	[tilespmem:s20], [sflag:$0x2] =	stream.indirect.gather [hbm4b:s4+s19], $0x40, s17, s19, $0xb8;
	[tilespmem:$0x10920] =	vst v63  }
0x1ba: {  	_ =	swait.ge [sflag:s22], $0x2000  }
0x1bb: {  	[sflag:s22] =	ssyncset.done $0x0  }
0x1bc: {  	[sflag:s22] =	ssyncadd.s32 $0xFFFFE000  }
0x1bd: {  	_ =	swait.ge [sflag:s22], $0x2000  }
0x1be: {  	[sflag:s22] =	ssyncset.done $0x0  }
0x1bf: {  	[sflag:s22] =	ssyncadd.s32 $0xFFFFE000  }
0x1c0: {  	_ =	swait.ge [sflag:s22], $0x2000  }
0x1c1: {  	[sflag:s22] =	ssyncset.done $0x0  }
0x1c2: {  	[sflag:s22] =	ssyncadd.s32 $0xFFFFE000  }
0x1c3: {  	_ =	swait.ge [sflag:s22], $0x2000  }
0x1c4: {  	[sflag:s22] =	ssyncset.done $0x0  }
0x1c5: {  	[sflag:s22] =	ssyncadd.s32 $0xFFFFE000  }
0x1c6: {  	[hbm4b:s6+s3] =	stream.linear.scatter [tilespmem:s21], [sflag:$0x3], $0x2000, $0x38;
	[tilespmem:$0x10920] =	vst v63  }
0x1c7: {  	_ = 	snop  }
0x1c8: {  	[hbm4b:s8+s3] =	stream.linear.scatter [tilespmem:s23], [sflag:$0x3], $0x2000, $0x38;
	[tilespmem:$0x10920] =	vst v63  }
0x1c9: {  	_ = 	snop  }
0x1ca: {  	[hbm4b:s9+s3] =	stream.linear.scatter [tilespmem:s25], [sflag:$0x3], $0x2000, $0x38;
	[tilespmem:$0x10920] =	vst v63  }
0x1cb: {  	_ = 	snop  }
0x1cc: {  	[hbm4b:s10+s3] =	stream.linear.scatter [tilespmem:s28], [sflag:$0x3], $0x2000, $0x38;
	[tilespmem:$0x10920] =	vst v63  }
0x1cd: {  	_ =	swait.ge [sflag:s24], $0x2000  }
0x1ce: {  	[sflag:s24] =	ssyncset.done $0x0  }
0x1cf: {  	[sflag:s24] =	ssyncadd.s32 $0xFFFFE000  }
0x1d0: {  	_ =	swait.ge [sflag:s24], $0x2000  }
0x1d1: {  	[sflag:s24] =	ssyncset.done $0x0  }
0x1d2: {  	[sflag:s24] =	ssyncadd.s32 $0xFFFFE000  }
0x1d3: {  	_ =	swait.ge [sflag:s24], $0x2000  }
0x1d4: {  	[sflag:s24] =	ssyncset.done $0x0  }
0x1d5: {  	[sflag:s24] =	ssyncadd.s32 $0xFFFFE000  }
0x1d6: {  	_ =	swait.ge [sflag:s24], $0x2000  }
0x1d7: {  	[sflag:s24] =	ssyncset.done $0x0  }
0x1d8: {  	[sflag:s24] =	ssyncadd.s32 $0xFFFFE000  }
0x1d9: {  	[hbm4b:s11+s3] =	stream.linear.scatter [tilespmem:s30], [sflag:$0x3], $0x2000, $0x38;
	[tilespmem:$0x10920] =	vst v63  }
0x1da: {  	_ = 	snop  }
0x1db: {  	[hbm4b:s12+s3] =	stream.linear.scatter [tilespmem:s1], [sflag:$0x3], $0x2000, $0x38;
	[tilespmem:$0x10920] =	vst v63  }
0x1dc: {  	_ = 	snop  }
0x1dd: {  	[hbm4b:s13+s3] =	stream.linear.scatter [tilespmem:s2], [sflag:$0x3], $0x2000, $0x38;
	[tilespmem:$0x10920] =	vst v63  }
0x1de: {  	_ = 	snop  }
0x1df: {  	[hbm4b:s14+s3] =	stream.linear.scatter [tilespmem:s20], [sflag:$0x3], $0x2000, $0x38;
	[tilespmem:$0x10920] =	vst v63  }
0x1e0: {  	_ =	swait.ge [sflag:s26], $0x2000  }
0x1e1: {  	[sflag:s26] =	ssyncset.done $0x0  }
0x1e2: {  	[sflag:s26] =	ssyncadd.s32 $0xFFFFE000  }
0x1e3: {  	_ =	swait.ge [sflag:s26], $0x2000  }
0x1e4: {  	[sflag:s26] =	ssyncset.done $0x0  }
0x1e5: {  	[sflag:s26] =	ssyncadd.s32 $0xFFFFE000  }
0x1e6: {  	_ =	swait.ge [sflag:s26], $0x2000  }
0x1e7: {  	[sflag:s26] =	ssyncset.done $0x0  }
0x1e8: {  	[sflag:s26] =	ssyncadd.s32 $0xFFFFE000  }
0x1e9: {  	_ =	swait.ge [sflag:s26], $0x2000  }
0x1ea: {  	[sflag:s26] =	ssyncset.done $0x0  }
0x1eb: {  	[sflag:s26] =	ssyncadd.s32 $0xFFFFE000  }
0x1ec: {  	_ =	swait.ge [sflag:s26], $0x2000  }
0x1ed: {  	[sflag:s26] =	ssyncset.done $0x0  }
0x1ee: {  	[sflag:s26] =	ssyncadd.s32 $0xFFFFE000  }
0x1ef: {  	_ =	swait.ge [sflag:s26], $0x2000  }
0x1f0: {  	[sflag:s26] =	ssyncset.done $0x0  }
0x1f1: {  	s29 =	sadd.s32 $0x1, s29;
	[sflag:s26] =	ssyncadd.s32 $0xFFFFE000  }
0x1f2: {  	p0 =	sne.s32 s29, s15;
	_ =	swait.ge [sflag:s26], $0x2000  }
.Ltmp1:
0x1f3: {  	[sflag:s26] =	ssyncset.done $0x0;
	(pc) =	sbr.rel @p0 .LBB2_1-.Ltmp1, $4  }
0x1f4: {  	[sflag:s26] =	ssyncadd.s32 $0xFFFFE000  }
0x1f5: {  	_ =	swait.ge [sflag:s26], $0x2000  }
0x1f6: {  	[sflag:s26] =	ssyncset.done $0x0  }
0x1f7: {  	[sflag:s26] =	ssyncadd.s32 $0xFFFFE000  }
0x1f8: {  	_ =	sfence.sel $0x180000  }
0x1f9: {  	[bflag:$0x0] =	sbarrier.arrive $0xFFFF  }
0x1fa: {  	_ =	strace $0x90000047  }
0x1fb: {  	s0 =	stileid.u32;
	[bflag:$0x2] =	sbarrier.arrive $0xFFFF  }
0x1fc: {  	p0 =	sne.s32 s0, $0x0;
	s0 =	rddreg [dreg:$0x3]  }
0x1fd: {  	s0 =	sadd.s32 @!p0 $0x100000, s0  }
0x1fe: {  	[sflag:s0] =	ssyncadd.tile.s32 @!p0 $0x1;
	_ =	shalt  }
.Lfunc_end2:
_tile_overlayer_lowered:
.L_overlay_start_2:
0x1ff: {  	(tag) =	ssettag $0x2  }
0x200: {  	s0 =	rddreg [dreg:$0x0];
	s2 =	stileid.u32  }
0x201: {  	s1 =	rddreg [dreg:$0x1];
	p0 =	sne.s32 s2, $0x0  }
0x202: {  	s3 =	rddreg [dreg:$0x2];
	[bflag:$0x3] =	sbarrier.arrive $0xFFFF;
	s2 =	simm.s32 @!p0 $0x1C04  }
0x203: {  	[timem:s3], [sflag:s2] =	dma.local @!p0 [hbm:s0], s1  }
0x204: {  	s0 =	simm.s32 @!p0 $0x4  }
0x205: {  	_ =	swait.ge @!p0 [sflag:s0], s1  }
0x206: {  	s1 =	ssub.s32 @!p0 $0x0, s1;
	[sflag:s0] =	ssyncset.done @!p0 $0x0  }
0x207: {  	[sflag:s0] =	ssyncadd.s32 @!p0 s1  }
0x208: {  	[bflag:$0x3] =	sbarrier.arrive $0xFFFF  }
0x209: {  	_ =	shalt  }

</sc_bundles>
